<compile_context>
chip_gen: v7x
topology: tpu7x:2x2x1
jax: 0.10.2.dev20260603
libtpu: 0.0.44.dev20260713+nightly
codegen_flags: <defaults>
</compile_context>

<pallas_src>
import functools

import jax
import jax.numpy as jnp
from jax import lax
from jax.experimental import pallas as pl
from jax.experimental.pallas import tpu as pltpu
from jax.experimental.pallas import tpu_sc as plsc

_D = 4 * 64 * 64
_B = 1024
_CHUNKS = (8192, 8192)
_NC = 2
_NS = 16
_NW = _NC * _NS
_BPW = _B // _NW
_CH = 4
_NCH = _BPW // _CH
_DBLK = 2048

_mesh = plsc.VectorSubcoreMesh(core_axis_name="c", subcore_axis_name="s")


def _make_chunk_kernel(d0, dc):
    @functools.partial(
        pl.kernel,
        mesh=_mesh,
        out_type=jax.ShapeDtypeStruct((_B, dc), jnp.float32),
        scratch_types=[
            pltpu.VMEM((_NCH, _CH), jnp.int32),
            pltpu.VMEM((2, _CH, dc), jnp.float32),
            pltpu.SemaphoreType.DMA,
            pltpu.SemaphoreType.DMA,
            pltpu.SemaphoreType.DMA,
            pltpu.SemaphoreType.DMA,
        ],
    )
    def _emb_gather(idx_hbm, table_hbm, out_hbm, idx_v, rows_v,
                    s_in0, s_in1, s_out0, s_out1):
        wid = lax.axis_index("s") * _NC + lax.axis_index("c")
        base = wid * _BPW
        pltpu.sync_copy(idx_hbm.at[wid], idx_v)
        s_in = (s_in0, s_in1)
        s_out = (s_out0, s_out1)

        def gather(c):
            b = c % 2
            return pltpu.make_async_copy(
                table_hbm.at[idx_v.at[c], pl.ds(d0, dc)], rows_v.at[b], s_in[b])

        def put(c):
            b = c % 2
            return pltpu.make_async_copy(
                rows_v.at[b], out_hbm.at[pl.ds(base + c * _CH, _CH)], s_out[b])

        gather(0).start()
        if _NCH > 1:
            gather(1).start()
        for c in range(_NCH):
            gather(c).wait()
            put(c).start()
            if c + 2 < _NCH:
                put(c).wait()
                gather(c + 2).start()
        if _NCH > 1:
            put(_NCH - 2).wait()
        put(_NCH - 1).wait()

    return _emb_gather


def _tp_body_first(chunk_ref, out_ref):
    out_ref[...] = chunk_ref[...].T


def _tp_body(chunk_ref, _buf_ref, out_ref):
    out_ref[...] = chunk_ref[...].T


def _make_transpose(d0, dc, aliased):
    grid = dc // _DBLK
    blk0 = d0 // _DBLK
    in_specs = [pl.BlockSpec((_B, _DBLK), lambda i: (0, i))]
    if aliased:
        in_specs.append(pl.BlockSpec(memory_space=pl.ANY))
    out_spec = pl.BlockSpec((_DBLK, _B), lambda i: (blk0 + i, 0))
    return pl.pallas_call(
        _tp_body if aliased else _tp_body_first,
        grid=(grid,),
        in_specs=in_specs,
        out_specs=out_spec,
        out_shape=jax.ShapeDtypeStruct((_D, _B), jnp.float32),
        input_output_aliases={1: 0} if aliased else {},
    )


_offsets = [sum(_CHUNKS[:k]) for k in range(len(_CHUNKS))]
_chunk_kernels = [_make_chunk_kernel(_offsets[k], _CHUNKS[k])
                  for k in range(len(_CHUNKS))]
_transpose_kernels = [_make_transpose(_offsets[k], _CHUNKS[k], aliased=(k > 0))
                      for k in range(len(_CHUNKS))]


def kernel(x, table):
    idx = x.astype(jnp.int32).reshape(_NW, _NCH, _CH)
    buf = None
    for k in range(len(_CHUNKS)):
        ok = _chunk_kernels[k](idx, table)
        buf = _transpose_kernels[k](ok) if k == 0 else _transpose_kernels[k](ok, buf)
    out_t = buf.reshape(4, 64, 64, _B)
    return out_t.transpose(3, 0, 1, 2)

# --- scband reference (transcript-rebuilt; emitter-appended) ---
"""Pipeline reference for scband-time-embedding-39307540693095 (READ-ONLY COPY).

The authoritative reference and input builder live on the scoring server;
editing this copy changes nothing except your own understanding.
"""

import jax, jax.numpy as jnp
import numpy as np

STEPS = 1000
CHANNELS = 4
IMG_SIZE = 64
BATCH = 1024

def setup_inputs(seed: int = 0) -> dict:
    key = jax.random.key(seed)
    k_idx, k_tab = jax.random.split(key)
    x = jax.random.randint(k_idx, (BATCH,), 0, STEPS, dtype=jnp.int64 if jax.config.jax_enable_x64 else jnp.int32)
    table = jax.random.normal(k_tab, (STEPS, CHANNELS * IMG_SIZE * IMG_SIZE), dtype=jnp.float32)
    return {"x": x, "table": table}

def reference(x, table):
    # nn.Embedding lookup: gather rows of the table by timestep index
    emb = jnp.take(table, x, axis=0)  # [B, C*H*W]
    out = emb.reshape(emb.shape[0], CHANNELS, IMG_SIZE, IMG_SIZE)
    return out

if __name__ == "__main__":
    import jax
    _d = setup_inputs()
    print(jax.jit(kernel)(*tuple(_d.values())))

</pallas_src>

<mosaic_0001>
#map = affine_map<(d0, d1) -> (0, 0, 0)>
#map1 = affine_map<(d0, d1) -> (0, 0)>
module attributes {stable_mosaic.version = 14 : i64} {
  func.func @_emb_gather(%arg0: i32, %arg1: i32, %arg2: memref<32x8x4xi32, #tpu.memory_space<hbm>>, %arg3: memref<1000x16384xf32, #tpu.memory_space<hbm>>, %arg4: memref<1024x8192xf32, #tpu.memory_space<hbm>>, %arg5: memref<8x4xi32, #tpu.memory_space<vmem>>, %arg6: memref<2x4x8192xf32, #tpu.memory_space<vmem>>, %arg7: memref<!tpu.dma_semaphore, #tpu.memory_space<semaphore_mem>>, %arg8: memref<!tpu.dma_semaphore, #tpu.memory_space<semaphore_mem>>, %arg9: memref<!tpu.dma_semaphore, #tpu.memory_space<semaphore_mem>>, %arg10: memref<!tpu.dma_semaphore, #tpu.memory_space<semaphore_mem>>) attributes {dimension_semantics = [#tpu.dimension_semantics<core_parallel>, #tpu.dimension_semantics<subcore_parallel>], iteration_bounds = array<i64: 2, 16>, scalar_prefetch = 0 : i64, scratch_operands = 6 : i64, tpu.core_type = #tpu.core_type<sc_vector_subcore>, window_params = [{transform_indices = #map}, {transform_indices = #map1}, {transform_indices = #map1}]} {
    %mul3A = arith.constant 2 : i32
    %mul3A_0 = arith.muli %arg1, %mul3A : i32
    %add3A = arith.addi %mul3A_0, %arg0 : i32
    %mul3A_1 = arith.constant 32 : i32
    %mul3A_2 = arith.muli %add3A, %mul3A_1 : i32
    "tpu.region"() ({
      %run_scoped3A = tpu.sem_alloc : memref<!tpu.dma_semaphore, #tpu.memory_space<semaphore_mem>>
      %dma_start3A_433 = arith.constant 0 : i32
      %dma_start3A_434 = arith.constant 0 : i32
      %dma_start3A_435 = tpu.memref_slice %arg2[%add3A, %dma_start3A_433, %dma_start3A_434] : memref<32x8x4xi32, #tpu.memory_space<hbm>> -> memref<1x8x4xi32, #tpu.memory_space<hbm>>
      %dma_start3A_436 = tpu.memref_squeeze %dma_start3A_435 : memref<1x8x4xi32, #tpu.memory_space<hbm>> -> memref<8x4xi32, #tpu.memory_space<hbm>>
      %dma_start3A_437 = arith.constant 0 : i32
      %dma_start3A_438 = arith.constant 0 : i32
      %dma_start3A_439 = tpu.memref_slice %arg2[%add3A, %dma_start3A_437, %dma_start3A_438] : memref<32x8x4xi32, #tpu.memory_space<hbm>> -> memref<1x8x4xi32, #tpu.memory_space<hbm>>
      %dma_start3A_440 = tpu.memref_squeeze %dma_start3A_439 : memref<1x8x4xi32, #tpu.memory_space<hbm>> -> memref<8x4xi32, #tpu.memory_space<hbm>>
      tpu.enqueue_dma source(%dma_start3A_440 : memref<8x4xi32, #tpu.memory_space<hbm>>) target(%arg5 : memref<8x4xi32, #tpu.memory_space<vmem>>) target_semaphore(%run_scoped3A : memref<!tpu.dma_semaphore, #tpu.memory_space<semaphore_mem>>)
      %dma_wait3A_441 = arith.constant 0 : i32
      %dma_wait3A_442 = arith.constant 0 : i32
      %dma_wait3A_443 = tpu.memref_slice %arg2[%add3A, %dma_wait3A_441, %dma_wait3A_442] : memref<32x8x4xi32, #tpu.memory_space<hbm>> -> memref<1x8x4xi32, #tpu.memory_space<hbm>>
      %dma_wait3A_444 = tpu.memref_squeeze %dma_wait3A_443 : memref<1x8x4xi32, #tpu.memory_space<hbm>> -> memref<8x4xi32, #tpu.memory_space<hbm>>
      %dma_wait3A_445 = arith.constant 0 : i32
      %dma_wait3A_446 = arith.constant 0 : i32
      %dma_wait3A_447 = tpu.memref_slice %arg2[%add3A, %dma_wait3A_445, %dma_wait3A_446] : memref<32x8x4xi32, #tpu.memory_space<hbm>> -> memref<1x8x4xi32, #tpu.memory_space<hbm>>
      %dma_wait3A_448 = tpu.memref_squeeze %dma_wait3A_447 : memref<1x8x4xi32, #tpu.memory_space<hbm>> -> memref<8x4xi32, #tpu.memory_space<hbm>>
      tpu.wait_dma2 semaphore(%run_scoped3A : memref<!tpu.dma_semaphore, #tpu.memory_space<semaphore_mem>>) src(%dma_wait3A_448 : memref<8x4xi32, #tpu.memory_space<hbm>>) dst(%arg5 : memref<8x4xi32, #tpu.memory_space<vmem>>)
      tpu.yield
    }) : () -> ()
    %dma_start3A = arith.constant 0 : i32
    %dma_start3A_3 = arith.constant 0 : i32
    %dma_start3A_4 = arith.constant 0 : i32
    %dma_start3A_5 = arith.constant 0 : i32
    %dma_start3A_6 = tpu.memref_slice %arg6[%dma_start3A_3, %dma_start3A_4, %dma_start3A_5] : memref<2x4x8192xf32, #tpu.memory_space<vmem>> -> memref<1x4x8192xf32, #tpu.memory_space<vmem>>
    %dma_start3A_7 = tpu.memref_squeeze %dma_start3A_6 : memref<1x4x8192xf32, #tpu.memory_space<vmem>> -> memref<4x8192xf32, #tpu.memory_space<vmem>>
    %dma_start3A_8 = arith.constant 0 : i32
    %dma_start3A_9 = tpu.memref_slice %arg5[%dma_start3A, %dma_start3A_8] : memref<8x4xi32, #tpu.memory_space<vmem>> -> memref<1x4xi32, #tpu.memory_space<vmem>>
    %dma_start3A_10 = tpu.memref_squeeze %dma_start3A_9 : memref<1x4xi32, #tpu.memory_space<vmem>> -> memref<4xi32, #tpu.memory_space<vmem>>
    %dma_start3A_11 = arith.constant 0 : i32
    %dma_start3A_12 = arith.constant 0 : i32
    %dma_start3A_13 = tpu.memref_slice %arg3[%dma_start3A_11, %dma_start3A_12] : memref<1000x16384xf32, #tpu.memory_space<hbm>> -> memref<1000x8192xf32, #tpu.memory_space<hbm>>
    tpu.enqueue_indirect_dma source(%dma_start3A_13 : memref<1000x8192xf32, #tpu.memory_space<hbm>>) target(%dma_start3A_7 : memref<4x8192xf32, #tpu.memory_space<vmem>>) offsets(%dma_start3A_10 : memref<4xi32, #tpu.memory_space<vmem>>) semaphore(%arg7 : memref<!tpu.dma_semaphore, #tpu.memory_space<semaphore_mem>>)
    %dma_start3A_14 = arith.constant 1 : i32
    %dma_start3A_15 = arith.constant 1 : i32
    %dma_start3A_16 = arith.constant 0 : i32
    %dma_start3A_17 = arith.constant 0 : i32
    %dma_start3A_18 = tpu.memref_slice %arg6[%dma_start3A_15, %dma_start3A_16, %dma_start3A_17] : memref<2x4x8192xf32, #tpu.memory_space<vmem>> -> memref<1x4x8192xf32, #tpu.memory_space<vmem>>
    %dma_start3A_19 = tpu.memref_squeeze %dma_start3A_18 : memref<1x4x8192xf32, #tpu.memory_space<vmem>> -> memref<4x8192xf32, #tpu.memory_space<vmem>>
    %dma_start3A_20 = arith.constant 0 : i32
    %dma_start3A_21 = tpu.memref_slice %arg5[%dma_start3A_14, %dma_start3A_20] : memref<8x4xi32, #tpu.memory_space<vmem>> -> memref<1x4xi32, #tpu.memory_space<vmem>>
    %dma_start3A_22 = tpu.memref_squeeze %dma_start3A_21 : memref<1x4xi32, #tpu.memory_space<vmem>> -> memref<4xi32, #tpu.memory_space<vmem>>
    %dma_start3A_23 = arith.constant 0 : i32
    %dma_start3A_24 = arith.constant 0 : i32
    %dma_start3A_25 = tpu.memref_slice %arg3[%dma_start3A_23, %dma_start3A_24] : memref<1000x16384xf32, #tpu.memory_space<hbm>> -> memref<1000x8192xf32, #tpu.memory_space<hbm>>
    tpu.enqueue_indirect_dma source(%dma_start3A_25 : memref<1000x8192xf32, #tpu.memory_space<hbm>>) target(%dma_start3A_19 : memref<4x8192xf32, #tpu.memory_space<vmem>>) offsets(%dma_start3A_22 : memref<4xi32, #tpu.memory_space<vmem>>) semaphore(%arg8 : memref<!tpu.dma_semaphore, #tpu.memory_space<semaphore_mem>>)
    %dma_wait3A = arith.constant 0 : i32
    %dma_wait3A_26 = arith.constant 0 : i32
    %dma_wait3A_27 = arith.constant 0 : i32
    %dma_wait3A_28 = arith.constant 0 : i32
    %dma_wait3A_29 = tpu.memref_slice %arg6[%dma_wait3A_26, %dma_wait3A_27, %dma_wait3A_28] : memref<2x4x8192xf32, #tpu.memory_space<vmem>> -> memref<1x4x8192xf32, #tpu.memory_space<vmem>>
    %dma_wait3A_30 = tpu.memref_squeeze %dma_wait3A_29 : memref<1x4x8192xf32, #tpu.memory_space<vmem>> -> memref<4x8192xf32, #tpu.memory_space<vmem>>
    %dma_wait3A_31 = arith.constant 0 : i32
    %dma_wait3A_32 = tpu.memref_slice %arg5[%dma_wait3A, %dma_wait3A_31] : memref<8x4xi32, #tpu.memory_space<vmem>> -> memref<1x4xi32, #tpu.memory_space<vmem>>
    %dma_wait3A_33 = tpu.memref_squeeze %dma_wait3A_32 : memref<1x4xi32, #tpu.memory_space<vmem>> -> memref<4xi32, #tpu.memory_space<vmem>>
    %dma_wait3A_34 = arith.constant 0 : i32
    %dma_wait3A_35 = arith.constant 0 : i32
    %dma_wait3A_36 = tpu.memref_slice %arg3[%dma_wait3A_34, %dma_wait3A_35] : memref<1000x16384xf32, #tpu.memory_space<hbm>> -> memref<1000x8192xf32, #tpu.memory_space<hbm>>
    tpu.wait_indirect_dma semaphore(%arg7 : memref<!tpu.dma_semaphore, #tpu.memory_space<semaphore_mem>>) src(%dma_wait3A_36 : memref<1000x8192xf32, #tpu.memory_space<hbm>>) dst(%dma_wait3A_30 : memref<4x8192xf32, #tpu.memory_space<vmem>>)
    %add3A_37 = arith.constant 0 : i32
    %add3A_38 = arith.addi %mul3A_2, %add3A_37 : i32
    %dma_start3A_39 = arith.constant 0 : i32
    %dma_start3A_40 = arith.constant 0 : i32
    %dma_start3A_41 = arith.constant 0 : i32
    %dma_start3A_42 = tpu.memref_slice %arg6[%dma_start3A_39, %dma_start3A_40, %dma_start3A_41] : memref<2x4x8192xf32, #tpu.memory_space<vmem>> -> memref<1x4x8192xf32, #tpu.memory_space<vmem>>
    %dma_start3A_43 = tpu.memref_squeeze %dma_start3A_42 : memref<1x4x8192xf32, #tpu.memory_space<vmem>> -> memref<4x8192xf32, #tpu.memory_space<vmem>>
    %dma_start3A_44 = arith.constant 0 : i32
    %dma_start3A_45 = tpu.memref_slice %arg4[%add3A_38, %dma_start3A_44] : memref<1024x8192xf32, #tpu.memory_space<hbm>> -> memref<4x8192xf32, #tpu.memory_space<hbm>>
    %dma_start3A_46 = arith.constant 0 : i32
    %dma_start3A_47 = tpu.memref_slice %arg4[%add3A_38, %dma_start3A_46] : memref<1024x8192xf32, #tpu.memory_space<hbm>> -> memref<4x8192xf32, #tpu.memory_space<hbm>>
    %dma_start3A_48 = arith.constant 0 : i32
    %dma_start3A_49 = arith.constant 0 : i32
    %dma_start3A_50 = tpu.memref_slice %arg6[%dma_start3A_39, %dma_start3A_48, %dma_start3A_49] : memref<2x4x8192xf32, #tpu.memory_space<vmem>> -> memref<1x4x8192xf32, #tpu.memory_space<vmem>>
    %dma_start3A_51 = tpu.memref_squeeze %dma_start3A_50 : memref<1x4x8192xf32, #tpu.memory_space<vmem>> -> memref<4x8192xf32, #tpu.memory_space<vmem>>
    tpu.enqueue_dma source(%dma_start3A_51 : memref<4x8192xf32, #tpu.memory_space<vmem>>) target(%dma_start3A_47 : memref<4x8192xf32, #tpu.memory_space<hbm>>) target_semaphore(%arg9 : memref<!tpu.dma_semaphore, #tpu.memory_space<semaphore_mem>>)
    %add3A_52 = arith.constant 0 : i32
    %add3A_53 = arith.addi %mul3A_2, %add3A_52 : i32
    %dma_wait3A_54 = arith.constant 0 : i32
    %dma_wait3A_55 = arith.constant 0 : i32
    %dma_wait3A_56 = arith.constant 0 : i32
    %dma_wait3A_57 = tpu.memref_slice %arg6[%dma_wait3A_54, %dma_wait3A_55, %dma_wait3A_56] : memref<2x4x8192xf32, #tpu.memory_space<vmem>> -> memref<1x4x8192xf32, #tpu.memory_space<vmem>>
    %dma_wait3A_58 = tpu.memref_squeeze %dma_wait3A_57 : memref<1x4x8192xf32, #tpu.memory_space<vmem>> -> memref<4x8192xf32, #tpu.memory_space<vmem>>
    %dma_wait3A_59 = arith.constant 0 : i32
    %dma_wait3A_60 = tpu.memref_slice %arg4[%add3A_53, %dma_wait3A_59] : memref<1024x8192xf32, #tpu.memory_space<hbm>> -> memref<4x8192xf32, #tpu.memory_space<hbm>>
    %dma_wait3A_61 = arith.constant 0 : i32
    %dma_wait3A_62 = tpu.memref_slice %arg4[%add3A_53, %dma_wait3A_61] : memref<1024x8192xf32, #tpu.memory_space<hbm>> -> memref<4x8192xf32, #tpu.memory_space<hbm>>
    %dma_wait3A_63 = arith.constant 0 : i32
    %dma_wait3A_64 = arith.constant 0 : i32
    %dma_wait3A_65 = tpu.memref_slice %arg6[%dma_wait3A_54, %dma_wait3A_63, %dma_wait3A_64] : memref<2x4x8192xf32, #tpu.memory_space<vmem>> -> memref<1x4x8192xf32, #tpu.memory_space<vmem>>
    %dma_wait3A_66 = tpu.memref_squeeze %dma_wait3A_65 : memref<1x4x8192xf32, #tpu.memory_space<vmem>> -> memref<4x8192xf32, #tpu.memory_space<vmem>>
    tpu.wait_dma2 semaphore(%arg9 : memref<!tpu.dma_semaphore, #tpu.memory_space<semaphore_mem>>) src(%dma_wait3A_66 : memref<4x8192xf32, #tpu.memory_space<vmem>>) dst(%dma_wait3A_62 : memref<4x8192xf32, #tpu.memory_space<hbm>>)
    %dma_start3A_67 = arith.constant 2 : i32
    %dma_start3A_68 = arith.constant 0 : i32
    %dma_start3A_69 = arith.constant 0 : i32
    %dma_start3A_70 = arith.constant 0 : i32
    %dma_start3A_71 = tpu.memref_slice %arg6[%dma_start3A_68, %dma_start3A_69, %dma_start3A_70] : memref<2x4x8192xf32, #tpu.memory_space<vmem>> -> memref<1x4x8192xf32, #tpu.memory_space<vmem>>
    %dma_start3A_72 = tpu.memref_squeeze %dma_start3A_71 : memref<1x4x8192xf32, #tpu.memory_space<vmem>> -> memref<4x8192xf32, #tpu.memory_space<vmem>>
    %dma_start3A_73 = arith.constant 0 : i32
    %dma_start3A_74 = tpu.memref_slice %arg5[%dma_start3A_67, %dma_start3A_73] : memref<8x4xi32, #tpu.memory_space<vmem>> -> memref<1x4xi32, #tpu.memory_space<vmem>>
    %dma_start3A_75 = tpu.memref_squeeze %dma_start3A_74 : memref<1x4xi32, #tpu.memory_space<vmem>> -> memref<4xi32, #tpu.memory_space<vmem>>
    %dma_start3A_76 = arith.constant 0 : i32
    %dma_start3A_77 = arith.constant 0 : i32
    %dma_start3A_78 = tpu.memref_slice %arg3[%dma_start3A_76, %dma_start3A_77] : memref<1000x16384xf32, #tpu.memory_space<hbm>> -> memref<1000x8192xf32, #tpu.memory_space<hbm>>
    tpu.enqueue_indirect_dma source(%dma_start3A_78 : memref<1000x8192xf32, #tpu.memory_space<hbm>>) target(%dma_start3A_72 : memref<4x8192xf32, #tpu.memory_space<vmem>>) offsets(%dma_start3A_75 : memref<4xi32, #tpu.memory_space<vmem>>) semaphore(%arg7 : memref<!tpu.dma_semaphore, #tpu.memory_space<semaphore_mem>>)
    %dma_wait3A_79 = arith.constant 1 : i32
    %dma_wait3A_80 = arith.constant 1 : i32
    %dma_wait3A_81 = arith.constant 0 : i32
    %dma_wait3A_82 = arith.constant 0 : i32
    %dma_wait3A_83 = tpu.memref_slice %arg6[%dma_wait3A_80, %dma_wait3A_81, %dma_wait3A_82] : memref<2x4x8192xf32, #tpu.memory_space<vmem>> -> memref<1x4x8192xf32, #tpu.memory_space<vmem>>
    %dma_wait3A_84 = tpu.memref_squeeze %dma_wait3A_83 : memref<1x4x8192xf32, #tpu.memory_space<vmem>> -> memref<4x8192xf32, #tpu.memory_space<vmem>>
    %dma_wait3A_85 = arith.constant 0 : i32
    %dma_wait3A_86 = tpu.memref_slice %arg5[%dma_wait3A_79, %dma_wait3A_85] : memref<8x4xi32, #tpu.memory_space<vmem>> -> memref<1x4xi32, #tpu.memory_space<vmem>>
    %dma_wait3A_87 = tpu.memref_squeeze %dma_wait3A_86 : memref<1x4xi32, #tpu.memory_space<vmem>> -> memref<4xi32, #tpu.memory_space<vmem>>
    %dma_wait3A_88 = arith.constant 0 : i32
    %dma_wait3A_89 = arith.constant 0 : i32
    %dma_wait3A_90 = tpu.memref_slice %arg3[%dma_wait3A_88, %dma_wait3A_89] : memref<1000x16384xf32, #tpu.memory_space<hbm>> -> memref<1000x8192xf32, #tpu.memory_space<hbm>>
    tpu.wait_indirect_dma semaphore(%arg8 : memref<!tpu.dma_semaphore, #tpu.memory_space<semaphore_mem>>) src(%dma_wait3A_90 : memref<1000x8192xf32, #tpu.memory_space<hbm>>) dst(%dma_wait3A_84 : memref<4x8192xf32, #tpu.memory_space<vmem>>)
    %add3A_91 = arith.constant 4 : i32
    %add3A_92 = arith.addi %mul3A_2, %add3A_91 : i32
    %dma_start3A_93 = arith.constant 1 : i32
    %dma_start3A_94 = arith.constant 0 : i32
    %dma_start3A_95 = arith.constant 0 : i32
    %dma_start3A_96 = tpu.memref_slice %arg6[%dma_start3A_93, %dma_start3A_94, %dma_start3A_95] : memref<2x4x8192xf32, #tpu.memory_space<vmem>> -> memref<1x4x8192xf32, #tpu.memory_space<vmem>>
    %dma_start3A_97 = tpu.memref_squeeze %dma_start3A_96 : memref<1x4x8192xf32, #tpu.memory_space<vmem>> -> memref<4x8192xf32, #tpu.memory_space<vmem>>
    %dma_start3A_98 = arith.constant 0 : i32
    %dma_start3A_99 = tpu.memref_slice %arg4[%add3A_92, %dma_start3A_98] : memref<1024x8192xf32, #tpu.memory_space<hbm>> -> memref<4x8192xf32, #tpu.memory_space<hbm>>
    %dma_start3A_100 = arith.constant 0 : i32
    %dma_start3A_101 = tpu.memref_slice %arg4[%add3A_92, %dma_start3A_100] : memref<1024x8192xf32, #tpu.memory_space<hbm>> -> memref<4x8192xf32, #tpu.memory_space<hbm>>
    %dma_start3A_102 = arith.constant 0 : i32
    %dma_start3A_103 = arith.constant 0 : i32
    %dma_start3A_104 = tpu.memref_slice %arg6[%dma_start3A_93, %dma_start3A_102, %dma_start3A_103] : memref<2x4x8192xf32, #tpu.memory_space<vmem>> -> memref<1x4x8192xf32, #tpu.memory_space<vmem>>
    %dma_start3A_105 = tpu.memref_squeeze %dma_start3A_104 : memref<1x4x8192xf32, #tpu.memory_space<vmem>> -> memref<4x8192xf32, #tpu.memory_space<vmem>>
    tpu.enqueue_dma source(%dma_start3A_105 : memref<4x8192xf32, #tpu.memory_space<vmem>>) target(%dma_start3A_101 : memref<4x8192xf32, #tpu.memory_space<hbm>>) target_semaphore(%arg10 : memref<!tpu.dma_semaphore, #tpu.memory_space<semaphore_mem>>)
    %add3A_106 = arith.constant 4 : i32
    %add3A_107 = arith.addi %mul3A_2, %add3A_106 : i32
    %dma_wait3A_108 = arith.constant 1 : i32
    %dma_wait3A_109 = arith.constant 0 : i32
    %dma_wait3A_110 = arith.constant 0 : i32
    %dma_wait3A_111 = tpu.memref_slice %arg6[%dma_wait3A_108, %dma_wait3A_109, %dma_wait3A_110] : memref<2x4x8192xf32, #tpu.memory_space<vmem>> -> memref<1x4x8192xf32, #tpu.memory_space<vmem>>
    %dma_wait3A_112 = tpu.memref_squeeze %dma_wait3A_111 : memref<1x4x8192xf32, #tpu.memory_space<vmem>> -> memref<4x8192xf32, #tpu.memory_space<vmem>>
    %dma_wait3A_113 = arith.constant 0 : i32
    %dma_wait3A_114 = tpu.memref_slice %arg4[%add3A_107, %dma_wait3A_113] : memref<1024x8192xf32, #tpu.memory_space<hbm>> -> memref<4x8192xf32, #tpu.memory_space<hbm>>
    %dma_wait3A_115 = arith.constant 0 : i32
    %dma_wait3A_116 = tpu.memref_slice %arg4[%add3A_107, %dma_wait3A_115] : memref<1024x8192xf32, #tpu.memory_space<hbm>> -> memref<4x8192xf32, #tpu.memory_space<hbm>>
    %dma_wait3A_117 = arith.constant 0 : i32
    %dma_wait3A_118 = arith.constant 0 : i32
    %dma_wait3A_119 = tpu.memref_slice %arg6[%dma_wait3A_108, %dma_wait3A_117, %dma_wait3A_118] : memref<2x4x8192xf32, #tpu.memory_space<vmem>> -> memref<1x4x8192xf32, #tpu.memory_space<vmem>>
    %dma_wait3A_120 = tpu.memref_squeeze %dma_wait3A_119 : memref<1x4x8192xf32, #tpu.memory_space<vmem>> -> memref<4x8192xf32, #tpu.memory_space<vmem>>
    tpu.wait_dma2 semaphore(%arg10 : memref<!tpu.dma_semaphore, #tpu.memory_space<semaphore_mem>>) src(%dma_wait3A_120 : memref<4x8192xf32, #tpu.memory_space<vmem>>) dst(%dma_wait3A_116 : memref<4x8192xf32, #tpu.memory_space<hbm>>)
    %dma_start3A_121 = arith.constant 3 : i32
    %dma_start3A_122 = arith.constant 1 : i32
    %dma_start3A_123 = arith.constant 0 : i32
    %dma_start3A_124 = arith.constant 0 : i32
    %dma_start3A_125 = tpu.memref_slice %arg6[%dma_start3A_122, %dma_start3A_123, %dma_start3A_124] : memref<2x4x8192xf32, #tpu.memory_space<vmem>> -> memref<1x4x8192xf32, #tpu.memory_space<vmem>>
    %dma_start3A_126 = tpu.memref_squeeze %dma_start3A_125 : memref<1x4x8192xf32, #tpu.memory_space<vmem>> -> memref<4x8192xf32, #tpu.memory_space<vmem>>
    %dma_start3A_127 = arith.constant 0 : i32
    %dma_start3A_128 = tpu.memref_slice %arg5[%dma_start3A_121, %dma_start3A_127] : memref<8x4xi32, #tpu.memory_space<vmem>> -> memref<1x4xi32, #tpu.memory_space<vmem>>
    %dma_start3A_129 = tpu.memref_squeeze %dma_start3A_128 : memref<1x4xi32, #tpu.memory_space<vmem>> -> memref<4xi32, #tpu.memory_space<vmem>>
    %dma_start3A_130 = arith.constant 0 : i32
    %dma_start3A_131 = arith.constant 0 : i32
    %dma_start3A_132 = tpu.memref_slice %arg3[%dma_start3A_130, %dma_start3A_131] : memref<1000x16384xf32, #tpu.memory_space<hbm>> -> memref<1000x8192xf32, #tpu.memory_space<hbm>>
    tpu.enqueue_indirect_dma source(%dma_start3A_132 : memref<1000x8192xf32, #tpu.memory_space<hbm>>) target(%dma_start3A_126 : memref<4x8192xf32, #tpu.memory_space<vmem>>) offsets(%dma_start3A_129 : memref<4xi32, #tpu.memory_space<vmem>>) semaphore(%arg8 : memref<!tpu.dma_semaphore, #tpu.memory_space<semaphore_mem>>)
    %dma_wait3A_133 = arith.constant 2 : i32
    %dma_wait3A_134 = arith.constant 0 : i32
    %dma_wait3A_135 = arith.constant 0 : i32
    %dma_wait3A_136 = arith.constant 0 : i32
    %dma_wait3A_137 = tpu.memref_slice %arg6[%dma_wait3A_134, %dma_wait3A_135, %dma_wait3A_136] : memref<2x4x8192xf32, #tpu.memory_space<vmem>> -> memref<1x4x8192xf32, #tpu.memory_space<vmem>>
    %dma_wait3A_138 = tpu.memref_squeeze %dma_wait3A_137 : memref<1x4x8192xf32, #tpu.memory_space<vmem>> -> memref<4x8192xf32, #tpu.memory_space<vmem>>
    %dma_wait3A_139 = arith.constant 0 : i32
    %dma_wait3A_140 = tpu.memref_slice %arg5[%dma_wait3A_133, %dma_wait3A_139] : memref<8x4xi32, #tpu.memory_space<vmem>> -> memref<1x4xi32, #tpu.memory_space<vmem>>
    %dma_wait3A_141 = tpu.memref_squeeze %dma_wait3A_140 : memref<1x4xi32, #tpu.memory_space<vmem>> -> memref<4xi32, #tpu.memory_space<vmem>>
    %dma_wait3A_142 = arith.constant 0 : i32
    %dma_wait3A_143 = arith.constant 0 : i32
    %dma_wait3A_144 = tpu.memref_slice %arg3[%dma_wait3A_142, %dma_wait3A_143] : memref<1000x16384xf32, #tpu.memory_space<hbm>> -> memref<1000x8192xf32, #tpu.memory_space<hbm>>
    tpu.wait_indirect_dma semaphore(%arg7 : memref<!tpu.dma_semaphore, #tpu.memory_space<semaphore_mem>>) src(%dma_wait3A_144 : memref<1000x8192xf32, #tpu.memory_space<hbm>>) dst(%dma_wait3A_138 : memref<4x8192xf32, #tpu.memory_space<vmem>>)
    %add3A_145 = arith.constant 8 : i32
    %add3A_146 = arith.addi %mul3A_2, %add3A_145 : i32
    %dma_start3A_147 = arith.constant 0 : i32
    %dma_start3A_148 = arith.constant 0 : i32
    %dma_start3A_149 = arith.constant 0 : i32
    %dma_start3A_150 = tpu.memref_slice %arg6[%dma_start3A_147, %dma_start3A_148, %dma_start3A_149] : memref<2x4x8192xf32, #tpu.memory_space<vmem>> -> memref<1x4x8192xf32, #tpu.memory_space<vmem>>
    %dma_start3A_151 = tpu.memref_squeeze %dma_start3A_150 : memref<1x4x8192xf32, #tpu.memory_space<vmem>> -> memref<4x8192xf32, #tpu.memory_space<vmem>>
    %dma_start3A_152 = arith.constant 0 : i32
    %dma_start3A_153 = tpu.memref_slice %arg4[%add3A_146, %dma_start3A_152] : memref<1024x8192xf32, #tpu.memory_space<hbm>> -> memref<4x8192xf32, #tpu.memory_space<hbm>>
    %dma_start3A_154 = arith.constant 0 : i32
    %dma_start3A_155 = tpu.memref_slice %arg4[%add3A_146, %dma_start3A_154] : memref<1024x8192xf32, #tpu.memory_space<hbm>> -> memref<4x8192xf32, #tpu.memory_space<hbm>>
    %dma_start3A_156 = arith.constant 0 : i32
    %dma_start3A_157 = arith.constant 0 : i32
    %dma_start3A_158 = tpu.memref_slice %arg6[%dma_start3A_147, %dma_start3A_156, %dma_start3A_157] : memref<2x4x8192xf32, #tpu.memory_space<vmem>> -> memref<1x4x8192xf32, #tpu.memory_space<vmem>>
    %dma_start3A_159 = tpu.memref_squeeze %dma_start3A_158 : memref<1x4x8192xf32, #tpu.memory_space<vmem>> -> memref<4x8192xf32, #tpu.memory_space<vmem>>
    tpu.enqueue_dma source(%dma_start3A_159 : memref<4x8192xf32, #tpu.memory_space<vmem>>) target(%dma_start3A_155 : memref<4x8192xf32, #tpu.memory_space<hbm>>) target_semaphore(%arg9 : memref<!tpu.dma_semaphore, #tpu.memory_space<semaphore_mem>>)
    %add3A_160 = arith.constant 8 : i32
    %add3A_161 = arith.addi %mul3A_2, %add3A_160 : i32
    %dma_wait3A_162 = arith.constant 0 : i32
    %dma_wait3A_163 = arith.constant 0 : i32
    %dma_wait3A_164 = arith.constant 0 : i32
    %dma_wait3A_165 = tpu.memref_slice %arg6[%dma_wait3A_162, %dma_wait3A_163, %dma_wait3A_164] : memref<2x4x8192xf32, #tpu.memory_space<vmem>> -> memref<1x4x8192xf32, #tpu.memory_space<vmem>>
    %dma_wait3A_166 = tpu.memref_squeeze %dma_wait3A_165 : memref<1x4x8192xf32, #tpu.memory_space<vmem>> -> memref<4x8192xf32, #tpu.memory_space<vmem>>
    %dma_wait3A_167 = arith.constant 0 : i32
    %dma_wait3A_168 = tpu.memref_slice %arg4[%add3A_161, %dma_wait3A_167] : memref<1024x8192xf32, #tpu.memory_space<hbm>> -> memref<4x8192xf32, #tpu.memory_space<hbm>>
    %dma_wait3A_169 = arith.constant 0 : i32
    %dma_wait3A_170 = tpu.memref_slice %arg4[%add3A_161, %dma_wait3A_169] : memref<1024x8192xf32, #tpu.memory_space<hbm>> -> memref<4x8192xf32, #tpu.memory_space<hbm>>
    %dma_wait3A_171 = arith.constant 0 : i32
    %dma_wait3A_172 = arith.constant 0 : i32
    %dma_wait3A_173 = tpu.memref_slice %arg6[%dma_wait3A_162, %dma_wait3A_171, %dma_wait3A_172] : memref<2x4x8192xf32, #tpu.memory_space<vmem>> -> memref<1x4x8192xf32, #tpu.memory_space<vmem>>
    %dma_wait3A_174 = tpu.memref_squeeze %dma_wait3A_173 : memref<1x4x8192xf32, #tpu.memory_space<vmem>> -> memref<4x8192xf32, #tpu.memory_space<vmem>>
    tpu.wait_dma2 semaphore(%arg9 : memref<!tpu.dma_semaphore, #tpu.memory_space<semaphore_mem>>) src(%dma_wait3A_174 : memref<4x8192xf32, #tpu.memory_space<vmem>>) dst(%dma_wait3A_170 : memref<4x8192xf32, #tpu.memory_space<hbm>>)
    %dma_start3A_175 = arith.constant 4 : i32
    %dma_start3A_176 = arith.constant 0 : i32
    %dma_start3A_177 = arith.constant 0 : i32
    %dma_start3A_178 = arith.constant 0 : i32
    %dma_start3A_179 = tpu.memref_slice %arg6[%dma_start3A_176, %dma_start3A_177, %dma_start3A_178] : memref<2x4x8192xf32, #tpu.memory_space<vmem>> -> memref<1x4x8192xf32, #tpu.memory_space<vmem>>
    %dma_start3A_180 = tpu.memref_squeeze %dma_start3A_179 : memref<1x4x8192xf32, #tpu.memory_space<vmem>> -> memref<4x8192xf32, #tpu.memory_space<vmem>>
    %dma_start3A_181 = arith.constant 0 : i32
    %dma_start3A_182 = tpu.memref_slice %arg5[%dma_start3A_175, %dma_start3A_181] : memref<8x4xi32, #tpu.memory_space<vmem>> -> memref<1x4xi32, #tpu.memory_space<vmem>>
    %dma_start3A_183 = tpu.memref_squeeze %dma_start3A_182 : memref<1x4xi32, #tpu.memory_space<vmem>> -> memref<4xi32, #tpu.memory_space<vmem>>
    %dma_start3A_184 = arith.constant 0 : i32
    %dma_start3A_185 = arith.constant 0 : i32
    %dma_start3A_186 = tpu.memref_slice %arg3[%dma_start3A_184, %dma_start3A_185] : memref<1000x16384xf32, #tpu.memory_space<hbm>> -> memref<1000x8192xf32, #tpu.memory_space<hbm>>
    tpu.enqueue_indirect_dma source(%dma_start3A_186 : memref<1000x8192xf32, #tpu.memory_space<hbm>>) target(%dma_start3A_180 : memref<4x8192xf32, #tpu.memory_space<vmem>>) offsets(%dma_start3A_183 : memref<4xi32, #tpu.memory_space<vmem>>) semaphore(%arg7 : memref<!tpu.dma_semaphore, #tpu.memory_space<semaphore_mem>>)
    %dma_wait3A_187 = arith.constant 3 : i32
    %dma_wait3A_188 = arith.constant 1 : i32
    %dma_wait3A_189 = arith.constant 0 : i32
    %dma_wait3A_190 = arith.constant 0 : i32
    %dma_wait3A_191 = tpu.memref_slice %arg6[%dma_wait3A_188, %dma_wait3A_189, %dma_wait3A_190] : memref<2x4x8192xf32, #tpu.memory_space<vmem>> -> memref<1x4x8192xf32, #tpu.memory_space<vmem>>
    %dma_wait3A_192 = tpu.memref_squeeze %dma_wait3A_191 : memref<1x4x8192xf32, #tpu.memory_space<vmem>> -> memref<4x8192xf32, #tpu.memory_space<vmem>>
    %dma_wait3A_193 = arith.constant 0 : i32
    %dma_wait3A_194 = tpu.memref_slice %arg5[%dma_wait3A_187, %dma_wait3A_193] : memref<8x4xi32, #tpu.memory_space<vmem>> -> memref<1x4xi32, #tpu.memory_space<vmem>>
    %dma_wait3A_195 = tpu.memref_squeeze %dma_wait3A_194 : memref<1x4xi32, #tpu.memory_space<vmem>> -> memref<4xi32, #tpu.memory_space<vmem>>
    %dma_wait3A_196 = arith.constant 0 : i32
    %dma_wait3A_197 = arith.constant 0 : i32
    %dma_wait3A_198 = tpu.memref_slice %arg3[%dma_wait3A_196, %dma_wait3A_197] : memref<1000x16384xf32, #tpu.memory_space<hbm>> -> memref<1000x8192xf32, #tpu.memory_space<hbm>>
    tpu.wait_indirect_dma semaphore(%arg8 : memref<!tpu.dma_semaphore, #tpu.memory_space<semaphore_mem>>) src(%dma_wait3A_198 : memref<1000x8192xf32, #tpu.memory_space<hbm>>) dst(%dma_wait3A_192 : memref<4x8192xf32, #tpu.memory_space<vmem>>)
    %add3A_199 = arith.constant 12 : i32
    %add3A_200 = arith.addi %mul3A_2, %add3A_199 : i32
    %dma_start3A_201 = arith.constant 1 : i32
    %dma_start3A_202 = arith.constant 0 : i32
    %dma_start3A_203 = arith.constant 0 : i32
    %dma_start3A_204 = tpu.memref_slice %arg6[%dma_start3A_201, %dma_start3A_202, %dma_start3A_203] : memref<2x4x8192xf32, #tpu.memory_space<vmem>> -> memref<1x4x8192xf32, #tpu.memory_space<vmem>>
    %dma_start3A_205 = tpu.memref_squeeze %dma_start3A_204 : memref<1x4x8192xf32, #tpu.memory_space<vmem>> -> memref<4x8192xf32, #tpu.memory_space<vmem>>
    %dma_start3A_206 = arith.constant 0 : i32
    %dma_start3A_207 = tpu.memref_slice %arg4[%add3A_200, %dma_start3A_206] : memref<1024x8192xf32, #tpu.memory_space<hbm>> -> memref<4x8192xf32, #tpu.memory_space<hbm>>
    %dma_start3A_208 = arith.constant 0 : i32
    %dma_start3A_209 = tpu.memref_slice %arg4[%add3A_200, %dma_start3A_208] : memref<1024x8192xf32, #tpu.memory_space<hbm>> -> memref<4x8192xf32, #tpu.memory_space<hbm>>
    %dma_start3A_210 = arith.constant 0 : i32
    %dma_start3A_211 = arith.constant 0 : i32
    %dma_start3A_212 = tpu.memref_slice %arg6[%dma_start3A_201, %dma_start3A_210, %dma_start3A_211] : memref<2x4x8192xf32, #tpu.memory_space<vmem>> -> memref<1x4x8192xf32, #tpu.memory_space<vmem>>
    %dma_start3A_213 = tpu.memref_squeeze %dma_start3A_212 : memref<1x4x8192xf32, #tpu.memory_space<vmem>> -> memref<4x8192xf32, #tpu.memory_space<vmem>>
    tpu.enqueue_dma source(%dma_start3A_213 : memref<4x8192xf32, #tpu.memory_space<vmem>>) target(%dma_start3A_209 : memref<4x8192xf32, #tpu.memory_space<hbm>>) target_semaphore(%arg10 : memref<!tpu.dma_semaphore, #tpu.memory_space<semaphore_mem>>)
    %add3A_214 = arith.constant 12 : i32
    %add3A_215 = arith.addi %mul3A_2, %add3A_214 : i32
    %dma_wait3A_216 = arith.constant 1 : i32
    %dma_wait3A_217 = arith.constant 0 : i32
    %dma_wait3A_218 = arith.constant 0 : i32
    %dma_wait3A_219 = tpu.memref_slice %arg6[%dma_wait3A_216, %dma_wait3A_217, %dma_wait3A_218] : memref<2x4x8192xf32, #tpu.memory_space<vmem>> -> memref<1x4x8192xf32, #tpu.memory_space<vmem>>
    %dma_wait3A_220 = tpu.memref_squeeze %dma_wait3A_219 : memref<1x4x8192xf32, #tpu.memory_space<vmem>> -> memref<4x8192xf32, #tpu.memory_space<vmem>>
    %dma_wait3A_221 = arith.constant 0 : i32
    %dma_wait3A_222 = tpu.memref_slice %arg4[%add3A_215, %dma_wait3A_221] : memref<1024x8192xf32, #tpu.memory_space<hbm>> -> memref<4x8192xf32, #tpu.memory_space<hbm>>
    %dma_wait3A_223 = arith.constant 0 : i32
    %dma_wait3A_224 = tpu.memref_slice %arg4[%add3A_215, %dma_wait3A_223] : memref<1024x8192xf32, #tpu.memory_space<hbm>> -> memref<4x8192xf32, #tpu.memory_space<hbm>>
    %dma_wait3A_225 = arith.constant 0 : i32
    %dma_wait3A_226 = arith.constant 0 : i32
    %dma_wait3A_227 = tpu.memref_slice %arg6[%dma_wait3A_216, %dma_wait3A_225, %dma_wait3A_226] : memref<2x4x8192xf32, #tpu.memory_space<vmem>> -> memref<1x4x8192xf32, #tpu.memory_space<vmem>>
    %dma_wait3A_228 = tpu.memref_squeeze %dma_wait3A_227 : memref<1x4x8192xf32, #tpu.memory_space<vmem>> -> memref<4x8192xf32, #tpu.memory_space<vmem>>
    tpu.wait_dma2 semaphore(%arg10 : memref<!tpu.dma_semaphore, #tpu.memory_space<semaphore_mem>>) src(%dma_wait3A_228 : memref<4x8192xf32, #tpu.memory_space<vmem>>) dst(%dma_wait3A_224 : memref<4x8192xf32, #tpu.memory_space<hbm>>)
    %dma_start3A_229 = arith.constant 5 : i32
    %dma_start3A_230 = arith.constant 1 : i32
    %dma_start3A_231 = arith.constant 0 : i32
    %dma_start3A_232 = arith.constant 0 : i32
    %dma_start3A_233 = tpu.memref_slice %arg6[%dma_start3A_230, %dma_start3A_231, %dma_start3A_232] : memref<2x4x8192xf32, #tpu.memory_space<vmem>> -> memref<1x4x8192xf32, #tpu.memory_space<vmem>>
    %dma_start3A_234 = tpu.memref_squeeze %dma_start3A_233 : memref<1x4x8192xf32, #tpu.memory_space<vmem>> -> memref<4x8192xf32, #tpu.memory_space<vmem>>
    %dma_start3A_235 = arith.constant 0 : i32
    %dma_start3A_236 = tpu.memref_slice %arg5[%dma_start3A_229, %dma_start3A_235] : memref<8x4xi32, #tpu.memory_space<vmem>> -> memref<1x4xi32, #tpu.memory_space<vmem>>
    %dma_start3A_237 = tpu.memref_squeeze %dma_start3A_236 : memref<1x4xi32, #tpu.memory_space<vmem>> -> memref<4xi32, #tpu.memory_space<vmem>>
    %dma_start3A_238 = arith.constant 0 : i32
    %dma_start3A_239 = arith.constant 0 : i32
    %dma_start3A_240 = tpu.memref_slice %arg3[%dma_start3A_238, %dma_start3A_239] : memref<1000x16384xf32, #tpu.memory_space<hbm>> -> memref<1000x8192xf32, #tpu.memory_space<hbm>>
    tpu.enqueue_indirect_dma source(%dma_start3A_240 : memref<1000x8192xf32, #tpu.memory_space<hbm>>) target(%dma_start3A_234 : memref<4x8192xf32, #tpu.memory_space<vmem>>) offsets(%dma_start3A_237 : memref<4xi32, #tpu.memory_space<vmem>>) semaphore(%arg8 : memref<!tpu.dma_semaphore, #tpu.memory_space<semaphore_mem>>)
    %dma_wait3A_241 = arith.constant 4 : i32
    %dma_wait3A_242 = arith.constant 0 : i32
    %dma_wait3A_243 = arith.constant 0 : i32
    %dma_wait3A_244 = arith.constant 0 : i32
    %dma_wait3A_245 = tpu.memref_slice %arg6[%dma_wait3A_242, %dma_wait3A_243, %dma_wait3A_244] : memref<2x4x8192xf32, #tpu.memory_space<vmem>> -> memref<1x4x8192xf32, #tpu.memory_space<vmem>>
    %dma_wait3A_246 = tpu.memref_squeeze %dma_wait3A_245 : memref<1x4x8192xf32, #tpu.memory_space<vmem>> -> memref<4x8192xf32, #tpu.memory_space<vmem>>
    %dma_wait3A_247 = arith.constant 0 : i32
    %dma_wait3A_248 = tpu.memref_slice %arg5[%dma_wait3A_241, %dma_wait3A_247] : memref<8x4xi32, #tpu.memory_space<vmem>> -> memref<1x4xi32, #tpu.memory_space<vmem>>
    %dma_wait3A_249 = tpu.memref_squeeze %dma_wait3A_248 : memref<1x4xi32, #tpu.memory_space<vmem>> -> memref<4xi32, #tpu.memory_space<vmem>>
    %dma_wait3A_250 = arith.constant 0 : i32
    %dma_wait3A_251 = arith.constant 0 : i32
    %dma_wait3A_252 = tpu.memref_slice %arg3[%dma_wait3A_250, %dma_wait3A_251] : memref<1000x16384xf32, #tpu.memory_space<hbm>> -> memref<1000x8192xf32, #tpu.memory_space<hbm>>
    tpu.wait_indirect_dma semaphore(%arg7 : memref<!tpu.dma_semaphore, #tpu.memory_space<semaphore_mem>>) src(%dma_wait3A_252 : memref<1000x8192xf32, #tpu.memory_space<hbm>>) dst(%dma_wait3A_246 : memref<4x8192xf32, #tpu.memory_space<vmem>>)
    %add3A_253 = arith.constant 16 : i32
    %add3A_254 = arith.addi %mul3A_2, %add3A_253 : i32
    %dma_start3A_255 = arith.constant 0 : i32
    %dma_start3A_256 = arith.constant 0 : i32
    %dma_start3A_257 = arith.constant 0 : i32
    %dma_start3A_258 = tpu.memref_slice %arg6[%dma_start3A_255, %dma_start3A_256, %dma_start3A_257] : memref<2x4x8192xf32, #tpu.memory_space<vmem>> -> memref<1x4x8192xf32, #tpu.memory_space<vmem>>
    %dma_start3A_259 = tpu.memref_squeeze %dma_start3A_258 : memref<1x4x8192xf32, #tpu.memory_space<vmem>> -> memref<4x8192xf32, #tpu.memory_space<vmem>>
    %dma_start3A_260 = arith.constant 0 : i32
    %dma_start3A_261 = tpu.memref_slice %arg4[%add3A_254, %dma_start3A_260] : memref<1024x8192xf32, #tpu.memory_space<hbm>> -> memref<4x8192xf32, #tpu.memory_space<hbm>>
    %dma_start3A_262 = arith.constant 0 : i32
    %dma_start3A_263 = tpu.memref_slice %arg4[%add3A_254, %dma_start3A_262] : memref<1024x8192xf32, #tpu.memory_space<hbm>> -> memref<4x8192xf32, #tpu.memory_space<hbm>>
    %dma_start3A_264 = arith.constant 0 : i32
    %dma_start3A_265 = arith.constant 0 : i32
    %dma_start3A_266 = tpu.memref_slice %arg6[%dma_start3A_255, %dma_start3A_264, %dma_start3A_265] : memref<2x4x8192xf32, #tpu.memory_space<vmem>> -> memref<1x4x8192xf32, #tpu.memory_space<vmem>>
    %dma_start3A_267 = tpu.memref_squeeze %dma_start3A_266 : memref<1x4x8192xf32, #tpu.memory_space<vmem>> -> memref<4x8192xf32, #tpu.memory_space<vmem>>
    tpu.enqueue_dma source(%dma_start3A_267 : memref<4x8192xf32, #tpu.memory_space<vmem>>) target(%dma_start3A_263 : memref<4x8192xf32, #tpu.memory_space<hbm>>) target_semaphore(%arg9 : memref<!tpu.dma_semaphore, #tpu.memory_space<semaphore_mem>>)
    %add3A_268 = arith.constant 16 : i32
    %add3A_269 = arith.addi %mul3A_2, %add3A_268 : i32
    %dma_wait3A_270 = arith.constant 0 : i32
    %dma_wait3A_271 = arith.constant 0 : i32
    %dma_wait3A_272 = arith.constant 0 : i32
    %dma_wait3A_273 = tpu.memref_slice %arg6[%dma_wait3A_270, %dma_wait3A_271, %dma_wait3A_272] : memref<2x4x8192xf32, #tpu.memory_space<vmem>> -> memref<1x4x8192xf32, #tpu.memory_space<vmem>>
    %dma_wait3A_274 = tpu.memref_squeeze %dma_wait3A_273 : memref<1x4x8192xf32, #tpu.memory_space<vmem>> -> memref<4x8192xf32, #tpu.memory_space<vmem>>
    %dma_wait3A_275 = arith.constant 0 : i32
    %dma_wait3A_276 = tpu.memref_slice %arg4[%add3A_269, %dma_wait3A_275] : memref<1024x8192xf32, #tpu.memory_space<hbm>> -> memref<4x8192xf32, #tpu.memory_space<hbm>>
    %dma_wait3A_277 = arith.constant 0 : i32
    %dma_wait3A_278 = tpu.memref_slice %arg4[%add3A_269, %dma_wait3A_277] : memref<1024x8192xf32, #tpu.memory_space<hbm>> -> memref<4x8192xf32, #tpu.memory_space<hbm>>
    %dma_wait3A_279 = arith.constant 0 : i32
    %dma_wait3A_280 = arith.constant 0 : i32
    %dma_wait3A_281 = tpu.memref_slice %arg6[%dma_wait3A_270, %dma_wait3A_279, %dma_wait3A_280] : memref<2x4x8192xf32, #tpu.memory_space<vmem>> -> memref<1x4x8192xf32, #tpu.memory_space<vmem>>
    %dma_wait3A_282 = tpu.memref_squeeze %dma_wait3A_281 : memref<1x4x8192xf32, #tpu.memory_space<vmem>> -> memref<4x8192xf32, #tpu.memory_space<vmem>>
    tpu.wait_dma2 semaphore(%arg9 : memref<!tpu.dma_semaphore, #tpu.memory_space<semaphore_mem>>) src(%dma_wait3A_282 : memref<4x8192xf32, #tpu.memory_space<vmem>>) dst(%dma_wait3A_278 : memref<4x8192xf32, #tpu.memory_space<hbm>>)
    %dma_start3A_283 = arith.constant 6 : i32
    %dma_start3A_284 = arith.constant 0 : i32
    %dma_start3A_285 = arith.constant 0 : i32
    %dma_start3A_286 = arith.constant 0 : i32
    %dma_start3A_287 = tpu.memref_slice %arg6[%dma_start3A_284, %dma_start3A_285, %dma_start3A_286] : memref<2x4x8192xf32, #tpu.memory_space<vmem>> -> memref<1x4x8192xf32, #tpu.memory_space<vmem>>
    %dma_start3A_288 = tpu.memref_squeeze %dma_start3A_287 : memref<1x4x8192xf32, #tpu.memory_space<vmem>> -> memref<4x8192xf32, #tpu.memory_space<vmem>>
    %dma_start3A_289 = arith.constant 0 : i32
    %dma_start3A_290 = tpu.memref_slice %arg5[%dma_start3A_283, %dma_start3A_289] : memref<8x4xi32, #tpu.memory_space<vmem>> -> memref<1x4xi32, #tpu.memory_space<vmem>>
    %dma_start3A_291 = tpu.memref_squeeze %dma_start3A_290 : memref<1x4xi32, #tpu.memory_space<vmem>> -> memref<4xi32, #tpu.memory_space<vmem>>
    %dma_start3A_292 = arith.constant 0 : i32
    %dma_start3A_293 = arith.constant 0 : i32
    %dma_start3A_294 = tpu.memref_slice %arg3[%dma_start3A_292, %dma_start3A_293] : memref<1000x16384xf32, #tpu.memory_space<hbm>> -> memref<1000x8192xf32, #tpu.memory_space<hbm>>
    tpu.enqueue_indirect_dma source(%dma_start3A_294 : memref<1000x8192xf32, #tpu.memory_space<hbm>>) target(%dma_start3A_288 : memref<4x8192xf32, #tpu.memory_space<vmem>>) offsets(%dma_start3A_291 : memref<4xi32, #tpu.memory_space<vmem>>) semaphore(%arg7 : memref<!tpu.dma_semaphore, #tpu.memory_space<semaphore_mem>>)
    %dma_wait3A_295 = arith.constant 5 : i32
    %dma_wait3A_296 = arith.constant 1 : i32
    %dma_wait3A_297 = arith.constant 0 : i32
    %dma_wait3A_298 = arith.constant 0 : i32
    %dma_wait3A_299 = tpu.memref_slice %arg6[%dma_wait3A_296, %dma_wait3A_297, %dma_wait3A_298] : memref<2x4x8192xf32, #tpu.memory_space<vmem>> -> memref<1x4x8192xf32, #tpu.memory_space<vmem>>
    %dma_wait3A_300 = tpu.memref_squeeze %dma_wait3A_299 : memref<1x4x8192xf32, #tpu.memory_space<vmem>> -> memref<4x8192xf32, #tpu.memory_space<vmem>>
    %dma_wait3A_301 = arith.constant 0 : i32
    %dma_wait3A_302 = tpu.memref_slice %arg5[%dma_wait3A_295, %dma_wait3A_301] : memref<8x4xi32, #tpu.memory_space<vmem>> -> memref<1x4xi32, #tpu.memory_space<vmem>>
    %dma_wait3A_303 = tpu.memref_squeeze %dma_wait3A_302 : memref<1x4xi32, #tpu.memory_space<vmem>> -> memref<4xi32, #tpu.memory_space<vmem>>
    %dma_wait3A_304 = arith.constant 0 : i32
    %dma_wait3A_305 = arith.constant 0 : i32
    %dma_wait3A_306 = tpu.memref_slice %arg3[%dma_wait3A_304, %dma_wait3A_305] : memref<1000x16384xf32, #tpu.memory_space<hbm>> -> memref<1000x8192xf32, #tpu.memory_space<hbm>>
    tpu.wait_indirect_dma semaphore(%arg8 : memref<!tpu.dma_semaphore, #tpu.memory_space<semaphore_mem>>) src(%dma_wait3A_306 : memref<1000x8192xf32, #tpu.memory_space<hbm>>) dst(%dma_wait3A_300 : memref<4x8192xf32, #tpu.memory_space<vmem>>)
    %add3A_307 = arith.constant 20 : i32
    %add3A_308 = arith.addi %mul3A_2, %add3A_307 : i32
    %dma_start3A_309 = arith.constant 1 : i32
    %dma_start3A_310 = arith.constant 0 : i32
    %dma_start3A_311 = arith.constant 0 : i32
    %dma_start3A_312 = tpu.memref_slice %arg6[%dma_start3A_309, %dma_start3A_310, %dma_start3A_311] : memref<2x4x8192xf32, #tpu.memory_space<vmem>> -> memref<1x4x8192xf32, #tpu.memory_space<vmem>>
    %dma_start3A_313 = tpu.memref_squeeze %dma_start3A_312 : memref<1x4x8192xf32, #tpu.memory_space<vmem>> -> memref<4x8192xf32, #tpu.memory_space<vmem>>
    %dma_start3A_314 = arith.constant 0 : i32
    %dma_start3A_315 = tpu.memref_slice %arg4[%add3A_308, %dma_start3A_314] : memref<1024x8192xf32, #tpu.memory_space<hbm>> -> memref<4x8192xf32, #tpu.memory_space<hbm>>
    %dma_start3A_316 = arith.constant 0 : i32
    %dma_start3A_317 = tpu.memref_slice %arg4[%add3A_308, %dma_start3A_316] : memref<1024x8192xf32, #tpu.memory_space<hbm>> -> memref<4x8192xf32, #tpu.memory_space<hbm>>
    %dma_start3A_318 = arith.constant 0 : i32
    %dma_start3A_319 = arith.constant 0 : i32
    %dma_start3A_320 = tpu.memref_slice %arg6[%dma_start3A_309, %dma_start3A_318, %dma_start3A_319] : memref<2x4x8192xf32, #tpu.memory_space<vmem>> -> memref<1x4x8192xf32, #tpu.memory_space<vmem>>
    %dma_start3A_321 = tpu.memref_squeeze %dma_start3A_320 : memref<1x4x8192xf32, #tpu.memory_space<vmem>> -> memref<4x8192xf32, #tpu.memory_space<vmem>>
    tpu.enqueue_dma source(%dma_start3A_321 : memref<4x8192xf32, #tpu.memory_space<vmem>>) target(%dma_start3A_317 : memref<4x8192xf32, #tpu.memory_space<hbm>>) target_semaphore(%arg10 : memref<!tpu.dma_semaphore, #tpu.memory_space<semaphore_mem>>)
    %add3A_322 = arith.constant 20 : i32
    %add3A_323 = arith.addi %mul3A_2, %add3A_322 : i32
    %dma_wait3A_324 = arith.constant 1 : i32
    %dma_wait3A_325 = arith.constant 0 : i32
    %dma_wait3A_326 = arith.constant 0 : i32
    %dma_wait3A_327 = tpu.memref_slice %arg6[%dma_wait3A_324, %dma_wait3A_325, %dma_wait3A_326] : memref<2x4x8192xf32, #tpu.memory_space<vmem>> -> memref<1x4x8192xf32, #tpu.memory_space<vmem>>
    %dma_wait3A_328 = tpu.memref_squeeze %dma_wait3A_327 : memref<1x4x8192xf32, #tpu.memory_space<vmem>> -> memref<4x8192xf32, #tpu.memory_space<vmem>>
    %dma_wait3A_329 = arith.constant 0 : i32
    %dma_wait3A_330 = tpu.memref_slice %arg4[%add3A_323, %dma_wait3A_329] : memref<1024x8192xf32, #tpu.memory_space<hbm>> -> memref<4x8192xf32, #tpu.memory_space<hbm>>
    %dma_wait3A_331 = arith.constant 0 : i32
    %dma_wait3A_332 = tpu.memref_slice %arg4[%add3A_323, %dma_wait3A_331] : memref<1024x8192xf32, #tpu.memory_space<hbm>> -> memref<4x8192xf32, #tpu.memory_space<hbm>>
    %dma_wait3A_333 = arith.constant 0 : i32
    %dma_wait3A_334 = arith.constant 0 : i32
    %dma_wait3A_335 = tpu.memref_slice %arg6[%dma_wait3A_324, %dma_wait3A_333, %dma_wait3A_334] : memref<2x4x8192xf32, #tpu.memory_space<vmem>> -> memref<1x4x8192xf32, #tpu.memory_space<vmem>>
    %dma_wait3A_336 = tpu.memref_squeeze %dma_wait3A_335 : memref<1x4x8192xf32, #tpu.memory_space<vmem>> -> memref<4x8192xf32, #tpu.memory_space<vmem>>
    tpu.wait_dma2 semaphore(%arg10 : memref<!tpu.dma_semaphore, #tpu.memory_space<semaphore_mem>>) src(%dma_wait3A_336 : memref<4x8192xf32, #tpu.memory_space<vmem>>) dst(%dma_wait3A_332 : memref<4x8192xf32, #tpu.memory_space<hbm>>)
    %dma_start3A_337 = arith.constant 7 : i32
    %dma_start3A_338 = arith.constant 1 : i32
    %dma_start3A_339 = arith.constant 0 : i32
    %dma_start3A_340 = arith.constant 0 : i32
    %dma_start3A_341 = tpu.memref_slice %arg6[%dma_start3A_338, %dma_start3A_339, %dma_start3A_340] : memref<2x4x8192xf32, #tpu.memory_space<vmem>> -> memref<1x4x8192xf32, #tpu.memory_space<vmem>>
    %dma_start3A_342 = tpu.memref_squeeze %dma_start3A_341 : memref<1x4x8192xf32, #tpu.memory_space<vmem>> -> memref<4x8192xf32, #tpu.memory_space<vmem>>
    %dma_start3A_343 = arith.constant 0 : i32
    %dma_start3A_344 = tpu.memref_slice %arg5[%dma_start3A_337, %dma_start3A_343] : memref<8x4xi32, #tpu.memory_space<vmem>> -> memref<1x4xi32, #tpu.memory_space<vmem>>
    %dma_start3A_345 = tpu.memref_squeeze %dma_start3A_344 : memref<1x4xi32, #tpu.memory_space<vmem>> -> memref<4xi32, #tpu.memory_space<vmem>>
    %dma_start3A_346 = arith.constant 0 : i32
    %dma_start3A_347 = arith.constant 0 : i32
    %dma_start3A_348 = tpu.memref_slice %arg3[%dma_start3A_346, %dma_start3A_347] : memref<1000x16384xf32, #tpu.memory_space<hbm>> -> memref<1000x8192xf32, #tpu.memory_space<hbm>>
    tpu.enqueue_indirect_dma source(%dma_start3A_348 : memref<1000x8192xf32, #tpu.memory_space<hbm>>) target(%dma_start3A_342 : memref<4x8192xf32, #tpu.memory_space<vmem>>) offsets(%dma_start3A_345 : memref<4xi32, #tpu.memory_space<vmem>>) semaphore(%arg8 : memref<!tpu.dma_semaphore, #tpu.memory_space<semaphore_mem>>)
    %dma_wait3A_349 = arith.constant 6 : i32
    %dma_wait3A_350 = arith.constant 0 : i32
    %dma_wait3A_351 = arith.constant 0 : i32
    %dma_wait3A_352 = arith.constant 0 : i32
    %dma_wait3A_353 = tpu.memref_slice %arg6[%dma_wait3A_350, %dma_wait3A_351, %dma_wait3A_352] : memref<2x4x8192xf32, #tpu.memory_space<vmem>> -> memref<1x4x8192xf32, #tpu.memory_space<vmem>>
    %dma_wait3A_354 = tpu.memref_squeeze %dma_wait3A_353 : memref<1x4x8192xf32, #tpu.memory_space<vmem>> -> memref<4x8192xf32, #tpu.memory_space<vmem>>
    %dma_wait3A_355 = arith.constant 0 : i32
    %dma_wait3A_356 = tpu.memref_slice %arg5[%dma_wait3A_349, %dma_wait3A_355] : memref<8x4xi32, #tpu.memory_space<vmem>> -> memref<1x4xi32, #tpu.memory_space<vmem>>
    %dma_wait3A_357 = tpu.memref_squeeze %dma_wait3A_356 : memref<1x4xi32, #tpu.memory_space<vmem>> -> memref<4xi32, #tpu.memory_space<vmem>>
    %dma_wait3A_358 = arith.constant 0 : i32
    %dma_wait3A_359 = arith.constant 0 : i32
    %dma_wait3A_360 = tpu.memref_slice %arg3[%dma_wait3A_358, %dma_wait3A_359] : memref<1000x16384xf32, #tpu.memory_space<hbm>> -> memref<1000x8192xf32, #tpu.memory_space<hbm>>
    tpu.wait_indirect_dma semaphore(%arg7 : memref<!tpu.dma_semaphore, #tpu.memory_space<semaphore_mem>>) src(%dma_wait3A_360 : memref<1000x8192xf32, #tpu.memory_space<hbm>>) dst(%dma_wait3A_354 : memref<4x8192xf32, #tpu.memory_space<vmem>>)
    %add3A_361 = arith.constant 24 : i32
    %add3A_362 = arith.addi %mul3A_2, %add3A_361 : i32
    %dma_start3A_363 = arith.constant 0 : i32
    %dma_start3A_364 = arith.constant 0 : i32
    %dma_start3A_365 = arith.constant 0 : i32
    %dma_start3A_366 = tpu.memref_slice %arg6[%dma_start3A_363, %dma_start3A_364, %dma_start3A_365] : memref<2x4x8192xf32, #tpu.memory_space<vmem>> -> memref<1x4x8192xf32, #tpu.memory_space<vmem>>
    %dma_start3A_367 = tpu.memref_squeeze %dma_start3A_366 : memref<1x4x8192xf32, #tpu.memory_space<vmem>> -> memref<4x8192xf32, #tpu.memory_space<vmem>>
    %dma_start3A_368 = arith.constant 0 : i32
    %dma_start3A_369 = tpu.memref_slice %arg4[%add3A_362, %dma_start3A_368] : memref<1024x8192xf32, #tpu.memory_space<hbm>> -> memref<4x8192xf32, #tpu.memory_space<hbm>>
    %dma_start3A_370 = arith.constant 0 : i32
    %dma_start3A_371 = tpu.memref_slice %arg4[%add3A_362, %dma_start3A_370] : memref<1024x8192xf32, #tpu.memory_space<hbm>> -> memref<4x8192xf32, #tpu.memory_space<hbm>>
    %dma_start3A_372 = arith.constant 0 : i32
    %dma_start3A_373 = arith.constant 0 : i32
    %dma_start3A_374 = tpu.memref_slice %arg6[%dma_start3A_363, %dma_start3A_372, %dma_start3A_373] : memref<2x4x8192xf32, #tpu.memory_space<vmem>> -> memref<1x4x8192xf32, #tpu.memory_space<vmem>>
    %dma_start3A_375 = tpu.memref_squeeze %dma_start3A_374 : memref<1x4x8192xf32, #tpu.memory_space<vmem>> -> memref<4x8192xf32, #tpu.memory_space<vmem>>
    tpu.enqueue_dma source(%dma_start3A_375 : memref<4x8192xf32, #tpu.memory_space<vmem>>) target(%dma_start3A_371 : memref<4x8192xf32, #tpu.memory_space<hbm>>) target_semaphore(%arg9 : memref<!tpu.dma_semaphore, #tpu.memory_space<semaphore_mem>>)
    %dma_wait3A_376 = arith.constant 7 : i32
    %dma_wait3A_377 = arith.constant 1 : i32
    %dma_wait3A_378 = arith.constant 0 : i32
    %dma_wait3A_379 = arith.constant 0 : i32
    %dma_wait3A_380 = tpu.memref_slice %arg6[%dma_wait3A_377, %dma_wait3A_378, %dma_wait3A_379] : memref<2x4x8192xf32, #tpu.memory_space<vmem>> -> memref<1x4x8192xf32, #tpu.memory_space<vmem>>
    %dma_wait3A_381 = tpu.memref_squeeze %dma_wait3A_380 : memref<1x4x8192xf32, #tpu.memory_space<vmem>> -> memref<4x8192xf32, #tpu.memory_space<vmem>>
    %dma_wait3A_382 = arith.constant 0 : i32
    %dma_wait3A_383 = tpu.memref_slice %arg5[%dma_wait3A_376, %dma_wait3A_382] : memref<8x4xi32, #tpu.memory_space<vmem>> -> memref<1x4xi32, #tpu.memory_space<vmem>>
    %dma_wait3A_384 = tpu.memref_squeeze %dma_wait3A_383 : memref<1x4xi32, #tpu.memory_space<vmem>> -> memref<4xi32, #tpu.memory_space<vmem>>
    %dma_wait3A_385 = arith.constant 0 : i32
    %dma_wait3A_386 = arith.constant 0 : i32
    %dma_wait3A_387 = tpu.memref_slice %arg3[%dma_wait3A_385, %dma_wait3A_386] : memref<1000x16384xf32, #tpu.memory_space<hbm>> -> memref<1000x8192xf32, #tpu.memory_space<hbm>>
    tpu.wait_indirect_dma semaphore(%arg8 : memref<!tpu.dma_semaphore, #tpu.memory_space<semaphore_mem>>) src(%dma_wait3A_387 : memref<1000x8192xf32, #tpu.memory_space<hbm>>) dst(%dma_wait3A_381 : memref<4x8192xf32, #tpu.memory_space<vmem>>)
    %add3A_388 = arith.constant 28 : i32
    %add3A_389 = arith.addi %mul3A_2, %add3A_388 : i32
    %dma_start3A_390 = arith.constant 1 : i32
    %dma_start3A_391 = arith.constant 0 : i32
    %dma_start3A_392 = arith.constant 0 : i32
    %dma_start3A_393 = tpu.memref_slice %arg6[%dma_start3A_390, %dma_start3A_391, %dma_start3A_392] : memref<2x4x8192xf32, #tpu.memory_space<vmem>> -> memref<1x4x8192xf32, #tpu.memory_space<vmem>>
    %dma_start3A_394 = tpu.memref_squeeze %dma_start3A_393 : memref<1x4x8192xf32, #tpu.memory_space<vmem>> -> memref<4x8192xf32, #tpu.memory_space<vmem>>
    %dma_start3A_395 = arith.constant 0 : i32
    %dma_start3A_396 = tpu.memref_slice %arg4[%add3A_389, %dma_start3A_395] : memref<1024x8192xf32, #tpu.memory_space<hbm>> -> memref<4x8192xf32, #tpu.memory_space<hbm>>
    %dma_start3A_397 = arith.constant 0 : i32
    %dma_start3A_398 = tpu.memref_slice %arg4[%add3A_389, %dma_start3A_397] : memref<1024x8192xf32, #tpu.memory_space<hbm>> -> memref<4x8192xf32, #tpu.memory_space<hbm>>
    %dma_start3A_399 = arith.constant 0 : i32
    %dma_start3A_400 = arith.constant 0 : i32
    %dma_start3A_401 = tpu.memref_slice %arg6[%dma_start3A_390, %dma_start3A_399, %dma_start3A_400] : memref<2x4x8192xf32, #tpu.memory_space<vmem>> -> memref<1x4x8192xf32, #tpu.memory_space<vmem>>
    %dma_start3A_402 = tpu.memref_squeeze %dma_start3A_401 : memref<1x4x8192xf32, #tpu.memory_space<vmem>> -> memref<4x8192xf32, #tpu.memory_space<vmem>>
    tpu.enqueue_dma source(%dma_start3A_402 : memref<4x8192xf32, #tpu.memory_space<vmem>>) target(%dma_start3A_398 : memref<4x8192xf32, #tpu.memory_space<hbm>>) target_semaphore(%arg10 : memref<!tpu.dma_semaphore, #tpu.memory_space<semaphore_mem>>)
    %add3A_403 = arith.constant 24 : i32
    %add3A_404 = arith.addi %mul3A_2, %add3A_403 : i32
    %dma_wait3A_405 = arith.constant 0 : i32
    %dma_wait3A_406 = arith.constant 0 : i32
    %dma_wait3A_407 = arith.constant 0 : i32
    %dma_wait3A_408 = tpu.memref_slice %arg6[%dma_wait3A_405, %dma_wait3A_406, %dma_wait3A_407] : memref<2x4x8192xf32, #tpu.memory_space<vmem>> -> memref<1x4x8192xf32, #tpu.memory_space<vmem>>
    %dma_wait3A_409 = tpu.memref_squeeze %dma_wait3A_408 : memref<1x4x8192xf32, #tpu.memory_space<vmem>> -> memref<4x8192xf32, #tpu.memory_space<vmem>>
    %dma_wait3A_410 = arith.constant 0 : i32
    %dma_wait3A_411 = tpu.memref_slice %arg4[%add3A_404, %dma_wait3A_410] : memref<1024x8192xf32, #tpu.memory_space<hbm>> -> memref<4x8192xf32, #tpu.memory_space<hbm>>
    %dma_wait3A_412 = arith.constant 0 : i32
    %dma_wait3A_413 = tpu.memref_slice %arg4[%add3A_404, %dma_wait3A_412] : memref<1024x8192xf32, #tpu.memory_space<hbm>> -> memref<4x8192xf32, #tpu.memory_space<hbm>>
    %dma_wait3A_414 = arith.constant 0 : i32
    %dma_wait3A_415 = arith.constant 0 : i32
    %dma_wait3A_416 = tpu.memref_slice %arg6[%dma_wait3A_405, %dma_wait3A_414, %dma_wait3A_415] : memref<2x4x8192xf32, #tpu.memory_space<vmem>> -> memref<1x4x8192xf32, #tpu.memory_space<vmem>>
    %dma_wait3A_417 = tpu.memref_squeeze %dma_wait3A_416 : memref<1x4x8192xf32, #tpu.memory_space<vmem>> -> memref<4x8192xf32, #tpu.memory_space<vmem>>
    tpu.wait_dma2 semaphore(%arg9 : memref<!tpu.dma_semaphore, #tpu.memory_space<semaphore_mem>>) src(%dma_wait3A_417 : memref<4x8192xf32, #tpu.memory_space<vmem>>) dst(%dma_wait3A_413 : memref<4x8192xf32, #tpu.memory_space<hbm>>)
    %add3A_418 = arith.constant 28 : i32
    %add3A_419 = arith.addi %mul3A_2, %add3A_418 : i32
    %dma_wait3A_420 = arith.constant 1 : i32
    %dma_wait3A_421 = arith.constant 0 : i32
    %dma_wait3A_422 = arith.constant 0 : i32
    %dma_wait3A_423 = tpu.memref_slice %arg6[%dma_wait3A_420, %dma_wait3A_421, %dma_wait3A_422] : memref<2x4x8192xf32, #tpu.memory_space<vmem>> -> memref<1x4x8192xf32, #tpu.memory_space<vmem>>
    %dma_wait3A_424 = tpu.memref_squeeze %dma_wait3A_423 : memref<1x4x8192xf32, #tpu.memory_space<vmem>> -> memref<4x8192xf32, #tpu.memory_space<vmem>>
    %dma_wait3A_425 = arith.constant 0 : i32
    %dma_wait3A_426 = tpu.memref_slice %arg4[%add3A_419, %dma_wait3A_425] : memref<1024x8192xf32, #tpu.memory_space<hbm>> -> memref<4x8192xf32, #tpu.memory_space<hbm>>
    %dma_wait3A_427 = arith.constant 0 : i32
    %dma_wait3A_428 = tpu.memref_slice %arg4[%add3A_419, %dma_wait3A_427] : memref<1024x8192xf32, #tpu.memory_space<hbm>> -> memref<4x8192xf32, #tpu.memory_space<hbm>>
    %dma_wait3A_429 = arith.constant 0 : i32
    %dma_wait3A_430 = arith.constant 0 : i32
    %dma_wait3A_431 = tpu.memref_slice %arg6[%dma_wait3A_420, %dma_wait3A_429, %dma_wait3A_430] : memref<2x4x8192xf32, #tpu.memory_space<vmem>> -> memref<1x4x8192xf32, #tpu.memory_space<vmem>>
    %dma_wait3A_432 = tpu.memref_squeeze %dma_wait3A_431 : memref<1x4x8192xf32, #tpu.memory_space<vmem>> -> memref<4x8192xf32, #tpu.memory_space<vmem>>
    tpu.wait_dma2 semaphore(%arg10 : memref<!tpu.dma_semaphore, #tpu.memory_space<semaphore_mem>>) src(%dma_wait3A_432 : memref<4x8192xf32, #tpu.memory_space<vmem>>) dst(%dma_wait3A_428 : memref<4x8192xf32, #tpu.memory_space<hbm>>)
    return
  }
}

#map = affine_map<(d0, d1) -> (0, 0, 0)>
#map1 = affine_map<(d0, d1) -> (0, 0)>
module attributes {stable_mosaic.version = 14 : i64} {
  func.func @_emb_gather(%arg0: i32, %arg1: i32, %arg2: memref<32x8x4xi32, #tpu.memory_space<hbm>>, %arg3: memref<1000x16384xf32, #tpu.memory_space<hbm>>, %arg4: memref<1024x8192xf32, #tpu.memory_space<hbm>>, %arg5: memref<8x4xi32, #tpu.memory_space<vmem>>, %arg6: memref<2x4x8192xf32, #tpu.memory_space<vmem>>, %arg7: memref<!tpu.dma_semaphore, #tpu.memory_space<semaphore_mem>>, %arg8: memref<!tpu.dma_semaphore, #tpu.memory_space<semaphore_mem>>, %arg9: memref<!tpu.dma_semaphore, #tpu.memory_space<semaphore_mem>>, %arg10: memref<!tpu.dma_semaphore, #tpu.memory_space<semaphore_mem>>) attributes {dimension_semantics = [#tpu.dimension_semantics<core_parallel>, #tpu.dimension_semantics<subcore_parallel>], iteration_bounds = array<i64: 2, 16>, scalar_prefetch = 0 : i64, scratch_operands = 6 : i64, tpu.core_type = #tpu.core_type<sc_vector_subcore>, window_params = [{transform_indices = #map}, {transform_indices = #map1}, {transform_indices = #map1}]} {
    %mul3A = arith.constant 2 : i32
    %mul3A_0 = arith.muli %arg1, %mul3A : i32
    %add3A = arith.addi %mul3A_0, %arg0 : i32
    %mul3A_1 = arith.constant 32 : i32
    %mul3A_2 = arith.muli %add3A, %mul3A_1 : i32
    "tpu.region"() ({
      %run_scoped3A = tpu.sem_alloc : memref<!tpu.dma_semaphore, #tpu.memory_space<semaphore_mem>>
      %dma_start3A_433 = arith.constant 0 : i32
      %dma_start3A_434 = arith.constant 0 : i32
      %dma_start3A_435 = tpu.memref_slice %arg2[%add3A, %dma_start3A_433, %dma_start3A_434] : memref<32x8x4xi32, #tpu.memory_space<hbm>> -> memref<1x8x4xi32, #tpu.memory_space<hbm>>
      %dma_start3A_436 = tpu.memref_squeeze %dma_start3A_435 : memref<1x8x4xi32, #tpu.memory_space<hbm>> -> memref<8x4xi32, #tpu.memory_space<hbm>>
      %dma_start3A_437 = arith.constant 0 : i32
      %dma_start3A_438 = arith.constant 0 : i32
      %dma_start3A_439 = tpu.memref_slice %arg2[%add3A, %dma_start3A_437, %dma_start3A_438] : memref<32x8x4xi32, #tpu.memory_space<hbm>> -> memref<1x8x4xi32, #tpu.memory_space<hbm>>
      %dma_start3A_440 = tpu.memref_squeeze %dma_start3A_439 : memref<1x8x4xi32, #tpu.memory_space<hbm>> -> memref<8x4xi32, #tpu.memory_space<hbm>>
      tpu.enqueue_dma source(%dma_start3A_440 : memref<8x4xi32, #tpu.memory_space<hbm>>) target(%arg5 : memref<8x4xi32, #tpu.memory_space<vmem>>) target_semaphore(%run_scoped3A : memref<!tpu.dma_semaphore, #tpu.memory_space<semaphore_mem>>)
      %dma_wait3A_441 = arith.constant 0 : i32
      %dma_wait3A_442 = arith.constant 0 : i32
      %dma_wait3A_443 = tpu.memref_slice %arg2[%add3A, %dma_wait3A_441, %dma_wait3A_442] : memref<32x8x4xi32, #tpu.memory_space<hbm>> -> memref<1x8x4xi32, #tpu.memory_space<hbm>>
      %dma_wait3A_444 = tpu.memref_squeeze %dma_wait3A_443 : memref<1x8x4xi32, #tpu.memory_space<hbm>> -> memref<8x4xi32, #tpu.memory_space<hbm>>
      %dma_wait3A_445 = arith.constant 0 : i32
      %dma_wait3A_446 = arith.constant 0 : i32
      %dma_wait3A_447 = tpu.memref_slice %arg2[%add3A, %dma_wait3A_445, %dma_wait3A_446] : memref<32x8x4xi32, #tpu.memory_space<hbm>> -> memref<1x8x4xi32, #tpu.memory_space<hbm>>
      %dma_wait3A_448 = tpu.memref_squeeze %dma_wait3A_447 : memref<1x8x4xi32, #tpu.memory_space<hbm>> -> memref<8x4xi32, #tpu.memory_space<hbm>>
      tpu.wait_dma2 semaphore(%run_scoped3A : memref<!tpu.dma_semaphore, #tpu.memory_space<semaphore_mem>>) src(%dma_wait3A_448 : memref<8x4xi32, #tpu.memory_space<hbm>>) dst(%arg5 : memref<8x4xi32, #tpu.memory_space<vmem>>)
      tpu.yield
    }) : () -> ()
    %dma_start3A = arith.constant 0 : i32
    %dma_start3A_3 = arith.constant 0 : i32
    %dma_start3A_4 = arith.constant 0 : i32
    %dma_start3A_5 = arith.constant 0 : i32
    %dma_start3A_6 = tpu.memref_slice %arg6[%dma_start3A_3, %dma_start3A_4, %dma_start3A_5] : memref<2x4x8192xf32, #tpu.memory_space<vmem>> -> memref<1x4x8192xf32, #tpu.memory_space<vmem>>
    %dma_start3A_7 = tpu.memref_squeeze %dma_start3A_6 : memref<1x4x8192xf32, #tpu.memory_space<vmem>> -> memref<4x8192xf32, #tpu.memory_space<vmem>>
    %dma_start3A_8 = arith.constant 0 : i32
    %dma_start3A_9 = tpu.memref_slice %arg5[%dma_start3A, %dma_start3A_8] : memref<8x4xi32, #tpu.memory_space<vmem>> -> memref<1x4xi32, #tpu.memory_space<vmem>>
    %dma_start3A_10 = tpu.memref_squeeze %dma_start3A_9 : memref<1x4xi32, #tpu.memory_space<vmem>> -> memref<4xi32, #tpu.memory_space<vmem>>
    %dma_start3A_11 = arith.constant 0 : i32
    %dma_start3A_12 = arith.constant 8192 : i32
    %dma_start3A_13 = tpu.memref_slice %arg3[%dma_start3A_11, %dma_start3A_12] : memref<1000x16384xf32, #tpu.memory_space<hbm>> -> memref<1000x8192xf32, #tpu.memory_space<hbm>>
    tpu.enqueue_indirect_dma source(%dma_start3A_13 : memref<1000x8192xf32, #tpu.memory_space<hbm>>) target(%dma_start3A_7 : memref<4x8192xf32, #tpu.memory_space<vmem>>) offsets(%dma_start3A_10 : memref<4xi32, #tpu.memory_space<vmem>>) semaphore(%arg7 : memref<!tpu.dma_semaphore, #tpu.memory_space<semaphore_mem>>)
    %dma_start3A_14 = arith.constant 1 : i32
    %dma_start3A_15 = arith.constant 1 : i32
    %dma_start3A_16 = arith.constant 0 : i32
    %dma_start3A_17 = arith.constant 0 : i32
    %dma_start3A_18 = tpu.memref_slice %arg6[%dma_start3A_15, %dma_start3A_16, %dma_start3A_17] : memref<2x4x8192xf32, #tpu.memory_space<vmem>> -> memref<1x4x8192xf32, #tpu.memory_space<vmem>>
    %dma_start3A_19 = tpu.memref_squeeze %dma_start3A_18 : memref<1x4x8192xf32, #tpu.memory_space<vmem>> -> memref<4x8192xf32, #tpu.memory_space<vmem>>
    %dma_start3A_20 = arith.constant 0 : i32
    %dma_start3A_21 = tpu.memref_slice %arg5[%dma_start3A_14, %dma_start3A_20] : memref<8x4xi32, #tpu.memory_space<vmem>> -> memref<1x4xi32, #tpu.memory_space<vmem>>
    %dma_start3A_22 = tpu.memref_squeeze %dma_start3A_21 : memref<1x4xi32, #tpu.memory_space<vmem>> -> memref<4xi32, #tpu.memory_space<vmem>>
    %dma_start3A_23 = arith.constant 0 : i32
    %dma_start3A_24 = arith.constant 8192 : i32
    %dma_start3A_25 = tpu.memref_slice %arg3[%dma_start3A_23, %dma_start3A_24] : memref<1000x16384xf32, #tpu.memory_space<hbm>> -> memref<1000x8192xf32, #tpu.memory_space<hbm>>
    tpu.enqueue_indirect_dma source(%dma_start3A_25 : memref<1000x8192xf32, #tpu.memory_space<hbm>>) target(%dma_start3A_19 : memref<4x8192xf32, #tpu.memory_space<vmem>>) offsets(%dma_start3A_22 : memref<4xi32, #tpu.memory_space<vmem>>) semaphore(%arg8 : memref<!tpu.dma_semaphore, #tpu.memory_space<semaphore_mem>>)
    %dma_wait3A = arith.constant 0 : i32
    %dma_wait3A_26 = arith.constant 0 : i32
    %dma_wait3A_27 = arith.constant 0 : i32
    %dma_wait3A_28 = arith.constant 0 : i32
    %dma_wait3A_29 = tpu.memref_slice %arg6[%dma_wait3A_26, %dma_wait3A_27, %dma_wait3A_28] : memref<2x4x8192xf32, #tpu.memory_space<vmem>> -> memref<1x4x8192xf32, #tpu.memory_space<vmem>>
    %dma_wait3A_30 = tpu.memref_squeeze %dma_wait3A_29 : memref<1x4x8192xf32, #tpu.memory_space<vmem>> -> memref<4x8192xf32, #tpu.memory_space<vmem>>
    %dma_wait3A_31 = arith.constant 0 : i32
    %dma_wait3A_32 = tpu.memref_slice %arg5[%dma_wait3A, %dma_wait3A_31] : memref<8x4xi32, #tpu.memory_space<vmem>> -> memref<1x4xi32, #tpu.memory_space<vmem>>
    %dma_wait3A_33 = tpu.memref_squeeze %dma_wait3A_32 : memref<1x4xi32, #tpu.memory_space<vmem>> -> memref<4xi32, #tpu.memory_space<vmem>>
    %dma_wait3A_34 = arith.constant 0 : i32
    %dma_wait3A_35 = arith.constant 8192 : i32
    %dma_wait3A_36 = tpu.memref_slice %arg3[%dma_wait3A_34, %dma_wait3A_35] : memref<1000x16384xf32, #tpu.memory_space<hbm>> -> memref<1000x8192xf32, #tpu.memory_space<hbm>>
    tpu.wait_indirect_dma semaphore(%arg7 : memref<!tpu.dma_semaphore, #tpu.memory_space<semaphore_mem>>) src(%dma_wait3A_36 : memref<1000x8192xf32, #tpu.memory_space<hbm>>) dst(%dma_wait3A_30 : memref<4x8192xf32, #tpu.memory_space<vmem>>)
    %add3A_37 = arith.constant 0 : i32
    %add3A_38 = arith.addi %mul3A_2, %add3A_37 : i32
    %dma_start3A_39 = arith.constant 0 : i32
    %dma_start3A_40 = arith.constant 0 : i32
    %dma_start3A_41 = arith.constant 0 : i32
    %dma_start3A_42 = tpu.memref_slice %arg6[%dma_start3A_39, %dma_start3A_40, %dma_start3A_41] : memref<2x4x8192xf32, #tpu.memory_space<vmem>> -> memref<1x4x8192xf32, #tpu.memory_space<vmem>>
    %dma_start3A_43 = tpu.memref_squeeze %dma_start3A_42 : memref<1x4x8192xf32, #tpu.memory_space<vmem>> -> memref<4x8192xf32, #tpu.memory_space<vmem>>
    %dma_start3A_44 = arith.constant 0 : i32
    %dma_start3A_45 = tpu.memref_slice %arg4[%add3A_38, %dma_start3A_44] : memref<1024x8192xf32, #tpu.memory_space<hbm>> -> memref<4x8192xf32, #tpu.memory_space<hbm>>
    %dma_start3A_46 = arith.constant 0 : i32
    %dma_start3A_47 = tpu.memref_slice %arg4[%add3A_38, %dma_start3A_46] : memref<1024x8192xf32, #tpu.memory_space<hbm>> -> memref<4x8192xf32, #tpu.memory_space<hbm>>
    %dma_start3A_48 = arith.constant 0 : i32
    %dma_start3A_49 = arith.constant 0 : i32
    %dma_start3A_50 = tpu.memref_slice %arg6[%dma_start3A_39, %dma_start3A_48, %dma_start3A_49] : memref<2x4x8192xf32, #tpu.memory_space<vmem>> -> memref<1x4x8192xf32, #tpu.memory_space<vmem>>
    %dma_start3A_51 = tpu.memref_squeeze %dma_start3A_50 : memref<1x4x8192xf32, #tpu.memory_space<vmem>> -> memref<4x8192xf32, #tpu.memory_space<vmem>>
    tpu.enqueue_dma source(%dma_start3A_51 : memref<4x8192xf32, #tpu.memory_space<vmem>>) target(%dma_start3A_47 : memref<4x8192xf32, #tpu.memory_space<hbm>>) target_semaphore(%arg9 : memref<!tpu.dma_semaphore, #tpu.memory_space<semaphore_mem>>)
    %add3A_52 = arith.constant 0 : i32
    %add3A_53 = arith.addi %mul3A_2, %add3A_52 : i32
    %dma_wait3A_54 = arith.constant 0 : i32
    %dma_wait3A_55 = arith.constant 0 : i32
    %dma_wait3A_56 = arith.constant 0 : i32
    %dma_wait3A_57 = tpu.memref_slice %arg6[%dma_wait3A_54, %dma_wait3A_55, %dma_wait3A_56] : memref<2x4x8192xf32, #tpu.memory_space<vmem>> -> memref<1x4x8192xf32, #tpu.memory_space<vmem>>
    %dma_wait3A_58 = tpu.memref_squeeze %dma_wait3A_57 : memref<1x4x8192xf32, #tpu.memory_space<vmem>> -> memref<4x8192xf32, #tpu.memory_space<vmem>>
    %dma_wait3A_59 = arith.constant 0 : i32
    %dma_wait3A_60 = tpu.memref_slice %arg4[%add3A_53, %dma_wait3A_59] : memref<1024x8192xf32, #tpu.memory_space<hbm>> -> memref<4x8192xf32, #tpu.memory_space<hbm>>
    %dma_wait3A_61 = arith.constant 0 : i32
    %dma_wait3A_62 = tpu.memref_slice %arg4[%add3A_53, %dma_wait3A_61] : memref<1024x8192xf32, #tpu.memory_space<hbm>> -> memref<4x8192xf32, #tpu.memory_space<hbm>>
    %dma_wait3A_63 = arith.constant 0 : i32
    %dma_wait3A_64 = arith.constant 0 : i32
    %dma_wait3A_65 = tpu.memref_slice %arg6[%dma_wait3A_54, %dma_wait3A_63, %dma_wait3A_64] : memref<2x4x8192xf32, #tpu.memory_space<vmem>> -> memref<1x4x8192xf32, #tpu.memory_space<vmem>>
    %dma_wait3A_66 = tpu.memref_squeeze %dma_wait3A_65 : memref<1x4x8192xf32, #tpu.memory_space<vmem>> -> memref<4x8192xf32, #tpu.memory_space<vmem>>
    tpu.wait_dma2 semaphore(%arg9 : memref<!tpu.dma_semaphore, #tpu.memory_space<semaphore_mem>>) src(%dma_wait3A_66 : memref<4x8192xf32, #tpu.memory_space<vmem>>) dst(%dma_wait3A_62 : memref<4x8192xf32, #tpu.memory_space<hbm>>)
    %dma_start3A_67 = arith.constant 2 : i32
    %dma_start3A_68 = arith.constant 0 : i32
    %dma_start3A_69 = arith.constant 0 : i32
    %dma_start3A_70 = arith.constant 0 : i32
    %dma_start3A_71 = tpu.memref_slice %arg6[%dma_start3A_68, %dma_start3A_69, %dma_start3A_70] : memref<2x4x8192xf32, #tpu.memory_space<vmem>> -> memref<1x4x8192xf32, #tpu.memory_space<vmem>>
    %dma_start3A_72 = tpu.memref_squeeze %dma_start3A_71 : memref<1x4x8192xf32, #tpu.memory_space<vmem>> -> memref<4x8192xf32, #tpu.memory_space<vmem>>
    %dma_start3A_73 = arith.constant 0 : i32
    %dma_start3A_74 = tpu.memref_slice %arg5[%dma_start3A_67, %dma_start3A_73] : memref<8x4xi32, #tpu.memory_space<vmem>> -> memref<1x4xi32, #tpu.memory_space<vmem>>
    %dma_start3A_75 = tpu.memref_squeeze %dma_start3A_74 : memref<1x4xi32, #tpu.memory_space<vmem>> -> memref<4xi32, #tpu.memory_space<vmem>>
    %dma_start3A_76 = arith.constant 0 : i32
    %dma_start3A_77 = arith.constant 8192 : i32
    %dma_start3A_78 = tpu.memref_slice %arg3[%dma_start3A_76, %dma_start3A_77] : memref<1000x16384xf32, #tpu.memory_space<hbm>> -> memref<1000x8192xf32, #tpu.memory_space<hbm>>
    tpu.enqueue_indirect_dma source(%dma_start3A_78 : memref<1000x8192xf32, #tpu.memory_space<hbm>>) target(%dma_start3A_72 : memref<4x8192xf32, #tpu.memory_space<vmem>>) offsets(%dma_start3A_75 : memref<4xi32, #tpu.memory_space<vmem>>) semaphore(%arg7 : memref<!tpu.dma_semaphore, #tpu.memory_space<semaphore_mem>>)
    %dma_wait3A_79 = arith.constant 1 : i32
    %dma_wait3A_80 = arith.constant 1 : i32
    %dma_wait3A_81 = arith.constant 0 : i32
    %dma_wait3A_82 = arith.constant 0 : i32
    %dma_wait3A_83 = tpu.memref_slice %arg6[%dma_wait3A_80, %dma_wait3A_81, %dma_wait3A_82] : memref<2x4x8192xf32, #tpu.memory_space<vmem>> -> memref<1x4x8192xf32, #tpu.memory_space<vmem>>
    %dma_wait3A_84 = tpu.memref_squeeze %dma_wait3A_83 : memref<1x4x8192xf32, #tpu.memory_space<vmem>> -> memref<4x8192xf32, #tpu.memory_space<vmem>>
    %dma_wait3A_85 = arith.constant 0 : i32
    %dma_wait3A_86 = tpu.memref_slice %arg5[%dma_wait3A_79, %dma_wait3A_85] : memref<8x4xi32, #tpu.memory_space<vmem>> -> memref<1x4xi32, #tpu.memory_space<vmem>>
    %dma_wait3A_87 = tpu.memref_squeeze %dma_wait3A_86 : memref<1x4xi32, #tpu.memory_space<vmem>> -> memref<4xi32, #tpu.memory_space<vmem>>
    %dma_wait3A_88 = arith.constant 0 : i32
    %dma_wait3A_89 = arith.constant 8192 : i32
    %dma_wait3A_90 = tpu.memref_slice %arg3[%dma_wait3A_88, %dma_wait3A_89] : memref<1000x16384xf32, #tpu.memory_space<hbm>> -> memref<1000x8192xf32, #tpu.memory_space<hbm>>
    tpu.wait_indirect_dma semaphore(%arg8 : memref<!tpu.dma_semaphore, #tpu.memory_space<semaphore_mem>>) src(%dma_wait3A_90 : memref<1000x8192xf32, #tpu.memory_space<hbm>>) dst(%dma_wait3A_84 : memref<4x8192xf32, #tpu.memory_space<vmem>>)
    %add3A_91 = arith.constant 4 : i32
    %add3A_92 = arith.addi %mul3A_2, %add3A_91 : i32
    %dma_start3A_93 = arith.constant 1 : i32
    %dma_start3A_94 = arith.constant 0 : i32
    %dma_start3A_95 = arith.constant 0 : i32
    %dma_start3A_96 = tpu.memref_slice %arg6[%dma_start3A_93, %dma_start3A_94, %dma_start3A_95] : memref<2x4x8192xf32, #tpu.memory_space<vmem>> -> memref<1x4x8192xf32, #tpu.memory_space<vmem>>
    %dma_start3A_97 = tpu.memref_squeeze %dma_start3A_96 : memref<1x4x8192xf32, #tpu.memory_space<vmem>> -> memref<4x8192xf32, #tpu.memory_space<vmem>>
    %dma_start3A_98 = arith.constant 0 : i32
    %dma_start3A_99 = tpu.memref_slice %arg4[%add3A_92, %dma_start3A_98] : memref<1024x8192xf32, #tpu.memory_space<hbm>> -> memref<4x8192xf32, #tpu.memory_space<hbm>>
    %dma_start3A_100 = arith.constant 0 : i32
    %dma_start3A_101 = tpu.memref_slice %arg4[%add3A_92, %dma_start3A_100] : memref<1024x8192xf32, #tpu.memory_space<hbm>> -> memref<4x8192xf32, #tpu.memory_space<hbm>>
    %dma_start3A_102 = arith.constant 0 : i32
    %dma_start3A_103 = arith.constant 0 : i32
    %dma_start3A_104 = tpu.memref_slice %arg6[%dma_start3A_93, %dma_start3A_102, %dma_start3A_103] : memref<2x4x8192xf32, #tpu.memory_space<vmem>> -> memref<1x4x8192xf32, #tpu.memory_space<vmem>>
    %dma_start3A_105 = tpu.memref_squeeze %dma_start3A_104 : memref<1x4x8192xf32, #tpu.memory_space<vmem>> -> memref<4x8192xf32, #tpu.memory_space<vmem>>
    tpu.enqueue_dma source(%dma_start3A_105 : memref<4x8192xf32, #tpu.memory_space<vmem>>) target(%dma_start3A_101 : memref<4x8192xf32, #tpu.memory_space<hbm>>) target_semaphore(%arg10 : memref<!tpu.dma_semaphore, #tpu.memory_space<semaphore_mem>>)
    %add3A_106 = arith.constant 4 : i32
    %add3A_107 = arith.addi %mul3A_2, %add3A_106 : i32
    %dma_wait3A_108 = arith.constant 1 : i32
    %dma_wait3A_109 = arith.constant 0 : i32
    %dma_wait3A_110 = arith.constant 0 : i32
    %dma_wait3A_111 = tpu.memref_slice %arg6[%dma_wait3A_108, %dma_wait3A_109, %dma_wait3A_110] : memref<2x4x8192xf32, #tpu.memory_space<vmem>> -> memref<1x4x8192xf32, #tpu.memory_space<vmem>>
    %dma_wait3A_112 = tpu.memref_squeeze %dma_wait3A_111 : memref<1x4x8192xf32, #tpu.memory_space<vmem>> -> memref<4x8192xf32, #tpu.memory_space<vmem>>
    %dma_wait3A_113 = arith.constant 0 : i32
    %dma_wait3A_114 = tpu.memref_slice %arg4[%add3A_107, %dma_wait3A_113] : memref<1024x8192xf32, #tpu.memory_space<hbm>> -> memref<4x8192xf32, #tpu.memory_space<hbm>>
    %dma_wait3A_115 = arith.constant 0 : i32
    %dma_wait3A_116 = tpu.memref_slice %arg4[%add3A_107, %dma_wait3A_115] : memref<1024x8192xf32, #tpu.memory_space<hbm>> -> memref<4x8192xf32, #tpu.memory_space<hbm>>
    %dma_wait3A_117 = arith.constant 0 : i32
    %dma_wait3A_118 = arith.constant 0 : i32
    %dma_wait3A_119 = tpu.memref_slice %arg6[%dma_wait3A_108, %dma_wait3A_117, %dma_wait3A_118] : memref<2x4x8192xf32, #tpu.memory_space<vmem>> -> memref<1x4x8192xf32, #tpu.memory_space<vmem>>
    %dma_wait3A_120 = tpu.memref_squeeze %dma_wait3A_119 : memref<1x4x8192xf32, #tpu.memory_space<vmem>> -> memref<4x8192xf32, #tpu.memory_space<vmem>>
    tpu.wait_dma2 semaphore(%arg10 : memref<!tpu.dma_semaphore, #tpu.memory_space<semaphore_mem>>) src(%dma_wait3A_120 : memref<4x8192xf32, #tpu.memory_space<vmem>>) dst(%dma_wait3A_116 : memref<4x8192xf32, #tpu.memory_space<hbm>>)
    %dma_start3A_121 = arith.constant 3 : i32
    %dma_start3A_122 = arith.constant 1 : i32
    %dma_start3A_123 = arith.constant 0 : i32
    %dma_start3A_124 = arith.constant 0 : i32
    %dma_start3A_125 = tpu.memref_slice %arg6[%dma_start3A_122, %dma_start3A_123, %dma_start3A_124] : memref<2x4x8192xf32, #tpu.memory_space<vmem>> -> memref<1x4x8192xf32, #tpu.memory_space<vmem>>
    %dma_start3A_126 = tpu.memref_squeeze %dma_start3A_125 : memref<1x4x8192xf32, #tpu.memory_space<vmem>> -> memref<4x8192xf32, #tpu.memory_space<vmem>>
    %dma_start3A_127 = arith.constant 0 : i32
    %dma_start3A_128 = tpu.memref_slice %arg5[%dma_start3A_121, %dma_start3A_127] : memref<8x4xi32, #tpu.memory_space<vmem>> -> memref<1x4xi32, #tpu.memory_space<vmem>>
    %dma_start3A_129 = tpu.memref_squeeze %dma_start3A_128 : memref<1x4xi32, #tpu.memory_space<vmem>> -> memref<4xi32, #tpu.memory_space<vmem>>
    %dma_start3A_130 = arith.constant 0 : i32
    %dma_start3A_131 = arith.constant 8192 : i32
    %dma_start3A_132 = tpu.memref_slice %arg3[%dma_start3A_130, %dma_start3A_131] : memref<1000x16384xf32, #tpu.memory_space<hbm>> -> memref<1000x8192xf32, #tpu.memory_space<hbm>>
    tpu.enqueue_indirect_dma source(%dma_start3A_132 : memref<1000x8192xf32, #tpu.memory_space<hbm>>) target(%dma_start3A_126 : memref<4x8192xf32, #tpu.memory_space<vmem>>) offsets(%dma_start3A_129 : memref<4xi32, #tpu.memory_space<vmem>>) semaphore(%arg8 : memref<!tpu.dma_semaphore, #tpu.memory_space<semaphore_mem>>)
    %dma_wait3A_133 = arith.constant 2 : i32
    %dma_wait3A_134 = arith.constant 0 : i32
    %dma_wait3A_135 = arith.constant 0 : i32
    %dma_wait3A_136 = arith.constant 0 : i32
    %dma_wait3A_137 = tpu.memref_slice %arg6[%dma_wait3A_134, %dma_wait3A_135, %dma_wait3A_136] : memref<2x4x8192xf32, #tpu.memory_space<vmem>> -> memref<1x4x8192xf32, #tpu.memory_space<vmem>>
    %dma_wait3A_138 = tpu.memref_squeeze %dma_wait3A_137 : memref<1x4x8192xf32, #tpu.memory_space<vmem>> -> memref<4x8192xf32, #tpu.memory_space<vmem>>
    %dma_wait3A_139 = arith.constant 0 : i32
    %dma_wait3A_140 = tpu.memref_slice %arg5[%dma_wait3A_133, %dma_wait3A_139] : memref<8x4xi32, #tpu.memory_space<vmem>> -> memref<1x4xi32, #tpu.memory_space<vmem>>
    %dma_wait3A_141 = tpu.memref_squeeze %dma_wait3A_140 : memref<1x4xi32, #tpu.memory_space<vmem>> -> memref<4xi32, #tpu.memory_space<vmem>>
    %dma_wait3A_142 = arith.constant 0 : i32
    %dma_wait3A_143 = arith.constant 8192 : i32
    %dma_wait3A_144 = tpu.memref_slice %arg3[%dma_wait3A_142, %dma_wait3A_143] : memref<1000x16384xf32, #tpu.memory_space<hbm>> -> memref<1000x8192xf32, #tpu.memory_space<hbm>>
    tpu.wait_indirect_dma semaphore(%arg7 : memref<!tpu.dma_semaphore, #tpu.memory_space<semaphore_mem>>) src(%dma_wait3A_144 : memref<1000x8192xf32, #tpu.memory_space<hbm>>) dst(%dma_wait3A_138 : memref<4x8192xf32, #tpu.memory_space<vmem>>)
    %add3A_145 = arith.constant 8 : i32
    %add3A_146 = arith.addi %mul3A_2, %add3A_145 : i32
    %dma_start3A_147 = arith.constant 0 : i32
    %dma_start3A_148 = arith.constant 0 : i32
    %dma_start3A_149 = arith.constant 0 : i32
    %dma_start3A_150 = tpu.memref_slice %arg6[%dma_start3A_147, %dma_start3A_148, %dma_start3A_149] : memref<2x4x8192xf32, #tpu.memory_space<vmem>> -> memref<1x4x8192xf32, #tpu.memory_space<vmem>>
    %dma_start3A_151 = tpu.memref_squeeze %dma_start3A_150 : memref<1x4x8192xf32, #tpu.memory_space<vmem>> -> memref<4x8192xf32, #tpu.memory_space<vmem>>
    %dma_start3A_152 = arith.constant 0 : i32
    %dma_start3A_153 = tpu.memref_slice %arg4[%add3A_146, %dma_start3A_152] : memref<1024x8192xf32, #tpu.memory_space<hbm>> -> memref<4x8192xf32, #tpu.memory_space<hbm>>
    %dma_start3A_154 = arith.constant 0 : i32
    %dma_start3A_155 = tpu.memref_slice %arg4[%add3A_146, %dma_start3A_154] : memref<1024x8192xf32, #tpu.memory_space<hbm>> -> memref<4x8192xf32, #tpu.memory_space<hbm>>
    %dma_start3A_156 = arith.constant 0 : i32
    %dma_start3A_157 = arith.constant 0 : i32
    %dma_start3A_158 = tpu.memref_slice %arg6[%dma_start3A_147, %dma_start3A_156, %dma_start3A_157] : memref<2x4x8192xf32, #tpu.memory_space<vmem>> -> memref<1x4x8192xf32, #tpu.memory_space<vmem>>
    %dma_start3A_159 = tpu.memref_squeeze %dma_start3A_158 : memref<1x4x8192xf32, #tpu.memory_space<vmem>> -> memref<4x8192xf32, #tpu.memory_space<vmem>>
    tpu.enqueue_dma source(%dma_start3A_159 : memref<4x8192xf32, #tpu.memory_space<vmem>>) target(%dma_start3A_155 : memref<4x8192xf32, #tpu.memory_space<hbm>>) target_semaphore(%arg9 : memref<!tpu.dma_semaphore, #tpu.memory_space<semaphore_mem>>)
    %add3A_160 = arith.constant 8 : i32
    %add3A_161 = arith.addi %mul3A_2, %add3A_160 : i32
    %dma_wait3A_162 = arith.constant 0 : i32
    %dma_wait3A_163 = arith.constant 0 : i32
    %dma_wait3A_164 = arith.constant 0 : i32
    %dma_wait3A_165 = tpu.memref_slice %arg6[%dma_wait3A_162, %dma_wait3A_163, %dma_wait3A_164] : memref<2x4x8192xf32, #tpu.memory_space<vmem>> -> memref<1x4x8192xf32, #tpu.memory_space<vmem>>
    %dma_wait3A_166 = tpu.memref_squeeze %dma_wait3A_165 : memref<1x4x8192xf32, #tpu.memory_space<vmem>> -> memref<4x8192xf32, #tpu.memory_space<vmem>>
    %dma_wait3A_167 = arith.constant 0 : i32
    %dma_wait3A_168 = tpu.memref_slice %arg4[%add3A_161, %dma_wait3A_167] : memref<1024x8192xf32, #tpu.memory_space<hbm>> -> memref<4x8192xf32, #tpu.memory_space<hbm>>
    %dma_wait3A_169 = arith.constant 0 : i32
    %dma_wait3A_170 = tpu.memref_slice %arg4[%add3A_161, %dma_wait3A_169] : memref<1024x8192xf32, #tpu.memory_space<hbm>> -> memref<4x8192xf32, #tpu.memory_space<hbm>>
    %dma_wait3A_171 = arith.constant 0 : i32
    %dma_wait3A_172 = arith.constant 0 : i32
    %dma_wait3A_173 = tpu.memref_slice %arg6[%dma_wait3A_162, %dma_wait3A_171, %dma_wait3A_172] : memref<2x4x8192xf32, #tpu.memory_space<vmem>> -> memref<1x4x8192xf32, #tpu.memory_space<vmem>>
    %dma_wait3A_174 = tpu.memref_squeeze %dma_wait3A_173 : memref<1x4x8192xf32, #tpu.memory_space<vmem>> -> memref<4x8192xf32, #tpu.memory_space<vmem>>
    tpu.wait_dma2 semaphore(%arg9 : memref<!tpu.dma_semaphore, #tpu.memory_space<semaphore_mem>>) src(%dma_wait3A_174 : memref<4x8192xf32, #tpu.memory_space<vmem>>) dst(%dma_wait3A_170 : memref<4x8192xf32, #tpu.memory_space<hbm>>)
    %dma_start3A_175 = arith.constant 4 : i32
    %dma_start3A_176 = arith.constant 0 : i32
    %dma_start3A_177 = arith.constant 0 : i32
    %dma_start3A_178 = arith.constant 0 : i32
    %dma_start3A_179 = tpu.memref_slice %arg6[%dma_start3A_176, %dma_start3A_177, %dma_start3A_178] : memref<2x4x8192xf32, #tpu.memory_space<vmem>> -> memref<1x4x8192xf32, #tpu.memory_space<vmem>>
    %dma_start3A_180 = tpu.memref_squeeze %dma_start3A_179 : memref<1x4x8192xf32, #tpu.memory_space<vmem>> -> memref<4x8192xf32, #tpu.memory_space<vmem>>
    %dma_start3A_181 = arith.constant 0 : i32
    %dma_start3A_182 = tpu.memref_slice %arg5[%dma_start3A_175, %dma_start3A_181] : memref<8x4xi32, #tpu.memory_space<vmem>> -> memref<1x4xi32, #tpu.memory_space<vmem>>
    %dma_start3A_183 = tpu.memref_squeeze %dma_start3A_182 : memref<1x4xi32, #tpu.memory_space<vmem>> -> memref<4xi32, #tpu.memory_space<vmem>>
    %dma_start3A_184 = arith.constant 0 : i32
    %dma_start3A_185 = arith.constant 8192 : i32
    %dma_start3A_186 = tpu.memref_slice %arg3[%dma_start3A_184, %dma_start3A_185] : memref<1000x16384xf32, #tpu.memory_space<hbm>> -> memref<1000x8192xf32, #tpu.memory_space<hbm>>
    tpu.enqueue_indirect_dma source(%dma_start3A_186 : memref<1000x8192xf32, #tpu.memory_space<hbm>>) target(%dma_start3A_180 : memref<4x8192xf32, #tpu.memory_space<vmem>>) offsets(%dma_start3A_183 : memref<4xi32, #tpu.memory_space<vmem>>) semaphore(%arg7 : memref<!tpu.dma_semaphore, #tpu.memory_space<semaphore_mem>>)
    %dma_wait3A_187 = arith.constant 3 : i32
    %dma_wait3A_188 = arith.constant 1 : i32
    %dma_wait3A_189 = arith.constant 0 : i32
    %dma_wait3A_190 = arith.constant 0 : i32
    %dma_wait3A_191 = tpu.memref_slice %arg6[%dma_wait3A_188, %dma_wait3A_189, %dma_wait3A_190] : memref<2x4x8192xf32, #tpu.memory_space<vmem>> -> memref<1x4x8192xf32, #tpu.memory_space<vmem>>
    %dma_wait3A_192 = tpu.memref_squeeze %dma_wait3A_191 : memref<1x4x8192xf32, #tpu.memory_space<vmem>> -> memref<4x8192xf32, #tpu.memory_space<vmem>>
    %dma_wait3A_193 = arith.constant 0 : i32
    %dma_wait3A_194 = tpu.memref_slice %arg5[%dma_wait3A_187, %dma_wait3A_193] : memref<8x4xi32, #tpu.memory_space<vmem>> -> memref<1x4xi32, #tpu.memory_space<vmem>>
    %dma_wait3A_195 = tpu.memref_squeeze %dma_wait3A_194 : memref<1x4xi32, #tpu.memory_space<vmem>> -> memref<4xi32, #tpu.memory_space<vmem>>
    %dma_wait3A_196 = arith.constant 0 : i32
    %dma_wait3A_197 = arith.constant 8192 : i32
    %dma_wait3A_198 = tpu.memref_slice %arg3[%dma_wait3A_196, %dma_wait3A_197] : memref<1000x16384xf32, #tpu.memory_space<hbm>> -> memref<1000x8192xf32, #tpu.memory_space<hbm>>
    tpu.wait_indirect_dma semaphore(%arg8 : memref<!tpu.dma_semaphore, #tpu.memory_space<semaphore_mem>>) src(%dma_wait3A_198 : memref<1000x8192xf32, #tpu.memory_space<hbm>>) dst(%dma_wait3A_192 : memref<4x8192xf32, #tpu.memory_space<vmem>>)
    %add3A_199 = arith.constant 12 : i32
    %add3A_200 = arith.addi %mul3A_2, %add3A_199 : i32
    %dma_start3A_201 = arith.constant 1 : i32
    %dma_start3A_202 = arith.constant 0 : i32
    %dma_start3A_203 = arith.constant 0 : i32
    %dma_start3A_204 = tpu.memref_slice %arg6[%dma_start3A_201, %dma_start3A_202, %dma_start3A_203] : memref<2x4x8192xf32, #tpu.memory_space<vmem>> -> memref<1x4x8192xf32, #tpu.memory_space<vmem>>
    %dma_start3A_205 = tpu.memref_squeeze %dma_start3A_204 : memref<1x4x8192xf32, #tpu.memory_space<vmem>> -> memref<4x8192xf32, #tpu.memory_space<vmem>>
    %dma_start3A_206 = arith.constant 0 : i32
    %dma_start3A_207 = tpu.memref_slice %arg4[%add3A_200, %dma_start3A_206] : memref<1024x8192xf32, #tpu.memory_space<hbm>> -> memref<4x8192xf32, #tpu.memory_space<hbm>>
    %dma_start3A_208 = arith.constant 0 : i32
    %dma_start3A_209 = tpu.memref_slice %arg4[%add3A_200, %dma_start3A_208] : memref<1024x8192xf32, #tpu.memory_space<hbm>> -> memref<4x8192xf32, #tpu.memory_space<hbm>>
    %dma_start3A_210 = arith.constant 0 : i32
    %dma_start3A_211 = arith.constant 0 : i32
    %dma_start3A_212 = tpu.memref_slice %arg6[%dma_start3A_201, %dma_start3A_210, %dma_start3A_211] : memref<2x4x8192xf32, #tpu.memory_space<vmem>> -> memref<1x4x8192xf32, #tpu.memory_space<vmem>>
    %dma_start3A_213 = tpu.memref_squeeze %dma_start3A_212 : memref<1x4x8192xf32, #tpu.memory_space<vmem>> -> memref<4x8192xf32, #tpu.memory_space<vmem>>
    tpu.enqueue_dma source(%dma_start3A_213 : memref<4x8192xf32, #tpu.memory_space<vmem>>) target(%dma_start3A_209 : memref<4x8192xf32, #tpu.memory_space<hbm>>) target_semaphore(%arg10 : memref<!tpu.dma_semaphore, #tpu.memory_space<semaphore_mem>>)
    %add3A_214 = arith.constant 12 : i32
    %add3A_215 = arith.addi %mul3A_2, %add3A_214 : i32
    %dma_wait3A_216 = arith.constant 1 : i32
    %dma_wait3A_217 = arith.constant 0 : i32
    %dma_wait3A_218 = arith.constant 0 : i32
    %dma_wait3A_219 = tpu.memref_slice %arg6[%dma_wait3A_216, %dma_wait3A_217, %dma_wait3A_218] : memref<2x4x8192xf32, #tpu.memory_space<vmem>> -> memref<1x4x8192xf32, #tpu.memory_space<vmem>>
    %dma_wait3A_220 = tpu.memref_squeeze %dma_wait3A_219 : memref<1x4x8192xf32, #tpu.memory_space<vmem>> -> memref<4x8192xf32, #tpu.memory_space<vmem>>
    %dma_wait3A_221 = arith.constant 0 : i32
    %dma_wait3A_222 = tpu.memref_slice %arg4[%add3A_215, %dma_wait3A_221] : memref<1024x8192xf32, #tpu.memory_space<hbm>> -> memref<4x8192xf32, #tpu.memory_space<hbm>>
    %dma_wait3A_223 = arith.constant 0 : i32
    %dma_wait3A_224 = tpu.memref_slice %arg4[%add3A_215, %dma_wait3A_223] : memref<1024x8192xf32, #tpu.memory_space<hbm>> -> memref<4x8192xf32, #tpu.memory_space<hbm>>
    %dma_wait3A_225 = arith.constant 0 : i32
    %dma_wait3A_226 = arith.constant 0 : i32
    %dma_wait3A_227 = tpu.memref_slice %arg6[%dma_wait3A_216, %dma_wait3A_225, %dma_wait3A_226] : memref<2x4x8192xf32, #tpu.memory_space<vmem>> -> memref<1x4x8192xf32, #tpu.memory_space<vmem>>
    %dma_wait3A_228 = tpu.memref_squeeze %dma_wait3A_227 : memref<1x4x8192xf32, #tpu.memory_space<vmem>> -> memref<4x8192xf32, #tpu.memory_space<vmem>>
    tpu.wait_dma2 semaphore(%arg10 : memref<!tpu.dma_semaphore, #tpu.memory_space<semaphore_mem>>) src(%dma_wait3A_228 : memref<4x8192xf32, #tpu.memory_space<vmem>>) dst(%dma_wait3A_224 : memref<4x8192xf32, #tpu.memory_space<hbm>>)
    %dma_start3A_229 = arith.constant 5 : i32
    %dma_start3A_230 = arith.constant 1 : i32
    %dma_start3A_231 = arith.constant 0 : i32
    %dma_start3A_232 = arith.constant 0 : i32
    %dma_start3A_233 = tpu.memref_slice %arg6[%dma_start3A_230, %dma_start3A_231, %dma_start3A_232] : memref<2x4x8192xf32, #tpu.memory_space<vmem>> -> memref<1x4x8192xf32, #tpu.memory_space<vmem>>
    %dma_start3A_234 = tpu.memref_squeeze %dma_start3A_233 : memref<1x4x8192xf32, #tpu.memory_space<vmem>> -> memref<4x8192xf32, #tpu.memory_space<vmem>>
    %dma_start3A_235 = arith.constant 0 : i32
    %dma_start3A_236 = tpu.memref_slice %arg5[%dma_start3A_229, %dma_start3A_235] : memref<8x4xi32, #tpu.memory_space<vmem>> -> memref<1x4xi32, #tpu.memory_space<vmem>>
    %dma_start3A_237 = tpu.memref_squeeze %dma_start3A_236 : memref<1x4xi32, #tpu.memory_space<vmem>> -> memref<4xi32, #tpu.memory_space<vmem>>
    %dma_start3A_238 = arith.constant 0 : i32
    %dma_start3A_239 = arith.constant 8192 : i32
    %dma_start3A_240 = tpu.memref_slice %arg3[%dma_start3A_238, %dma_start3A_239] : memref<1000x16384xf32, #tpu.memory_space<hbm>> -> memref<1000x8192xf32, #tpu.memory_space<hbm>>
    tpu.enqueue_indirect_dma source(%dma_start3A_240 : memref<1000x8192xf32, #tpu.memory_space<hbm>>) target(%dma_start3A_234 : memref<4x8192xf32, #tpu.memory_space<vmem>>) offsets(%dma_start3A_237 : memref<4xi32, #tpu.memory_space<vmem>>) semaphore(%arg8 : memref<!tpu.dma_semaphore, #tpu.memory_space<semaphore_mem>>)
    %dma_wait3A_241 = arith.constant 4 : i32
    %dma_wait3A_242 = arith.constant 0 : i32
    %dma_wait3A_243 = arith.constant 0 : i32
    %dma_wait3A_244 = arith.constant 0 : i32
    %dma_wait3A_245 = tpu.memref_slice %arg6[%dma_wait3A_242, %dma_wait3A_243, %dma_wait3A_244] : memref<2x4x8192xf32, #tpu.memory_space<vmem>> -> memref<1x4x8192xf32, #tpu.memory_space<vmem>>
    %dma_wait3A_246 = tpu.memref_squeeze %dma_wait3A_245 : memref<1x4x8192xf32, #tpu.memory_space<vmem>> -> memref<4x8192xf32, #tpu.memory_space<vmem>>
    %dma_wait3A_247 = arith.constant 0 : i32
    %dma_wait3A_248 = tpu.memref_slice %arg5[%dma_wait3A_241, %dma_wait3A_247] : memref<8x4xi32, #tpu.memory_space<vmem>> -> memref<1x4xi32, #tpu.memory_space<vmem>>
    %dma_wait3A_249 = tpu.memref_squeeze %dma_wait3A_248 : memref<1x4xi32, #tpu.memory_space<vmem>> -> memref<4xi32, #tpu.memory_space<vmem>>
    %dma_wait3A_250 = arith.constant 0 : i32
    %dma_wait3A_251 = arith.constant 8192 : i32
    %dma_wait3A_252 = tpu.memref_slice %arg3[%dma_wait3A_250, %dma_wait3A_251] : memref<1000x16384xf32, #tpu.memory_space<hbm>> -> memref<1000x8192xf32, #tpu.memory_space<hbm>>
    tpu.wait_indirect_dma semaphore(%arg7 : memref<!tpu.dma_semaphore, #tpu.memory_space<semaphore_mem>>) src(%dma_wait3A_252 : memref<1000x8192xf32, #tpu.memory_space<hbm>>) dst(%dma_wait3A_246 : memref<4x8192xf32, #tpu.memory_space<vmem>>)
    %add3A_253 = arith.constant 16 : i32
    %add3A_254 = arith.addi %mul3A_2, %add3A_253 : i32
    %dma_start3A_255 = arith.constant 0 : i32
    %dma_start3A_256 = arith.constant 0 : i32
    %dma_start3A_257 = arith.constant 0 : i32
    %dma_start3A_258 = tpu.memref_slice %arg6[%dma_start3A_255, %dma_start3A_256, %dma_start3A_257] : memref<2x4x8192xf32, #tpu.memory_space<vmem>> -> memref<1x4x8192xf32, #tpu.memory_space<vmem>>
    %dma_start3A_259 = tpu.memref_squeeze %dma_start3A_258 : memref<1x4x8192xf32, #tpu.memory_space<vmem>> -> memref<4x8192xf32, #tpu.memory_space<vmem>>
    %dma_start3A_260 = arith.constant 0 : i32
    %dma_start3A_261 = tpu.memref_slice %arg4[%add3A_254, %dma_start3A_260] : memref<1024x8192xf32, #tpu.memory_space<hbm>> -> memref<4x8192xf32, #tpu.memory_space<hbm>>
    %dma_start3A_262 = arith.constant 0 : i32
    %dma_start3A_263 = tpu.memref_slice %arg4[%add3A_254, %dma_start3A_262] : memref<1024x8192xf32, #tpu.memory_space<hbm>> -> memref<4x8192xf32, #tpu.memory_space<hbm>>
    %dma_start3A_264 = arith.constant 0 : i32
    %dma_start3A_265 = arith.constant 0 : i32
    %dma_start3A_266 = tpu.memref_slice %arg6[%dma_start3A_255, %dma_start3A_264, %dma_start3A_265] : memref<2x4x8192xf32, #tpu.memory_space<vmem>> -> memref<1x4x8192xf32, #tpu.memory_space<vmem>>
    %dma_start3A_267 = tpu.memref_squeeze %dma_start3A_266 : memref<1x4x8192xf32, #tpu.memory_space<vmem>> -> memref<4x8192xf32, #tpu.memory_space<vmem>>
    tpu.enqueue_dma source(%dma_start3A_267 : memref<4x8192xf32, #tpu.memory_space<vmem>>) target(%dma_start3A_263 : memref<4x8192xf32, #tpu.memory_space<hbm>>) target_semaphore(%arg9 : memref<!tpu.dma_semaphore, #tpu.memory_space<semaphore_mem>>)
    %add3A_268 = arith.constant 16 : i32
    %add3A_269 = arith.addi %mul3A_2, %add3A_268 : i32
    %dma_wait3A_270 = arith.constant 0 : i32
    %dma_wait3A_271 = arith.constant 0 : i32
    %dma_wait3A_272 = arith.constant 0 : i32
    %dma_wait3A_273 = tpu.memref_slice %arg6[%dma_wait3A_270, %dma_wait3A_271, %dma_wait3A_272] : memref<2x4x8192xf32, #tpu.memory_space<vmem>> -> memref<1x4x8192xf32, #tpu.memory_space<vmem>>
    %dma_wait3A_274 = tpu.memref_squeeze %dma_wait3A_273 : memref<1x4x8192xf32, #tpu.memory_space<vmem>> -> memref<4x8192xf32, #tpu.memory_space<vmem>>
    %dma_wait3A_275 = arith.constant 0 : i32
    %dma_wait3A_276 = tpu.memref_slice %arg4[%add3A_269, %dma_wait3A_275] : memref<1024x8192xf32, #tpu.memory_space<hbm>> -> memref<4x8192xf32, #tpu.memory_space<hbm>>
    %dma_wait3A_277 = arith.constant 0 : i32
    %dma_wait3A_278 = tpu.memref_slice %arg4[%add3A_269, %dma_wait3A_277] : memref<1024x8192xf32, #tpu.memory_space<hbm>> -> memref<4x8192xf32, #tpu.memory_space<hbm>>
    %dma_wait3A_279 = arith.constant 0 : i32
    %dma_wait3A_280 = arith.constant 0 : i32
    %dma_wait3A_281 = tpu.memref_slice %arg6[%dma_wait3A_270, %dma_wait3A_279, %dma_wait3A_280] : memref<2x4x8192xf32, #tpu.memory_space<vmem>> -> memref<1x4x8192xf32, #tpu.memory_space<vmem>>
    %dma_wait3A_282 = tpu.memref_squeeze %dma_wait3A_281 : memref<1x4x8192xf32, #tpu.memory_space<vmem>> -> memref<4x8192xf32, #tpu.memory_space<vmem>>
    tpu.wait_dma2 semaphore(%arg9 : memref<!tpu.dma_semaphore, #tpu.memory_space<semaphore_mem>>) src(%dma_wait3A_282 : memref<4x8192xf32, #tpu.memory_space<vmem>>) dst(%dma_wait3A_278 : memref<4x8192xf32, #tpu.memory_space<hbm>>)
    %dma_start3A_283 = arith.constant 6 : i32
    %dma_start3A_284 = arith.constant 0 : i32
    %dma_start3A_285 = arith.constant 0 : i32
    %dma_start3A_286 = arith.constant 0 : i32
    %dma_start3A_287 = tpu.memref_slice %arg6[%dma_start3A_284, %dma_start3A_285, %dma_start3A_286] : memref<2x4x8192xf32, #tpu.memory_space<vmem>> -> memref<1x4x8192xf32, #tpu.memory_space<vmem>>
    %dma_start3A_288 = tpu.memref_squeeze %dma_start3A_287 : memref<1x4x8192xf32, #tpu.memory_space<vmem>> -> memref<4x8192xf32, #tpu.memory_space<vmem>>
    %dma_start3A_289 = arith.constant 0 : i32
    %dma_start3A_290 = tpu.memref_slice %arg5[%dma_start3A_283, %dma_start3A_289] : memref<8x4xi32, #tpu.memory_space<vmem>> -> memref<1x4xi32, #tpu.memory_space<vmem>>
    %dma_start3A_291 = tpu.memref_squeeze %dma_start3A_290 : memref<1x4xi32, #tpu.memory_space<vmem>> -> memref<4xi32, #tpu.memory_space<vmem>>
    %dma_start3A_292 = arith.constant 0 : i32
    %dma_start3A_293 = arith.constant 8192 : i32
    %dma_start3A_294 = tpu.memref_slice %arg3[%dma_start3A_292, %dma_start3A_293] : memref<1000x16384xf32, #tpu.memory_space<hbm>> -> memref<1000x8192xf32, #tpu.memory_space<hbm>>
    tpu.enqueue_indirect_dma source(%dma_start3A_294 : memref<1000x8192xf32, #tpu.memory_space<hbm>>) target(%dma_start3A_288 : memref<4x8192xf32, #tpu.memory_space<vmem>>) offsets(%dma_start3A_291 : memref<4xi32, #tpu.memory_space<vmem>>) semaphore(%arg7 : memref<!tpu.dma_semaphore, #tpu.memory_space<semaphore_mem>>)
    %dma_wait3A_295 = arith.constant 5 : i32
    %dma_wait3A_296 = arith.constant 1 : i32
    %dma_wait3A_297 = arith.constant 0 : i32
    %dma_wait3A_298 = arith.constant 0 : i32
    %dma_wait3A_299 = tpu.memref_slice %arg6[%dma_wait3A_296, %dma_wait3A_297, %dma_wait3A_298] : memref<2x4x8192xf32, #tpu.memory_space<vmem>> -> memref<1x4x8192xf32, #tpu.memory_space<vmem>>
    %dma_wait3A_300 = tpu.memref_squeeze %dma_wait3A_299 : memref<1x4x8192xf32, #tpu.memory_space<vmem>> -> memref<4x8192xf32, #tpu.memory_space<vmem>>
    %dma_wait3A_301 = arith.constant 0 : i32
    %dma_wait3A_302 = tpu.memref_slice %arg5[%dma_wait3A_295, %dma_wait3A_301] : memref<8x4xi32, #tpu.memory_space<vmem>> -> memref<1x4xi32, #tpu.memory_space<vmem>>
    %dma_wait3A_303 = tpu.memref_squeeze %dma_wait3A_302 : memref<1x4xi32, #tpu.memory_space<vmem>> -> memref<4xi32, #tpu.memory_space<vmem>>
    %dma_wait3A_304 = arith.constant 0 : i32
    %dma_wait3A_305 = arith.constant 8192 : i32
    %dma_wait3A_306 = tpu.memref_slice %arg3[%dma_wait3A_304, %dma_wait3A_305] : memref<1000x16384xf32, #tpu.memory_space<hbm>> -> memref<1000x8192xf32, #tpu.memory_space<hbm>>
    tpu.wait_indirect_dma semaphore(%arg8 : memref<!tpu.dma_semaphore, #tpu.memory_space<semaphore_mem>>) src(%dma_wait3A_306 : memref<1000x8192xf32, #tpu.memory_space<hbm>>) dst(%dma_wait3A_300 : memref<4x8192xf32, #tpu.memory_space<vmem>>)
    %add3A_307 = arith.constant 20 : i32
    %add3A_308 = arith.addi %mul3A_2, %add3A_307 : i32
    %dma_start3A_309 = arith.constant 1 : i32
    %dma_start3A_310 = arith.constant 0 : i32
    %dma_start3A_311 = arith.constant 0 : i32
    %dma_start3A_312 = tpu.memref_slice %arg6[%dma_start3A_309, %dma_start3A_310, %dma_start3A_311] : memref<2x4x8192xf32, #tpu.memory_space<vmem>> -> memref<1x4x8192xf32, #tpu.memory_space<vmem>>
    %dma_start3A_313 = tpu.memref_squeeze %dma_start3A_312 : memref<1x4x8192xf32, #tpu.memory_space<vmem>> -> memref<4x8192xf32, #tpu.memory_space<vmem>>
    %dma_start3A_314 = arith.constant 0 : i32
    %dma_start3A_315 = tpu.memref_slice %arg4[%add3A_308, %dma_start3A_314] : memref<1024x8192xf32, #tpu.memory_space<hbm>> -> memref<4x8192xf32, #tpu.memory_space<hbm>>
    %dma_start3A_316 = arith.constant 0 : i32
    %dma_start3A_317 = tpu.memref_slice %arg4[%add3A_308, %dma_start3A_316] : memref<1024x8192xf32, #tpu.memory_space<hbm>> -> memref<4x8192xf32, #tpu.memory_space<hbm>>
    %dma_start3A_318 = arith.constant 0 : i32
    %dma_start3A_319 = arith.constant 0 : i32
    %dma_start3A_320 = tpu.memref_slice %arg6[%dma_start3A_309, %dma_start3A_318, %dma_start3A_319] : memref<2x4x8192xf32, #tpu.memory_space<vmem>> -> memref<1x4x8192xf32, #tpu.memory_space<vmem>>
    %dma_start3A_321 = tpu.memref_squeeze %dma_start3A_320 : memref<1x4x8192xf32, #tpu.memory_space<vmem>> -> memref<4x8192xf32, #tpu.memory_space<vmem>>
    tpu.enqueue_dma source(%dma_start3A_321 : memref<4x8192xf32, #tpu.memory_space<vmem>>) target(%dma_start3A_317 : memref<4x8192xf32, #tpu.memory_space<hbm>>) target_semaphore(%arg10 : memref<!tpu.dma_semaphore, #tpu.memory_space<semaphore_mem>>)
    %add3A_322 = arith.constant 20 : i32
    %add3A_323 = arith.addi %mul3A_2, %add3A_322 : i32
    %dma_wait3A_324 = arith.constant 1 : i32
    %dma_wait3A_325 = arith.constant 0 : i32
    %dma_wait3A_326 = arith.constant 0 : i32
    %dma_wait3A_327 = tpu.memref_slice %arg6[%dma_wait3A_324, %dma_wait3A_325, %dma_wait3A_326] : memref<2x4x8192xf32, #tpu.memory_space<vmem>> -> memref<1x4x8192xf32, #tpu.memory_space<vmem>>
    %dma_wait3A_328 = tpu.memref_squeeze %dma_wait3A_327 : memref<1x4x8192xf32, #tpu.memory_space<vmem>> -> memref<4x8192xf32, #tpu.memory_space<vmem>>
    %dma_wait3A_329 = arith.constant 0 : i32
    %dma_wait3A_330 = tpu.memref_slice %arg4[%add3A_323, %dma_wait3A_329] : memref<1024x8192xf32, #tpu.memory_space<hbm>> -> memref<4x8192xf32, #tpu.memory_space<hbm>>
    %dma_wait3A_331 = arith.constant 0 : i32
    %dma_wait3A_332 = tpu.memref_slice %arg4[%add3A_323, %dma_wait3A_331] : memref<1024x8192xf32, #tpu.memory_space<hbm>> -> memref<4x8192xf32, #tpu.memory_space<hbm>>
    %dma_wait3A_333 = arith.constant 0 : i32
    %dma_wait3A_334 = arith.constant 0 : i32
    %dma_wait3A_335 = tpu.memref_slice %arg6[%dma_wait3A_324, %dma_wait3A_333, %dma_wait3A_334] : memref<2x4x8192xf32, #tpu.memory_space<vmem>> -> memref<1x4x8192xf32, #tpu.memory_space<vmem>>
    %dma_wait3A_336 = tpu.memref_squeeze %dma_wait3A_335 : memref<1x4x8192xf32, #tpu.memory_space<vmem>> -> memref<4x8192xf32, #tpu.memory_space<vmem>>
    tpu.wait_dma2 semaphore(%arg10 : memref<!tpu.dma_semaphore, #tpu.memory_space<semaphore_mem>>) src(%dma_wait3A_336 : memref<4x8192xf32, #tpu.memory_space<vmem>>) dst(%dma_wait3A_332 : memref<4x8192xf32, #tpu.memory_space<hbm>>)
    %dma_start3A_337 = arith.constant 7 : i32
    %dma_start3A_338 = arith.constant 1 : i32
    %dma_start3A_339 = arith.constant 0 : i32
    %dma_start3A_340 = arith.constant 0 : i32
    %dma_start3A_341 = tpu.memref_slice %arg6[%dma_start3A_338, %dma_start3A_339, %dma_start3A_340] : memref<2x4x8192xf32, #tpu.memory_space<vmem>> -> memref<1x4x8192xf32, #tpu.memory_space<vmem>>
    %dma_start3A_342 = tpu.memref_squeeze %dma_start3A_341 : memref<1x4x8192xf32, #tpu.memory_space<vmem>> -> memref<4x8192xf32, #tpu.memory_space<vmem>>
    %dma_start3A_343 = arith.constant 0 : i32
    %dma_start3A_344 = tpu.memref_slice %arg5[%dma_start3A_337, %dma_start3A_343] : memref<8x4xi32, #tpu.memory_space<vmem>> -> memref<1x4xi32, #tpu.memory_space<vmem>>
    %dma_start3A_345 = tpu.memref_squeeze %dma_start3A_344 : memref<1x4xi32, #tpu.memory_space<vmem>> -> memref<4xi32, #tpu.memory_space<vmem>>
    %dma_start3A_346 = arith.constant 0 : i32
    %dma_start3A_347 = arith.constant 8192 : i32
    %dma_start3A_348 = tpu.memref_slice %arg3[%dma_start3A_346, %dma_start3A_347] : memref<1000x16384xf32, #tpu.memory_space<hbm>> -> memref<1000x8192xf32, #tpu.memory_space<hbm>>
    tpu.enqueue_indirect_dma source(%dma_start3A_348 : memref<1000x8192xf32, #tpu.memory_space<hbm>>) target(%dma_start3A_342 : memref<4x8192xf32, #tpu.memory_space<vmem>>) offsets(%dma_start3A_345 : memref<4xi32, #tpu.memory_space<vmem>>) semaphore(%arg8 : memref<!tpu.dma_semaphore, #tpu.memory_space<semaphore_mem>>)
    %dma_wait3A_349 = arith.constant 6 : i32
    %dma_wait3A_350 = arith.constant 0 : i32
    %dma_wait3A_351 = arith.constant 0 : i32
    %dma_wait3A_352 = arith.constant 0 : i32
    %dma_wait3A_353 = tpu.memref_slice %arg6[%dma_wait3A_350, %dma_wait3A_351, %dma_wait3A_352] : memref<2x4x8192xf32, #tpu.memory_space<vmem>> -> memref<1x4x8192xf32, #tpu.memory_space<vmem>>
    %dma_wait3A_354 = tpu.memref_squeeze %dma_wait3A_353 : memref<1x4x8192xf32, #tpu.memory_space<vmem>> -> memref<4x8192xf32, #tpu.memory_space<vmem>>
    %dma_wait3A_355 = arith.constant 0 : i32
    %dma_wait3A_356 = tpu.memref_slice %arg5[%dma_wait3A_349, %dma_wait3A_355] : memref<8x4xi32, #tpu.memory_space<vmem>> -> memref<1x4xi32, #tpu.memory_space<vmem>>
    %dma_wait3A_357 = tpu.memref_squeeze %dma_wait3A_356 : memref<1x4xi32, #tpu.memory_space<vmem>> -> memref<4xi32, #tpu.memory_space<vmem>>
    %dma_wait3A_358 = arith.constant 0 : i32
    %dma_wait3A_359 = arith.constant 8192 : i32
    %dma_wait3A_360 = tpu.memref_slice %arg3[%dma_wait3A_358, %dma_wait3A_359] : memref<1000x16384xf32, #tpu.memory_space<hbm>> -> memref<1000x8192xf32, #tpu.memory_space<hbm>>
    tpu.wait_indirect_dma semaphore(%arg7 : memref<!tpu.dma_semaphore, #tpu.memory_space<semaphore_mem>>) src(%dma_wait3A_360 : memref<1000x8192xf32, #tpu.memory_space<hbm>>) dst(%dma_wait3A_354 : memref<4x8192xf32, #tpu.memory_space<vmem>>)
    %add3A_361 = arith.constant 24 : i32
    %add3A_362 = arith.addi %mul3A_2, %add3A_361 : i32
    %dma_start3A_363 = arith.constant 0 : i32
    %dma_start3A_364 = arith.constant 0 : i32
    %dma_start3A_365 = arith.constant 0 : i32
    %dma_start3A_366 = tpu.memref_slice %arg6[%dma_start3A_363, %dma_start3A_364, %dma_start3A_365] : memref<2x4x8192xf32, #tpu.memory_space<vmem>> -> memref<1x4x8192xf32, #tpu.memory_space<vmem>>
    %dma_start3A_367 = tpu.memref_squeeze %dma_start3A_366 : memref<1x4x8192xf32, #tpu.memory_space<vmem>> -> memref<4x8192xf32, #tpu.memory_space<vmem>>
    %dma_start3A_368 = arith.constant 0 : i32
    %dma_start3A_369 = tpu.memref_slice %arg4[%add3A_362, %dma_start3A_368] : memref<1024x8192xf32, #tpu.memory_space<hbm>> -> memref<4x8192xf32, #tpu.memory_space<hbm>>
    %dma_start3A_370 = arith.constant 0 : i32
    %dma_start3A_371 = tpu.memref_slice %arg4[%add3A_362, %dma_start3A_370] : memref<1024x8192xf32, #tpu.memory_space<hbm>> -> memref<4x8192xf32, #tpu.memory_space<hbm>>
    %dma_start3A_372 = arith.constant 0 : i32
    %dma_start3A_373 = arith.constant 0 : i32
    %dma_start3A_374 = tpu.memref_slice %arg6[%dma_start3A_363, %dma_start3A_372, %dma_start3A_373] : memref<2x4x8192xf32, #tpu.memory_space<vmem>> -> memref<1x4x8192xf32, #tpu.memory_space<vmem>>
    %dma_start3A_375 = tpu.memref_squeeze %dma_start3A_374 : memref<1x4x8192xf32, #tpu.memory_space<vmem>> -> memref<4x8192xf32, #tpu.memory_space<vmem>>
    tpu.enqueue_dma source(%dma_start3A_375 : memref<4x8192xf32, #tpu.memory_space<vmem>>) target(%dma_start3A_371 : memref<4x8192xf32, #tpu.memory_space<hbm>>) target_semaphore(%arg9 : memref<!tpu.dma_semaphore, #tpu.memory_space<semaphore_mem>>)
    %dma_wait3A_376 = arith.constant 7 : i32
    %dma_wait3A_377 = arith.constant 1 : i32
    %dma_wait3A_378 = arith.constant 0 : i32
    %dma_wait3A_379 = arith.constant 0 : i32
    %dma_wait3A_380 = tpu.memref_slice %arg6[%dma_wait3A_377, %dma_wait3A_378, %dma_wait3A_379] : memref<2x4x8192xf32, #tpu.memory_space<vmem>> -> memref<1x4x8192xf32, #tpu.memory_space<vmem>>
    %dma_wait3A_381 = tpu.memref_squeeze %dma_wait3A_380 : memref<1x4x8192xf32, #tpu.memory_space<vmem>> -> memref<4x8192xf32, #tpu.memory_space<vmem>>
    %dma_wait3A_382 = arith.constant 0 : i32
    %dma_wait3A_383 = tpu.memref_slice %arg5[%dma_wait3A_376, %dma_wait3A_382] : memref<8x4xi32, #tpu.memory_space<vmem>> -> memref<1x4xi32, #tpu.memory_space<vmem>>
    %dma_wait3A_384 = tpu.memref_squeeze %dma_wait3A_383 : memref<1x4xi32, #tpu.memory_space<vmem>> -> memref<4xi32, #tpu.memory_space<vmem>>
    %dma_wait3A_385 = arith.constant 0 : i32
    %dma_wait3A_386 = arith.constant 8192 : i32
    %dma_wait3A_387 = tpu.memref_slice %arg3[%dma_wait3A_385, %dma_wait3A_386] : memref<1000x16384xf32, #tpu.memory_space<hbm>> -> memref<1000x8192xf32, #tpu.memory_space<hbm>>
    tpu.wait_indirect_dma semaphore(%arg8 : memref<!tpu.dma_semaphore, #tpu.memory_space<semaphore_mem>>) src(%dma_wait3A_387 : memref<1000x8192xf32, #tpu.memory_space<hbm>>) dst(%dma_wait3A_381 : memref<4x8192xf32, #tpu.memory_space<vmem>>)
    %add3A_388 = arith.constant 28 : i32
    %add3A_389 = arith.addi %mul3A_2, %add3A_388 : i32
    %dma_start3A_390 = arith.constant 1 : i32
    %dma_start3A_391 = arith.constant 0 : i32
    %dma_start3A_392 = arith.constant 0 : i32
    %dma_start3A_393 = tpu.memref_slice %arg6[%dma_start3A_390, %dma_start3A_391, %dma_start3A_392] : memref<2x4x8192xf32, #tpu.memory_space<vmem>> -> memref<1x4x8192xf32, #tpu.memory_space<vmem>>
    %dma_start3A_394 = tpu.memref_squeeze %dma_start3A_393 : memref<1x4x8192xf32, #tpu.memory_space<vmem>> -> memref<4x8192xf32, #tpu.memory_space<vmem>>
    %dma_start3A_395 = arith.constant 0 : i32
    %dma_start3A_396 = tpu.memref_slice %arg4[%add3A_389, %dma_start3A_395] : memref<1024x8192xf32, #tpu.memory_space<hbm>> -> memref<4x8192xf32, #tpu.memory_space<hbm>>
    %dma_start3A_397 = arith.constant 0 : i32
    %dma_start3A_398 = tpu.memref_slice %arg4[%add3A_389, %dma_start3A_397] : memref<1024x8192xf32, #tpu.memory_space<hbm>> -> memref<4x8192xf32, #tpu.memory_space<hbm>>
    %dma_start3A_399 = arith.constant 0 : i32
    %dma_start3A_400 = arith.constant 0 : i32
    %dma_start3A_401 = tpu.memref_slice %arg6[%dma_start3A_390, %dma_start3A_399, %dma_start3A_400] : memref<2x4x8192xf32, #tpu.memory_space<vmem>> -> memref<1x4x8192xf32, #tpu.memory_space<vmem>>
    %dma_start3A_402 = tpu.memref_squeeze %dma_start3A_401 : memref<1x4x8192xf32, #tpu.memory_space<vmem>> -> memref<4x8192xf32, #tpu.memory_space<vmem>>
    tpu.enqueue_dma source(%dma_start3A_402 : memref<4x8192xf32, #tpu.memory_space<vmem>>) target(%dma_start3A_398 : memref<4x8192xf32, #tpu.memory_space<hbm>>) target_semaphore(%arg10 : memref<!tpu.dma_semaphore, #tpu.memory_space<semaphore_mem>>)
    %add3A_403 = arith.constant 24 : i32
    %add3A_404 = arith.addi %mul3A_2, %add3A_403 : i32
    %dma_wait3A_405 = arith.constant 0 : i32
    %dma_wait3A_406 = arith.constant 0 : i32
    %dma_wait3A_407 = arith.constant 0 : i32
    %dma_wait3A_408 = tpu.memref_slice %arg6[%dma_wait3A_405, %dma_wait3A_406, %dma_wait3A_407] : memref<2x4x8192xf32, #tpu.memory_space<vmem>> -> memref<1x4x8192xf32, #tpu.memory_space<vmem>>
    %dma_wait3A_409 = tpu.memref_squeeze %dma_wait3A_408 : memref<1x4x8192xf32, #tpu.memory_space<vmem>> -> memref<4x8192xf32, #tpu.memory_space<vmem>>
    %dma_wait3A_410 = arith.constant 0 : i32
    %dma_wait3A_411 = tpu.memref_slice %arg4[%add3A_404, %dma_wait3A_410] : memref<1024x8192xf32, #tpu.memory_space<hbm>> -> memref<4x8192xf32, #tpu.memory_space<hbm>>
    %dma_wait3A_412 = arith.constant 0 : i32
    %dma_wait3A_413 = tpu.memref_slice %arg4[%add3A_404, %dma_wait3A_412] : memref<1024x8192xf32, #tpu.memory_space<hbm>> -> memref<4x8192xf32, #tpu.memory_space<hbm>>
    %dma_wait3A_414 = arith.constant 0 : i32
    %dma_wait3A_415 = arith.constant 0 : i32
    %dma_wait3A_416 = tpu.memref_slice %arg6[%dma_wait3A_405, %dma_wait3A_414, %dma_wait3A_415] : memref<2x4x8192xf32, #tpu.memory_space<vmem>> -> memref<1x4x8192xf32, #tpu.memory_space<vmem>>
    %dma_wait3A_417 = tpu.memref_squeeze %dma_wait3A_416 : memref<1x4x8192xf32, #tpu.memory_space<vmem>> -> memref<4x8192xf32, #tpu.memory_space<vmem>>
    tpu.wait_dma2 semaphore(%arg9 : memref<!tpu.dma_semaphore, #tpu.memory_space<semaphore_mem>>) src(%dma_wait3A_417 : memref<4x8192xf32, #tpu.memory_space<vmem>>) dst(%dma_wait3A_413 : memref<4x8192xf32, #tpu.memory_space<hbm>>)
    %add3A_418 = arith.constant 28 : i32
    %add3A_419 = arith.addi %mul3A_2, %add3A_418 : i32
    %dma_wait3A_420 = arith.constant 1 : i32
    %dma_wait3A_421 = arith.constant 0 : i32
    %dma_wait3A_422 = arith.constant 0 : i32
    %dma_wait3A_423 = tpu.memref_slice %arg6[%dma_wait3A_420, %dma_wait3A_421, %dma_wait3A_422] : memref<2x4x8192xf32, #tpu.memory_space<vmem>> -> memref<1x4x8192xf32, #tpu.memory_space<vmem>>
    %dma_wait3A_424 = tpu.memref_squeeze %dma_wait3A_423 : memref<1x4x8192xf32, #tpu.memory_space<vmem>> -> memref<4x8192xf32, #tpu.memory_space<vmem>>
    %dma_wait3A_425 = arith.constant 0 : i32
    %dma_wait3A_426 = tpu.memref_slice %arg4[%add3A_419, %dma_wait3A_425] : memref<1024x8192xf32, #tpu.memory_space<hbm>> -> memref<4x8192xf32, #tpu.memory_space<hbm>>
    %dma_wait3A_427 = arith.constant 0 : i32
    %dma_wait3A_428 = tpu.memref_slice %arg4[%add3A_419, %dma_wait3A_427] : memref<1024x8192xf32, #tpu.memory_space<hbm>> -> memref<4x8192xf32, #tpu.memory_space<hbm>>
    %dma_wait3A_429 = arith.constant 0 : i32
    %dma_wait3A_430 = arith.constant 0 : i32
    %dma_wait3A_431 = tpu.memref_slice %arg6[%dma_wait3A_420, %dma_wait3A_429, %dma_wait3A_430] : memref<2x4x8192xf32, #tpu.memory_space<vmem>> -> memref<1x4x8192xf32, #tpu.memory_space<vmem>>
    %dma_wait3A_432 = tpu.memref_squeeze %dma_wait3A_431 : memref<1x4x8192xf32, #tpu.memory_space<vmem>> -> memref<4x8192xf32, #tpu.memory_space<vmem>>
    tpu.wait_dma2 semaphore(%arg10 : memref<!tpu.dma_semaphore, #tpu.memory_space<semaphore_mem>>) src(%dma_wait3A_432 : memref<4x8192xf32, #tpu.memory_space<vmem>>) dst(%dma_wait3A_428 : memref<4x8192xf32, #tpu.memory_space<hbm>>)
    return
  }
}

module attributes {stable_mosaic.version = 14 : i64} {
  func.func @_tp_body(%arg0: i32, %arg1: memref<1024x2048xf32, #tpu.memory_space<vmem>>, %arg2: memref<16384x1024xf32, #tpu.memory_space<any>>, %arg3: memref<2048x1024xf32, #tpu.memory_space<vmem>>) attributes {dimension_semantics = [#tpu.dimension_semantics<arbitrary>], iteration_bounds = array<i64: 4>, scalar_prefetch = 0 : i64, scratch_operands = 0 : i64, tpu.core_type = #tpu.core_type<tc>, window_params = [{transform_indices = @transform_0, window_bounds = array<i64: 1024, 2048>}, {}, {transform_indices = @transform_2, window_bounds = array<i64: 2048, 1024>}]} {
    %get3A = arith.constant 0 : index
    %get3A_0 = arith.constant 0 : index
    %get3A_1 = vector.load %arg1[%get3A, %get3A_0] : memref<1024x2048xf32, #tpu.memory_space<vmem>>, vector<1024x2048xf32>
    %transpose3A = tpu.transpose %get3A_1, [1, 0] : vector<1024x2048xf32> -> vector<2048x1024xf32>
    %swap3A = arith.constant 0 : index
    %swap3A_2 = arith.constant 0 : index
    %swap3A_3 = vector.load %arg3[%swap3A, %swap3A_2] : memref<2048x1024xf32, #tpu.memory_space<vmem>>, vector<2048x1024xf32>
    tpu.vector_store %arg3[%swap3A, %swap3A_2], %transpose3A {strides = array<i32>} : memref<2048x1024xf32, #tpu.memory_space<vmem>>, vector<2048x1024xf32>,
    return
  }
  func.func @transform_0(%arg0: i32) -> (i32, i32) {
    %c0_i32 = arith.constant 0 : i32
    %c0_i32_0 = arith.constant 0 : i32
    return %c0_i32, %arg0 : i32, i32
  }
  func.func @transform_2(%arg0: i32) -> (i32, i32) {
    %add3A = arith.constant 4 : i32
    %add3A_0 = arith.addi %add3A, %arg0 : i32
    %c0_i32 = arith.constant 0 : i32
    %c0_i32_1 = arith.constant 0 : i32
    return %add3A_0, %c0_i32 : i32, i32
  }
}

module attributes {stable_mosaic.version = 14 : i64} {
  func.func @_tp_body_first(%arg0: i32, %arg1: memref<1024x2048xf32, #tpu.memory_space<vmem>>, %arg2: memref<2048x1024xf32, #tpu.memory_space<vmem>>) attributes {dimension_semantics = [#tpu.dimension_semantics<arbitrary>], iteration_bounds = array<i64: 4>, scalar_prefetch = 0 : i64, scratch_operands = 0 : i64, tpu.core_type = #tpu.core_type<tc>, window_params = [{transform_indices = @transform_0, window_bounds = array<i64: 1024, 2048>}, {transform_indices = @transform_1, window_bounds = array<i64: 2048, 1024>}]} {
    %get3A = arith.constant 0 : index
    %get3A_0 = arith.constant 0 : index
    %get3A_1 = vector.load %arg1[%get3A, %get3A_0] : memref<1024x2048xf32, #tpu.memory_space<vmem>>, vector<1024x2048xf32>
    %transpose3A = tpu.transpose %get3A_1, [1, 0] : vector<1024x2048xf32> -> vector<2048x1024xf32>
    %swap3A = arith.constant 0 : index
    %swap3A_2 = arith.constant 0 : index
    %swap3A_3 = vector.load %arg2[%swap3A, %swap3A_2] : memref<2048x1024xf32, #tpu.memory_space<vmem>>, vector<2048x1024xf32>
    tpu.vector_store %arg2[%swap3A, %swap3A_2], %transpose3A {strides = array<i32>} : memref<2048x1024xf32, #tpu.memory_space<vmem>>, vector<2048x1024xf32>,
    return
  }
  func.func @transform_0(%arg0: i32) -> (i32, i32) {
    %c0_i32 = arith.constant 0 : i32
    %c0_i32_0 = arith.constant 0 : i32
    return %c0_i32, %arg0 : i32, i32
  }
  func.func @transform_1(%arg0: i32) -> (i32, i32) {
    %add3A = arith.constant 0 : i32
    %add3A_0 = arith.addi %add3A, %arg0 : i32
    %c0_i32 = arith.constant 0 : i32
    %c0_i32_1 = arith.constant 0 : i32
    return %add3A_0, %c0_i32 : i32, i32
  }
}

</mosaic_0001>

<sc_bundles>
// kernel: kernel.6.cloned.1.call-start
scs
__scs_entry_jumppad:
0x0: {  	(pc) =	sbr.rel $0x88, $3  }
0x1: {  	(tag) =	ssettag $0x0;
	lr =	simm.s32 $0x1  }
0x2: {  	[smem:$0x3F9F] =	sst lr;
	_ =	strace $0xD0000000  }
0x3: {  	_ = 	snop  }
0x4: {  	_ = 	snop  }
0x5: {  	_ = 	snop  }
0x6: {  	_ = 	snop  }
0x7: {  	_ = 	snop  }
__scs_overlays_trampoline_lowered:
0x8: {  	[smem:$0x3FAE] =	sst s0  }
0x9: {  	[smem:$0x3FAF] =	sst s1  }
0xa: {  	[smem:$0x3FB0] =	sst s2  }
0xb: {  	[smem:$0x3FB1] =	sst s3  }
0xc: {  	[smem:$0x3FB2] =	sst s4  }
0xd: {  	[smem:$0x3FB3] =	sst s5  }
0xe: {  	[smem:$0x3FB4] =	sst s6  }
0xf: {  	[smem:$0x3FB5] =	sst s7  }
0x10: {  	[smem:$0x3FB6] =	sst s8  }
0x11: {  	[smem:$0x3FB7] =	sst s9;
	s0 =	simm.s32 @!p0 $0x0  }
0x12: {  	s1 =	sld [smem:$0x3F9D];
	s0 =	simm.s32 @p0 $0x1  }
0x13: {  	[smem:$0x3FB8] =	sst s0;
	s0 =	simm.s32 @!p1 $0x0  }
0x14: {  	s2 =	sld [smem:$0x3F9C];
	s0 =	simm.s32 @p1 $0x1  }
0x15: {  	[smem:$0x3FB9] =	sst s0;
	s0 =	simm.s32 @!p2 $0x0  }
0x16: {  	s3 =	sld [smem:$0x3FDB];
	s0 =	simm.s32 @p2 $0x1  }
0x17: {  	s4 =	simm.s32 $0x1BF5;
	[smem:$0x3FBB] =	sst s0  }
0x18: {  	s0 =	sld [smem:$0x3F9E];
	_ =	swait.ge [sflag:s4], $0x0  }
0x19: {  	s7 =	sld [smem:$0x3F9F]  }
0x1a: {  	s8 =	sadd.s32 $0xFFFFE003, lr  }
0x1b: {  	s9 =	sadd.s32 $0xFFFFFEF7, lr;
	s5 =	simm.s32 $0xFFFFFFFF;
	p2 =	slt.u32 s8, $0xFFFFF086  }
0x1c: {  	p1 =	slt.u32 s9, $0xF7A;
	s5 =	simm.s32 @!p2 $0x0  }
0x1d: {  	s5 =	simm.s32 @p1 $0x1;
	p0 =	seq.s32 s7, s2  }
0x1e: {  	s7 =	smul.u32 @!p0 $0xF7A, s2;
	p2 =	seq.s32 @!p0 s5, $0x0  }
0x1f: {  	s9 =	smul.u32 $0xF7A, s1;
	s8 =	simm.s32 @!p0 $0x1BF5;
	p2 =	por !p2, p0  }
0x20: {  	[sflag:s8] =	ssyncset.s32 @!p0 $0xFFFFF086;
	s6 =	sadd.s32 @!p0 s3, s7;
	s7 =	simm.s32 @!p0 $0x108  }
0x21: {  	s3 =	sadd.s32 s3, s9;
	s6 =	sadd.s32 @!p0 $0x88, s6;
	s7 =	simm.s32 @p2 $0x1082  }
0x22: {  	[simem:s7], [sflag:s8] =	dma.local @!p0 [hbm:s6], $0xF7A  }
0x23: {  	s9 =	sor.u32 $0xD0000000, s2;
	s6 =	simm.s32 $0x108;
	_ =	swait.ge @!p0 [sflag:s8], $0x0  }
0x24: {  	s3 =	sadd.s32 $0x88, s3;
	s6 =	simm.s32 @!p1 $0x1082;
	[sflag:s4] =	ssyncset.s32 $0xFFFFF086  }
0x25: {  	[simem:s6], [sflag:s4] =	dma.local [hbm:s3], $0xF7A  }
0x26: {  	[smem:$0x3F9F] =	sst s1;
	(tag) =	ssettag s2;
	_ =	strace s9  }
0x27: {  	s1 =	sld [smem:$0x3FAF]  }
0x28: {  	s2 =	sld [smem:$0x3FB0]  }
0x29: {  	s4 =	sld [smem:$0x3FB2]  }
0x2a: {  	p0 =	seq.s32 s5, $0x0;
	s5 =	sld [smem:$0x3FB3]  }
0x2b: {  	s6 =	sld [smem:$0x3FB4]  }
0x2c: {  	s7 =	sld [smem:$0x3FB5]  }
0x2d: {  	s3 =	simm.s32 $0x108;
	s8 =	sld [smem:$0x3FB6]  }
0x2e: {  	s3 =	simm.s32 @!p0 $0x1082;
	s9 =	sld [smem:$0x3FB7]  }
0x2f: {  	lr =	sadd.s32 s0, s3;
	s0 =	sld [smem:$0x3FAE]  }
0x30: {  	s3 =	sld [smem:$0x3FB1]  }
0x31: {  	[smem:$0x3FBA] =	sst s10  }
0x32: {  	s10 =	sld [smem:$0x3FB8];
	_ =	sdelay $0x3  }
0x33: {  	p0 =	seq.s32 s10, $0x1;
	s10 =	sld [smem:$0x3FBA];
	_ =	sdelay $0x3  }
0x34: {  	[smem:$0x3FBA] =	sst s10  }
0x35: {  	s10 =	sld [smem:$0x3FB9];
	_ =	sdelay $0x3  }
0x36: {  	p1 =	seq.s32 s10, $0x1;
	s10 =	sld [smem:$0x3FBA];
	_ =	sdelay $0x3  }
0x37: {  	[smem:$0x3FBA] =	sst s10  }
0x38: {  	s10 =	sld [smem:$0x3FBB]  }
0x39: {  	_ = 	snop;
	(pc) =	sbr.ind lr, $3  }
0x3a: {  	_ = 	snop  }
0x3b: {  	_ = 	snop  }
0x3c: {  	p2 =	seq.s32 s10, $0x1;
	s10 =	sld [smem:$0x3FBA]  }
0x3d: {  	_ =	shalt  }
0x3e: {  	_ =	shalt  }
0x3f: {  	_ =	shalt  }
0x40: {  	_ =	shalt  }
0x41: {  	_ =	shalt  }
0x42: {  	_ =	shalt  }
0x43: {  	_ =	shalt  }
0x44: {  	_ =	shalt  }
0x45: {  	_ =	shalt  }
0x46: {  	_ =	shalt  }
0x47: {  	_ =	shalt  }
0x48: {  	_ =	shalt  }
0x49: {  	_ =	shalt  }
0x4a: {  	_ =	shalt  }
0x4b: {  	_ =	shalt  }
0x4c: {  	_ =	shalt  }
0x4d: {  	_ =	shalt  }
0x4e: {  	_ =	shalt  }
0x4f: {  	_ =	shalt  }
0x50: {  	_ =	shalt  }
0x51: {  	_ =	shalt  }
0x52: {  	_ =	shalt  }
0x53: {  	_ =	shalt  }
0x54: {  	_ =	shalt  }
0x55: {  	_ =	shalt  }
0x56: {  	_ =	shalt  }
0x57: {  	_ =	shalt  }
0x58: {  	_ =	shalt  }
0x59: {  	_ =	shalt  }
0x5a: {  	_ =	shalt  }
0x5b: {  	_ =	shalt  }
0x5c: {  	_ =	shalt  }
0x5d: {  	_ =	shalt  }
0x5e: {  	_ =	shalt  }
0x5f: {  	_ =	shalt  }
0x60: {  	_ =	shalt  }
0x61: {  	_ =	shalt  }
0x62: {  	_ =	shalt  }
0x63: {  	_ =	shalt  }
0x64: {  	_ =	shalt  }
0x65: {  	_ =	shalt  }
0x66: {  	_ =	shalt  }
0x67: {  	_ =	shalt  }
0x68: {  	_ =	shalt  }
0x69: {  	_ =	shalt  }
0x6a: {  	_ =	shalt  }
0x6b: {  	_ =	shalt  }
0x6c: {  	_ =	shalt  }
0x6d: {  	_ =	shalt  }
0x6e: {  	_ =	shalt  }
0x6f: {  	_ =	shalt  }
0x70: {  	_ =	shalt  }
0x71: {  	_ =	shalt  }
0x72: {  	_ =	shalt  }
0x73: {  	_ =	shalt  }
0x74: {  	_ =	shalt  }
0x75: {  	_ =	shalt  }
0x76: {  	_ =	shalt  }
0x77: {  	_ =	shalt  }
0x78: {  	_ =	shalt  }
0x79: {  	_ =	shalt  }
0x7a: {  	_ =	shalt  }
0x7b: {  	_ =	shalt  }
0x7c: {  	_ =	shalt  }
0x7d: {  	_ =	shalt  }
0x7e: {  	_ =	shalt  }
0x7f: {  	_ =	shalt  }
0x80: {  	_ =	shalt  }
0x81: {  	_ =	shalt  }
0x82: {  	_ =	shalt  }
0x83: {  	_ =	shalt  }
0x84: {  	_ =	shalt  }
0x85: {  	_ =	shalt  }
0x86: {  	_ =	shalt  }
0x87: {  	_ =	shalt  }
.Lfunc_end0:
.L_simem_size_0:
called_computation_lowered:
.L_overlay_start_0:
0x88: {  	s2 =	sld [smem:$0x3FD9]  }
0x89: {  	s3 =	sld [smem:$0x3FFE];
	_ =	sdelay $0x1  }
0x8a: {  	s1 =	srdreg.scid  }
0x8b: {  	s0 =	sand.u32 $0x1, s1  }
0x8c: {  	s17 =	sshll.u32 s0, $0xA;
	s2 =	sadd.s32 s3, s2  }
0x8d: {  	s2 =	sadd.s32 s2, s17  }
0x8e: {  	[smem:$0x3FC6] =	sst s2  }
0x8f: {  	_ = 	snop  }
0x90: {  	s2 =	sld [smem:$0x3FC8];
	(tm) =	ssettm $0x1  }
0x91: {  	s18 =	sld [smem:$0x3FFB];
	_ =	sdelay $0x3  }
0x92: {  	_ =	strace s18  }
0x93: {  	s3 =	sld [smem:$0x3FFC];
	_ =	sdelay $0x3  }
0x94: {  	_ =	strace s3  }
0x95: {  	s3 =	sld [smem:$0x3FFD];
	_ =	sdelay $0x3  }
0x96: {  	_ =	strace s3  }
0x97: {  	_ =	strace $0x8FFFFFFF  }
0x98: {  	s19 =	sld [smem:$0x3FDB];
	_ =	sdelay $0x1  }
0x99: {  	s4 =	simm.s32 $_scs_section_size  }
0x9a: {  	s5 =	simm.s32 $_size__tile_overlayer_lowered;
	s6 =	simm.s32 $_tile_overlayer_lowered  }
0x9b: {  	s22 =	simm.s32 $0x1BFF;
	s21 =	sshll.u32 s6, $0x1;
	s3 =	sadd.s32 s4, s19  }
0x9c: {  	s7 =	simm.s32 $0x0;
	s20 =	sshll.u32 s5, $0x1;
	s5 =	sadd.s32 s21, s3  }
0x9d: {  	[timem:s7], [sflag:s22] =	dma.local [hbm:s5], s20  }
0x9e: {  	_ =	swait.ge [sflag:s22], s20  }
0x9f: {  	s4 =	ssub.s32 $0x0, s20;
	[sflag:s22] =	ssyncset.done $0x0  }
0xa0: {  	[sflag:s22] =	ssyncadd.s32 s4;
	_ =	sdelay $0x1  }
0xa1: {  	s23 =	simm.s32 $0x1B8B  }
0xa2: {  	_ =	swait.ge [sflag:s23], $0x1  }
0xa3: {  	[sflag:s23] =	ssyncset.done $0x0  }
0xa4: {  	s25 =	simm.s32 $0x1B8E;
	s24 =	sld [smem:$0x3FFE];
	[sflag:s23] =	ssyncadd.s32 $0xFFFFFFFF  }
0xa5: {  	s26 =	simm.s32 $execute0_lowered;
	[smem:$0x3FD2] =	sst s25  }
0xa6: {  	s5 =	sshll.u32 s26, $0x1;
	_ =	strace $0x80000046;
	[dreg:$0x1] =	wrdreg $0xFFFFFFFF  }
0xa7: {  	s28 =	simm.s32 $_size_execute0_lowered;
	s3 =	sadd.s32 s3, s5;
	[dreg:$0x0] =	wrdreg $0x0  }
0xa8: {  	s5 =	sshll.u32 s28, $0x1;
	[dreg:$0x2] =	wrdreg s3  }
0xa9: {  	[dreg:$0x3] =	wrdreg s5  }
0xaa: {  	[dreg:$0x4] =	wrdreg $0xC0  }
0xab: {  	_ =	task [dreg:s7], $0x5FFFF  }
0xac: {  	[dreg:$0x1] =	wrdreg $0xFFFFFFFF  }
0xad: {  	[dreg:$0x0] =	wrdreg $0x60  }
0xae: {  	[dreg:$0x2] =	wrdreg s24  }
0xaf: {  	[dreg:$0x3] =	wrdreg s2  }
0xb0: {  	[dreg:$0x4] =	wrdreg $0x9  }
0xb1: {  	_ =	task.clear_ibuf [dreg:s7], $0x5FFFF;
	_ =	strace $0x90000046  }
0xb2: {  	s29 =	simm.s32 $0x9;
	_ =	strace $0x80000048  }
0xb3: {  	_ =	swait.ge [sflag:s29], $0x1  }
0xb4: {  	[sflag:s29] =	ssyncadd.s32 $0xFFFFFFFF  }
0xb5: {  	_ =	strace $0x90000048  }
0xb6: {  	_ =	sfence  }
0xb7: {  	s30 =	sld [smem:$0x0];
	_ =	sdelay $0x2  }
0xb8: {  	s31 =	sshll.u32 s1, $0xD;
	s1 =	sshrl.u32 s1, $0x2  }
0xb9: {  	s3 =	sand.u32 $0x4000, s31;
	s1 =	sadd.s32 s1, s30  }
0xba: {  	s0 =	sor.u32 s3, s0;
	s1 =	sshll.u32 s1, $0x11  }
0xbb: {  	s0 =	sor.u32 s1, s0  }
0xbc: {  	s0 =	sadd.s32 $0x8F2B, s0  }
0xbd: {  	[sflag:s0] =	ssyncadd.remote.s32 $0x1  }
0xbe: {  	_ =	sfence.sel $0xFFFF  }
0xbf: {  	[dreg:$0x0] =	wrdreg $0xFFFFFFFF;
	(pc) =	sbr.abs _section_cstart, $3  }
0xc0: {  	[dreg:$0x1] =	wrdreg $0xFFFFFFFF  }
0xc1: {  	_ =	task.clear_ibuf [dreg:s7], $0x2FFFF;
	_ =	strace $0x9FFFFFFF  }
0xc2: {  	(tm) =	ssettm $0x7FFFFFFF  }
0xc3: {  	_ =	shalt  }
tec
execute0_lowered:
.L_overlay_start_1:
0x0: {  	(tag) =	ssettag $0x1  }
0x1: {  	s0 =	rddreg [dreg:$0x0]  }
0x2: {  	s2 =	rddreg [dreg:$0x1]  }
0x3: {  	s1 =	srdreg.scid;
	s4 =	stileid.u32  }
0x4: {  	s3 =	simm.s32 $0x0;
	s21 =	simm.s32 $0x400;
	s31 =	simm.s32 $0x1  }
0x5: {  	s20 =	simm.s32 $0x2;
	s22 =	simm.s32 $0x4;
	s1 =	sand.u32 $0x1, s1  }
0x6: {  	s4 =	sshll.u32 s4, $0x1;
	[smem:$0x7FF] =	sst s3;
	s6 =	sadd.s32 $0x600, s2  }
0x7: {  	s7 =	sadd.s32 $0x800, s2;
	s8 =	sadd.s32 $0xA00, s2;
	s9 =	sadd.s32 $0xC00, s2  }
0x8: {  	s10 =	sadd.s32 $0xE00, s2;
	s18 =	sadd.s32 $0x1E00, s2;
	s4 =	sor.u32 s1, s4  }
0x9: {  	_ =	strace $0x80000047;
	s1 =	ssub.s32 $0x2, s1;
	s5 =	sshll.u32 s4, $0x7  }
0xa: {  	s4 =	sshll.u32 s4, $0xF;
	s30 =	sshrl.u32 s1, $0x1;
	s5 =	sadd.s32 s5, s0  }
0xb: {  	s0 =	sadd.s32 s4, s0;
	s1 =	ssub.s32 s1, s30;
	s4 =	sadd.s32 $0x200, s2  }
0xc: {  	s5 =	sadd.s32 $0x800, s5;
	s11 =	sadd.s32 $0x1800, s0;
	s12 =	sadd.s32 $0x1840, s0  }
0xd: {  	s13 =	sadd.s32 $0x3800, s0;
	s14 =	sadd.s32 $0x3840, s0;
	[dreg:$0x3] =	wrdreg s5  }
0xe: {  	s15 =	sadd.s32 $0x5800, s0;
	s16 =	sadd.s32 $0x5840, s0;
	[dreg:$0x4] =	wrdreg s11  }
0xf: {  	s17 =	sadd.s32 $0x7800, s0;
	s0 =	sadd.s32 $0x7840, s0;
	[dreg:$0x5] =	wrdreg s12  }
0x10: {  	s19 =	smax.u32 s1, $0x1;
	s1 =	simm.s32 $0x3;
	[dreg:$0x6] =	wrdreg s13  }
0x11: {  	s5 =	sadd.s32 $0x400, s2;
	s11 =	sadd.s32 $0x1000, s2;
	[dreg:$0x7] =	wrdreg s14  }
0x12: {  	s12 =	sadd.s32 $0x1200, s2;
	s13 =	sadd.s32 $0x1400, s2;
	[dreg:$0x8] =	wrdreg s15  }
0x13: {  	v0 =	vlaneseq.u32;
	s14 =	sadd.s32 $0x1600, s2;
	s15 =	sadd.s32 $0x1800, s2;
	[dreg:$0x9] =	wrdreg s16  }
0x14: {  	v1 =	vshrl.u32 v0, $0x2;
	s16 =	sadd.s32 $0x1A00, s2;
	[dreg:$0xa] =	wrdreg s17;
	s17 =	sadd.s32 $0x1C00, s2  }
0x15: {  	vm0 =	vmmov $0xffff;
	v0 =	vand.u32 $0x3, v0;
	v1 =	vmul.u32 $0x8, v1;
	[dreg:$0xb] =	wrdreg s0;
	s2 =	simm.s32 $0x8400;
	s0 =	simm.s32 $0x200  }
.LBB2_1:
0x16: {  	s23 =	rddreg [dreg:$0x3];
	s30 =	simm.s32 $0x5  }
0x17: {  	[tilespmem:s3], [sflag:$0x5] =	stream.linear.gather [hbm4b:s23+s3], $0x400, $0x38;
	[tilespmem:$0x10400] =	vst v63  }
0x18: {  	_ =	swait.ge [sflag:s30], $0x400  }
0x19: {  	[sflag:s30] =	ssyncset.done $0x0  }
0x1a: {  	[sflag:s30] =	ssyncadd.s32 $0xFFFFFC00  }
0x1b: {  	v2 =	vld.msk [tilespmem:$0x0], $0xf;
	_ =	sdelay $0x4  }
0x1c: {  	v3 =	vshll.u32 v2, $0x7  }
0x1d: {  	v2 =	vand.u32 $0x7, v2;
	v3 =	vand.u32 $0xFFFFFC00, v3  }
0x1e: {  	v2 =	vor.u32 v2, v3  }
0x1f: {  	v2 =	vperm.xlane v2, v0;
	_ =	sdelay $0x1  }
0x20: {  	v2 =	vadd.s32 v1, v2;
	_ =	sdelay $0x3  }
0x21: {  	s25 =	rddreg [dreg:$0x1]  }
0x22: {  	[tilespmem:s21], [sflag:$0x1] =	stream.indirect_vreg.gather [hbm4b:s25+s3], $0x80, v2, vm0, $0xb8;
	[tilespmem:$0x10400] =	vst v63  }
0x23: {  	s24 =	simm.s32 $0xC00  }
0x24: {  	[tilespmem:s24], [sflag:$0x1] =	stream.indirect_vreg.gather [hbm4b:s4+s3], $0x80, v2, vm0, $0xb8;
	[tilespmem:$0x10400] =	vst v63  }
0x25: {  	s26 =	simm.s32 $0x1400  }
0x26: {  	[tilespmem:s26], [sflag:$0x1] =	stream.indirect_vreg.gather [hbm4b:s5+s3], $0x80, v2, vm0, $0xb8;
	[tilespmem:$0x10400] =	vst v63  }
0x27: {  	s28 =	simm.s32 $0x1C00  }
0x28: {  	[tilespmem:s28], [sflag:$0x1] =	stream.indirect_vreg.gather [hbm4b:s6+s3], $0x80, v2, vm0, $0xb8;
	[tilespmem:$0x10400] =	vst v63  }
0x29: {  	s29 =	simm.s32 $0x2400  }
0x2a: {  	[tilespmem:s29], [sflag:$0x1] =	stream.indirect_vreg.gather [hbm4b:s7+s3], $0x80, v2, vm0, $0xb8;
	[tilespmem:$0x10400] =	vst v63  }
0x2b: {  	s30 =	simm.s32 $0x2C00  }
0x2c: {  	[tilespmem:s30], [sflag:$0x1] =	stream.indirect_vreg.gather [hbm4b:s8+s3], $0x80, v2, vm0, $0xb8;
	[tilespmem:$0x10400] =	vst v63  }
0x2d: {  	s24 =	simm.s32 $0x3400  }
0x2e: {  	[tilespmem:s24], [sflag:$0x1] =	stream.indirect_vreg.gather [hbm4b:s9+s3], $0x80, v2, vm0, $0xb8;
	[tilespmem:$0x10400] =	vst v63  }
0x2f: {  	s26 =	simm.s32 $0x3C00  }
0x30: {  	[tilespmem:s26], [sflag:$0x1] =	stream.indirect_vreg.gather [hbm4b:s10+s3], $0x80, v2, vm0, $0xb8;
	[tilespmem:$0x10400] =	vst v63  }
0x31: {  	s28 =	simm.s32 $0x4400  }
0x32: {  	[tilespmem:s28], [sflag:$0x1] =	stream.indirect_vreg.gather [hbm4b:s11+s3], $0x80, v2, vm0, $0xb8;
	[tilespmem:$0x10400] =	vst v63  }
0x33: {  	s29 =	simm.s32 $0x4C00  }
0x34: {  	[tilespmem:s29], [sflag:$0x1] =	stream.indirect_vreg.gather [hbm4b:s12+s3], $0x80, v2, vm0, $0xb8;
	[tilespmem:$0x10400] =	vst v63  }
0x35: {  	s30 =	simm.s32 $0x5400  }
0x36: {  	[tilespmem:s30], [sflag:$0x1] =	stream.indirect_vreg.gather [hbm4b:s13+s3], $0x80, v2, vm0, $0xb8;
	[tilespmem:$0x10400] =	vst v63  }
0x37: {  	s24 =	simm.s32 $0x5C00  }
0x38: {  	[tilespmem:s24], [sflag:$0x1] =	stream.indirect_vreg.gather [hbm4b:s14+s3], $0x80, v2, vm0, $0xb8;
	[tilespmem:$0x10400] =	vst v63  }
0x39: {  	s24 =	simm.s32 $0x6400  }
0x3a: {  	[tilespmem:s24], [sflag:$0x1] =	stream.indirect_vreg.gather [hbm4b:s15+s3], $0x80, v2, vm0, $0xb8;
	[tilespmem:$0x10400] =	vst v63  }
0x3b: {  	s24 =	simm.s32 $0x6C00  }
0x3c: {  	[tilespmem:s24], [sflag:$0x1] =	stream.indirect_vreg.gather [hbm4b:s16+s3], $0x80, v2, vm0, $0xb8;
	[tilespmem:$0x10400] =	vst v63  }
0x3d: {  	s24 =	simm.s32 $0x7400  }
0x3e: {  	[tilespmem:s24], [sflag:$0x1] =	stream.indirect_vreg.gather [hbm4b:s17+s3], $0x80, v2, vm0, $0xb8;
	[tilespmem:$0x10400] =	vst v63  }
0x3f: {  	s24 =	simm.s32 $0x7C00  }
0x40: {  	[tilespmem:s24], [sflag:$0x1] =	stream.indirect_vreg.gather [hbm4b:s18+s3], $0x80, v2, vm0, $0xb8;
	[tilespmem:$0x10400] =	vst v63  }
0x41: {  	v2 =	vld.msk [tilespmem:$0x80], $0xf;
	_ =	sdelay $0x4  }
0x42: {  	v3 =	vshll.u32 v2, $0x7  }
0x43: {  	v2 =	vand.u32 $0x7, v2;
	v3 =	vand.u32 $0xFFFFFC00, v3  }
0x44: {  	v2 =	vor.u32 v2, v3  }
0x45: {  	v2 =	vperm.xlane v2, v0;
	_ =	sdelay $0x1  }
0x46: {  	v2 =	vadd.s32 v1, v2;
	_ =	sdelay $0x4  }
0x47: {  	[tilespmem:s2], [sflag:$0x2] =	stream.indirect_vreg.gather [hbm4b:s25+s3], $0x80, v2, vm0, $0xb8;
	[tilespmem:$0x10400] =	vst v63  }
0x48: {  	s23 =	simm.s32 $0x8C00  }
0x49: {  	[tilespmem:s23], [sflag:$0x2] =	stream.indirect_vreg.gather [hbm4b:s4+s3], $0x80, v2, vm0, $0xb8;
	[tilespmem:$0x10400] =	vst v63  }
0x4a: {  	s23 =	simm.s32 $0x9400  }
0x4b: {  	[tilespmem:s23], [sflag:$0x2] =	stream.indirect_vreg.gather [hbm4b:s5+s3], $0x80, v2, vm0, $0xb8;
	[tilespmem:$0x10400] =	vst v63  }
0x4c: {  	s23 =	simm.s32 $0x9C00  }
0x4d: {  	[tilespmem:s23], [sflag:$0x2] =	stream.indirect_vreg.gather [hbm4b:s6+s3], $0x80, v2, vm0, $0xb8;
	[tilespmem:$0x10400] =	vst v63  }
0x4e: {  	s23 =	simm.s32 $0xA400  }
0x4f: {  	[tilespmem:s23], [sflag:$0x2] =	stream.indirect_vreg.gather [hbm4b:s7+s3], $0x80, v2, vm0, $0xb8;
	[tilespmem:$0x10400] =	vst v63  }
0x50: {  	s23 =	simm.s32 $0xAC00  }
0x51: {  	[tilespmem:s23], [sflag:$0x2] =	stream.indirect_vreg.gather [hbm4b:s8+s3], $0x80, v2, vm0, $0xb8;
	[tilespmem:$0x10400] =	vst v63  }
0x52: {  	s23 =	simm.s32 $0xB400  }
0x53: {  	[tilespmem:s23], [sflag:$0x2] =	stream.indirect_vreg.gather [hbm4b:s9+s3], $0x80, v2, vm0, $0xb8;
	[tilespmem:$0x10400] =	vst v63  }
0x54: {  	s23 =	simm.s32 $0xBC00  }
0x55: {  	[tilespmem:s23], [sflag:$0x2] =	stream.indirect_vreg.gather [hbm4b:s10+s3], $0x80, v2, vm0, $0xb8;
	[tilespmem:$0x10400] =	vst v63  }
0x56: {  	s23 =	simm.s32 $0xC400  }
0x57: {  	[tilespmem:s23], [sflag:$0x2] =	stream.indirect_vreg.gather [hbm4b:s11+s3], $0x80, v2, vm0, $0xb8;
	[tilespmem:$0x10400] =	vst v63  }
0x58: {  	s23 =	simm.s32 $0xCC00  }
0x59: {  	[tilespmem:s23], [sflag:$0x2] =	stream.indirect_vreg.gather [hbm4b:s12+s3], $0x80, v2, vm0, $0xb8;
	[tilespmem:$0x10400] =	vst v63  }
0x5a: {  	s23 =	simm.s32 $0xD400  }
0x5b: {  	[tilespmem:s23], [sflag:$0x2] =	stream.indirect_vreg.gather [hbm4b:s13+s3], $0x80, v2, vm0, $0xb8;
	[tilespmem:$0x10400] =	vst v63  }
0x5c: {  	s23 =	simm.s32 $0xDC00  }
0x5d: {  	[tilespmem:s23], [sflag:$0x2] =	stream.indirect_vreg.gather [hbm4b:s14+s3], $0x80, v2, vm0, $0xb8;
	[tilespmem:$0x10400] =	vst v63  }
0x5e: {  	s23 =	simm.s32 $0xE400  }
0x5f: {  	[tilespmem:s23], [sflag:$0x2] =	stream.indirect_vreg.gather [hbm4b:s15+s3], $0x80, v2, vm0, $0xb8;
	[tilespmem:$0x10400] =	vst v63  }
0x60: {  	s23 =	simm.s32 $0xEC00  }
0x61: {  	[tilespmem:s23], [sflag:$0x2] =	stream.indirect_vreg.gather [hbm4b:s16+s3], $0x80, v2, vm0, $0xb8;
	[tilespmem:$0x10400] =	vst v63  }
0x62: {  	s23 =	simm.s32 $0xF400  }
0x63: {  	[tilespmem:s23], [sflag:$0x2] =	stream.indirect_vreg.gather [hbm4b:s17+s3], $0x80, v2, vm0, $0xb8;
	[tilespmem:$0x10400] =	vst v63  }
0x64: {  	s23 =	simm.s32 $0xFC00  }
0x65: {  	[tilespmem:s23], [sflag:$0x2] =	stream.indirect_vreg.gather [hbm4b:s18+s3], $0x80, v2, vm0, $0xb8;
	[tilespmem:$0x10400] =	vst v63  }
0x66: {  	_ =	swait.ge [sflag:s31], $0x8000  }
0x67: {  	[sflag:s31] =	ssyncset.done $0x0  }
0x68: {  	s23 =	rddreg [dreg:$0x4];
	[sflag:s31] =	ssyncadd.s32 $0xFFFF8000  }
0x69: {  	[hbm4b:s23+s0] =	stream.strided.scatter [tilespmem:s21], [sflag:$0x3], $0x8000, s21, s0, $0x38;
	[tilespmem:$0x10400] =	vst v63  }
0x6a: {  	_ =	swait.ge [sflag:s1], $0x8000  }
0x6b: {  	[sflag:s1] =	ssyncset.done $0x0  }
0x6c: {  	[sflag:s1] =	ssyncadd.s32 $0xFFFF8000  }
0x6d: {  	v2 =	vld.msk [tilespmem:$0x100], $0xf;
	_ =	sdelay $0x4  }
0x6e: {  	v3 =	vshll.u32 v2, $0x7  }
0x6f: {  	v2 =	vand.u32 $0x7, v2;
	v3 =	vand.u32 $0xFFFFFC00, v3  }
0x70: {  	v2 =	vor.u32 v2, v3  }
0x71: {  	v2 =	vperm.xlane v2, v0;
	_ =	sdelay $0x1  }
0x72: {  	v2 =	vadd.s32 v1, v2;
	_ =	sdelay $0x4  }
0x73: {  	[tilespmem:s21], [sflag:$0x1] =	stream.indirect_vreg.gather [hbm4b:s25+s3], $0x80, v2, vm0, $0xb8;
	[tilespmem:$0x10400] =	vst v63  }
0x74: {  	s23 =	simm.s32 $0xC00  }
0x75: {  	[tilespmem:s23], [sflag:$0x1] =	stream.indirect_vreg.gather [hbm4b:s4+s3], $0x80, v2, vm0, $0xb8;
	[tilespmem:$0x10400] =	vst v63  }
0x76: {  	s23 =	simm.s32 $0x1400  }
0x77: {  	[tilespmem:s23], [sflag:$0x1] =	stream.indirect_vreg.gather [hbm4b:s5+s3], $0x80, v2, vm0, $0xb8;
	[tilespmem:$0x10400] =	vst v63  }
0x78: {  	s23 =	simm.s32 $0x1C00  }
0x79: {  	[tilespmem:s23], [sflag:$0x1] =	stream.indirect_vreg.gather [hbm4b:s6+s3], $0x80, v2, vm0, $0xb8;
	[tilespmem:$0x10400] =	vst v63  }
0x7a: {  	s23 =	simm.s32 $0x2400  }
0x7b: {  	[tilespmem:s23], [sflag:$0x1] =	stream.indirect_vreg.gather [hbm4b:s7+s3], $0x80, v2, vm0, $0xb8;
	[tilespmem:$0x10400] =	vst v63  }
0x7c: {  	s23 =	simm.s32 $0x2C00  }
0x7d: {  	[tilespmem:s23], [sflag:$0x1] =	stream.indirect_vreg.gather [hbm4b:s8+s3], $0x80, v2, vm0, $0xb8;
	[tilespmem:$0x10400] =	vst v63  }
0x7e: {  	s23 =	simm.s32 $0x3400  }
0x7f: {  	[tilespmem:s23], [sflag:$0x1] =	stream.indirect_vreg.gather [hbm4b:s9+s3], $0x80, v2, vm0, $0xb8;
	[tilespmem:$0x10400] =	vst v63  }
0x80: {  	s26 =	simm.s32 $0x3C00  }
0x81: {  	[tilespmem:s26], [sflag:$0x1] =	stream.indirect_vreg.gather [hbm4b:s10+s3], $0x80, v2, vm0, $0xb8;
	[tilespmem:$0x10400] =	vst v63  }
0x82: {  	s28 =	simm.s32 $0x4400  }
0x83: {  	[tilespmem:s28], [sflag:$0x1] =	stream.indirect_vreg.gather [hbm4b:s11+s3], $0x80, v2, vm0, $0xb8;
	[tilespmem:$0x10400] =	vst v63  }
0x84: {  	s29 =	simm.s32 $0x4C00  }
0x85: {  	[tilespmem:s29], [sflag:$0x1] =	stream.indirect_vreg.gather [hbm4b:s12+s3], $0x80, v2, vm0, $0xb8;
	[tilespmem:$0x10400] =	vst v63  }
0x86: {  	s30 =	simm.s32 $0x5400  }
0x87: {  	[tilespmem:s30], [sflag:$0x1] =	stream.indirect_vreg.gather [hbm4b:s13+s3], $0x80, v2, vm0, $0xb8;
	[tilespmem:$0x10400] =	vst v63  }
0x88: {  	s29 =	simm.s32 $0x5C00  }
0x89: {  	[tilespmem:s29], [sflag:$0x1] =	stream.indirect_vreg.gather [hbm4b:s14+s3], $0x80, v2, vm0, $0xb8;
	[tilespmem:$0x10400] =	vst v63  }
0x8a: {  	s30 =	simm.s32 $0x6400  }
0x8b: {  	[tilespmem:s30], [sflag:$0x1] =	stream.indirect_vreg.gather [hbm4b:s15+s3], $0x80, v2, vm0, $0xb8;
	[tilespmem:$0x10400] =	vst v63  }
0x8c: {  	s26 =	simm.s32 $0x6C00  }
0x8d: {  	[tilespmem:s26], [sflag:$0x1] =	stream.indirect_vreg.gather [hbm4b:s16+s3], $0x80, v2, vm0, $0xb8;
	[tilespmem:$0x10400] =	vst v63  }
0x8e: {  	s28 =	simm.s32 $0x7400  }
0x8f: {  	[tilespmem:s28], [sflag:$0x1] =	stream.indirect_vreg.gather [hbm4b:s17+s3], $0x80, v2, vm0, $0xb8;
	[tilespmem:$0x10400] =	vst v63  }
0x90: {  	s24 =	simm.s32 $0x7C00  }
0x91: {  	[tilespmem:s24], [sflag:$0x1] =	stream.indirect_vreg.gather [hbm4b:s18+s3], $0x80, v2, vm0, $0xb8;
	[tilespmem:$0x10400] =	vst v63  }
0x92: {  	_ =	swait.ge [sflag:s20], $0x8000  }
0x93: {  	[sflag:s20] =	ssyncset.done $0x0  }
0x94: {  	s29 =	rddreg [dreg:$0x5];
	[sflag:s20] =	ssyncadd.s32 $0xFFFF8000  }
0x95: {  	[hbm4b:s29+s0] =	stream.strided.scatter [tilespmem:s2], [sflag:$0x4], $0x8000, s21, s0, $0x38;
	[tilespmem:$0x10400] =	vst v63  }
0x96: {  	_ =	swait.ge [sflag:s22], $0x8000  }
0x97: {  	[sflag:s22] =	ssyncset.done $0x0  }
0x98: {  	[sflag:s22] =	ssyncadd.s32 $0xFFFF8000  }
0x99: {  	v2 =	vld.msk [tilespmem:$0x180], $0xf;
	_ =	sdelay $0x4  }
0x9a: {  	v3 =	vshll.u32 v2, $0x7  }
0x9b: {  	v2 =	vand.u32 $0x7, v2;
	v3 =	vand.u32 $0xFFFFFC00, v3  }
0x9c: {  	v2 =	vor.u32 v2, v3  }
0x9d: {  	v2 =	vperm.xlane v2, v0;
	_ =	sdelay $0x1  }
0x9e: {  	v2 =	vadd.s32 v1, v2;
	_ =	sdelay $0x4  }
0x9f: {  	[tilespmem:s2], [sflag:$0x2] =	stream.indirect_vreg.gather [hbm4b:s25+s3], $0x80, v2, vm0, $0xb8;
	[tilespmem:$0x10400] =	vst v63  }
0xa0: {  	s30 =	simm.s32 $0x8C00  }
0xa1: {  	[tilespmem:s30], [sflag:$0x2] =	stream.indirect_vreg.gather [hbm4b:s4+s3], $0x80, v2, vm0, $0xb8;
	[tilespmem:$0x10400] =	vst v63  }
0xa2: {  	s24 =	simm.s32 $0x9400  }
0xa3: {  	[tilespmem:s24], [sflag:$0x2] =	stream.indirect_vreg.gather [hbm4b:s5+s3], $0x80, v2, vm0, $0xb8;
	[tilespmem:$0x10400] =	vst v63  }
0xa4: {  	s28 =	simm.s32 $0x9C00  }
0xa5: {  	[tilespmem:s28], [sflag:$0x2] =	stream.indirect_vreg.gather [hbm4b:s6+s3], $0x80, v2, vm0, $0xb8;
	[tilespmem:$0x10400] =	vst v63  }
0xa6: {  	s29 =	simm.s32 $0xA400  }
0xa7: {  	[tilespmem:s29], [sflag:$0x2] =	stream.indirect_vreg.gather [hbm4b:s7+s3], $0x80, v2, vm0, $0xb8;
	[tilespmem:$0x10400] =	vst v63  }
0xa8: {  	s30 =	simm.s32 $0xAC00  }
0xa9: {  	[tilespmem:s30], [sflag:$0x2] =	stream.indirect_vreg.gather [hbm4b:s8+s3], $0x80, v2, vm0, $0xb8;
	[tilespmem:$0x10400] =	vst v63  }
0xaa: {  	s23 =	simm.s32 $0xB400  }
0xab: {  	[tilespmem:s23], [sflag:$0x2] =	stream.indirect_vreg.gather [hbm4b:s9+s3], $0x80, v2, vm0, $0xb8;
	[tilespmem:$0x10400] =	vst v63  }
0xac: {  	s23 =	simm.s32 $0xBC00  }
0xad: {  	[tilespmem:s23], [sflag:$0x2] =	stream.indirect_vreg.gather [hbm4b:s10+s3], $0x80, v2, vm0, $0xb8;
	[tilespmem:$0x10400] =	vst v63  }
0xae: {  	s23 =	simm.s32 $0xC400  }
0xaf: {  	[tilespmem:s23], [sflag:$0x2] =	stream.indirect_vreg.gather [hbm4b:s11+s3], $0x80, v2, vm0, $0xb8;
	[tilespmem:$0x10400] =	vst v63  }
0xb0: {  	s23 =	simm.s32 $0xCC00  }
0xb1: {  	[tilespmem:s23], [sflag:$0x2] =	stream.indirect_vreg.gather [hbm4b:s12+s3], $0x80, v2, vm0, $0xb8;
	[tilespmem:$0x10400] =	vst v63  }
0xb2: {  	s23 =	simm.s32 $0xD400  }
0xb3: {  	[tilespmem:s23], [sflag:$0x2] =	stream.indirect_vreg.gather [hbm4b:s13+s3], $0x80, v2, vm0, $0xb8;
	[tilespmem:$0x10400] =	vst v63  }
0xb4: {  	s23 =	simm.s32 $0xDC00  }
0xb5: {  	[tilespmem:s23], [sflag:$0x2] =	stream.indirect_vreg.gather [hbm4b:s14+s3], $0x80, v2, vm0, $0xb8;
	[tilespmem:$0x10400] =	vst v63  }
0xb6: {  	s23 =	simm.s32 $0xE400  }
0xb7: {  	[tilespmem:s23], [sflag:$0x2] =	stream.indirect_vreg.gather [hbm4b:s15+s3], $0x80, v2, vm0, $0xb8;
	[tilespmem:$0x10400] =	vst v63  }
0xb8: {  	s23 =	simm.s32 $0xEC00  }
0xb9: {  	[tilespmem:s23], [sflag:$0x2] =	stream.indirect_vreg.gather [hbm4b:s16+s3], $0x80, v2, vm0, $0xb8;
	[tilespmem:$0x10400] =	vst v63  }
0xba: {  	s23 =	simm.s32 $0xF400  }
0xbb: {  	[tilespmem:s23], [sflag:$0x2] =	stream.indirect_vreg.gather [hbm4b:s17+s3], $0x80, v2, vm0, $0xb8;
	[tilespmem:$0x10400] =	vst v63  }
0xbc: {  	s23 =	simm.s32 $0xFC00  }
0xbd: {  	[tilespmem:s23], [sflag:$0x2] =	stream.indirect_vreg.gather [hbm4b:s18+s3], $0x80, v2, vm0, $0xb8;
	[tilespmem:$0x10400] =	vst v63  }
0xbe: {  	_ =	swait.ge [sflag:s31], $0x8000  }
0xbf: {  	[sflag:s31] =	ssyncset.done $0x0  }
0xc0: {  	s23 =	rddreg [dreg:$0x6];
	[sflag:s31] =	ssyncadd.s32 $0xFFFF8000  }
0xc1: {  	[hbm4b:s23+s0] =	stream.strided.scatter [tilespmem:s21], [sflag:$0x3], $0x8000, s21, s0, $0x38;
	[tilespmem:$0x10400] =	vst v63  }
0xc2: {  	_ =	swait.ge [sflag:s1], $0x8000  }
0xc3: {  	[sflag:s1] =	ssyncset.done $0x0  }
0xc4: {  	[sflag:s1] =	ssyncadd.s32 $0xFFFF8000  }
0xc5: {  	v2 =	vld.msk [tilespmem:$0x200], $0xf;
	_ =	sdelay $0x4  }
0xc6: {  	v3 =	vshll.u32 v2, $0x7  }
0xc7: {  	v2 =	vand.u32 $0x7, v2;
	v3 =	vand.u32 $0xFFFFFC00, v3  }
0xc8: {  	v2 =	vor.u32 v2, v3  }
0xc9: {  	v2 =	vperm.xlane v2, v0;
	_ =	sdelay $0x1  }
0xca: {  	v2 =	vadd.s32 v1, v2;
	_ =	sdelay $0x4  }
0xcb: {  	[tilespmem:s21], [sflag:$0x1] =	stream.indirect_vreg.gather [hbm4b:s25+s3], $0x80, v2, vm0, $0xb8;
	[tilespmem:$0x10400] =	vst v63  }
0xcc: {  	s23 =	simm.s32 $0xC00  }
0xcd: {  	[tilespmem:s23], [sflag:$0x1] =	stream.indirect_vreg.gather [hbm4b:s4+s3], $0x80, v2, vm0, $0xb8;
	[tilespmem:$0x10400] =	vst v63  }
0xce: {  	s23 =	simm.s32 $0x1400  }
0xcf: {  	[tilespmem:s23], [sflag:$0x1] =	stream.indirect_vreg.gather [hbm4b:s5+s3], $0x80, v2, vm0, $0xb8;
	[tilespmem:$0x10400] =	vst v63  }
0xd0: {  	s23 =	simm.s32 $0x1C00  }
0xd1: {  	[tilespmem:s23], [sflag:$0x1] =	stream.indirect_vreg.gather [hbm4b:s6+s3], $0x80, v2, vm0, $0xb8;
	[tilespmem:$0x10400] =	vst v63  }
0xd2: {  	s23 =	simm.s32 $0x2400  }
0xd3: {  	[tilespmem:s23], [sflag:$0x1] =	stream.indirect_vreg.gather [hbm4b:s7+s3], $0x80, v2, vm0, $0xb8;
	[tilespmem:$0x10400] =	vst v63  }
0xd4: {  	s23 =	simm.s32 $0x2C00  }
0xd5: {  	[tilespmem:s23], [sflag:$0x1] =	stream.indirect_vreg.gather [hbm4b:s8+s3], $0x80, v2, vm0, $0xb8;
	[tilespmem:$0x10400] =	vst v63  }
0xd6: {  	s23 =	simm.s32 $0x3400  }
0xd7: {  	[tilespmem:s23], [sflag:$0x1] =	stream.indirect_vreg.gather [hbm4b:s9+s3], $0x80, v2, vm0, $0xb8;
	[tilespmem:$0x10400] =	vst v63  }
0xd8: {  	s23 =	simm.s32 $0x3C00  }
0xd9: {  	[tilespmem:s23], [sflag:$0x1] =	stream.indirect_vreg.gather [hbm4b:s10+s3], $0x80, v2, vm0, $0xb8;
	[tilespmem:$0x10400] =	vst v63  }
0xda: {  	s23 =	simm.s32 $0x4400  }
0xdb: {  	[tilespmem:s23], [sflag:$0x1] =	stream.indirect_vreg.gather [hbm4b:s11+s3], $0x80, v2, vm0, $0xb8;
	[tilespmem:$0x10400] =	vst v63  }
0xdc: {  	s23 =	simm.s32 $0x4C00  }
0xdd: {  	[tilespmem:s23], [sflag:$0x1] =	stream.indirect_vreg.gather [hbm4b:s12+s3], $0x80, v2, vm0, $0xb8;
	[tilespmem:$0x10400] =	vst v63  }
0xde: {  	s23 =	simm.s32 $0x5400  }
0xdf: {  	[tilespmem:s23], [sflag:$0x1] =	stream.indirect_vreg.gather [hbm4b:s13+s3], $0x80, v2, vm0, $0xb8;
	[tilespmem:$0x10400] =	vst v63  }
0xe0: {  	s23 =	simm.s32 $0x5C00  }
0xe1: {  	[tilespmem:s23], [sflag:$0x1] =	stream.indirect_vreg.gather [hbm4b:s14+s3], $0x80, v2, vm0, $0xb8;
	[tilespmem:$0x10400] =	vst v63  }
0xe2: {  	s23 =	simm.s32 $0x6400  }
0xe3: {  	[tilespmem:s23], [sflag:$0x1] =	stream.indirect_vreg.gather [hbm4b:s15+s3], $0x80, v2, vm0, $0xb8;
	[tilespmem:$0x10400] =	vst v63  }
0xe4: {  	s23 =	simm.s32 $0x6C00  }
0xe5: {  	[tilespmem:s23], [sflag:$0x1] =	stream.indirect_vreg.gather [hbm4b:s16+s3], $0x80, v2, vm0, $0xb8;
	[tilespmem:$0x10400] =	vst v63  }
0xe6: {  	s23 =	simm.s32 $0x7400  }
0xe7: {  	[tilespmem:s23], [sflag:$0x1] =	stream.indirect_vreg.gather [hbm4b:s17+s3], $0x80, v2, vm0, $0xb8;
	[tilespmem:$0x10400] =	vst v63  }
0xe8: {  	s23 =	simm.s32 $0x7C00  }
0xe9: {  	[tilespmem:s23], [sflag:$0x1] =	stream.indirect_vreg.gather [hbm4b:s18+s3], $0x80, v2, vm0, $0xb8;
	[tilespmem:$0x10400] =	vst v63  }
0xea: {  	_ =	swait.ge [sflag:s20], $0x8000  }
0xeb: {  	[sflag:s20] =	ssyncset.done $0x0  }
0xec: {  	s23 =	rddreg [dreg:$0x7];
	[sflag:s20] =	ssyncadd.s32 $0xFFFF8000  }
0xed: {  	[hbm4b:s23+s0] =	stream.strided.scatter [tilespmem:s2], [sflag:$0x4], $0x8000, s21, s0, $0x38;
	[tilespmem:$0x10400] =	vst v63  }
0xee: {  	_ =	swait.ge [sflag:s22], $0x8000  }
0xef: {  	[sflag:s22] =	ssyncset.done $0x0  }
0xf0: {  	[sflag:s22] =	ssyncadd.s32 $0xFFFF8000  }
0xf1: {  	v2 =	vld.msk [tilespmem:$0x280], $0xf;
	_ =	sdelay $0x4  }
0xf2: {  	v3 =	vshll.u32 v2, $0x7  }
0xf3: {  	v2 =	vand.u32 $0x7, v2;
	v3 =	vand.u32 $0xFFFFFC00, v3  }
0xf4: {  	v2 =	vor.u32 v2, v3  }
0xf5: {  	v2 =	vperm.xlane v2, v0;
	_ =	sdelay $0x1  }
0xf6: {  	v2 =	vadd.s32 v1, v2;
	_ =	sdelay $0x4  }
0xf7: {  	[tilespmem:s2], [sflag:$0x2] =	stream.indirect_vreg.gather [hbm4b:s25+s3], $0x80, v2, vm0, $0xb8;
	[tilespmem:$0x10400] =	vst v63  }
0xf8: {  	s26 =	simm.s32 $0x8C00  }
0xf9: {  	[tilespmem:s26], [sflag:$0x2] =	stream.indirect_vreg.gather [hbm4b:s4+s3], $0x80, v2, vm0, $0xb8;
	[tilespmem:$0x10400] =	vst v63  }
0xfa: {  	s24 =	simm.s32 $0x9400  }
0xfb: {  	[tilespmem:s24], [sflag:$0x2] =	stream.indirect_vreg.gather [hbm4b:s5+s3], $0x80, v2, vm0, $0xb8;
	[tilespmem:$0x10400] =	vst v63  }
0xfc: {  	s28 =	simm.s32 $0x9C00  }
0xfd: {  	[tilespmem:s28], [sflag:$0x2] =	stream.indirect_vreg.gather [hbm4b:s6+s3], $0x80, v2, vm0, $0xb8;
	[tilespmem:$0x10400] =	vst v63  }
0xfe: {  	s29 =	simm.s32 $0xA400  }
0xff: {  	[tilespmem:s29], [sflag:$0x2] =	stream.indirect_vreg.gather [hbm4b:s7+s3], $0x80, v2, vm0, $0xb8;
	[tilespmem:$0x10400] =	vst v63  }
0x100: {  	s30 =	simm.s32 $0xAC00  }
0x101: {  	[tilespmem:s30], [sflag:$0x2] =	stream.indirect_vreg.gather [hbm4b:s8+s3], $0x80, v2, vm0, $0xb8;
	[tilespmem:$0x10400] =	vst v63  }
0x102: {  	s23 =	simm.s32 $0xB400  }
0x103: {  	[tilespmem:s23], [sflag:$0x2] =	stream.indirect_vreg.gather [hbm4b:s9+s3], $0x80, v2, vm0, $0xb8;
	[tilespmem:$0x10400] =	vst v63  }
0x104: {  	s23 =	simm.s32 $0xBC00  }
0x105: {  	[tilespmem:s23], [sflag:$0x2] =	stream.indirect_vreg.gather [hbm4b:s10+s3], $0x80, v2, vm0, $0xb8;
	[tilespmem:$0x10400] =	vst v63  }
0x106: {  	s23 =	simm.s32 $0xC400  }
0x107: {  	[tilespmem:s23], [sflag:$0x2] =	stream.indirect_vreg.gather [hbm4b:s11+s3], $0x80, v2, vm0, $0xb8;
	[tilespmem:$0x10400] =	vst v63  }
0x108: {  	s23 =	simm.s32 $0xCC00  }
0x109: {  	[tilespmem:s23], [sflag:$0x2] =	stream.indirect_vreg.gather [hbm4b:s12+s3], $0x80, v2, vm0, $0xb8;
	[tilespmem:$0x10400] =	vst v63  }
0x10a: {  	s23 =	simm.s32 $0xD400  }
0x10b: {  	[tilespmem:s23], [sflag:$0x2] =	stream.indirect_vreg.gather [hbm4b:s13+s3], $0x80, v2, vm0, $0xb8;
	[tilespmem:$0x10400] =	vst v63  }
0x10c: {  	s23 =	simm.s32 $0xDC00  }
0x10d: {  	[tilespmem:s23], [sflag:$0x2] =	stream.indirect_vreg.gather [hbm4b:s14+s3], $0x80, v2, vm0, $0xb8;
	[tilespmem:$0x10400] =	vst v63  }
0x10e: {  	s23 =	simm.s32 $0xE400  }
0x10f: {  	[tilespmem:s23], [sflag:$0x2] =	stream.indirect_vreg.gather [hbm4b:s15+s3], $0x80, v2, vm0, $0xb8;
	[tilespmem:$0x10400] =	vst v63  }
0x110: {  	s23 =	simm.s32 $0xEC00  }
0x111: {  	[tilespmem:s23], [sflag:$0x2] =	stream.indirect_vreg.gather [hbm4b:s16+s3], $0x80, v2, vm0, $0xb8;
	[tilespmem:$0x10400] =	vst v63  }
0x112: {  	s23 =	simm.s32 $0xF400  }
0x113: {  	[tilespmem:s23], [sflag:$0x2] =	stream.indirect_vreg.gather [hbm4b:s17+s3], $0x80, v2, vm0, $0xb8;
	[tilespmem:$0x10400] =	vst v63  }
0x114: {  	s23 =	simm.s32 $0xFC00  }
0x115: {  	[tilespmem:s23], [sflag:$0x2] =	stream.indirect_vreg.gather [hbm4b:s18+s3], $0x80, v2, vm0, $0xb8;
	[tilespmem:$0x10400] =	vst v63  }
0x116: {  	_ =	swait.ge [sflag:s31], $0x8000  }
0x117: {  	[sflag:s31] =	ssyncset.done $0x0  }
0x118: {  	s23 =	rddreg [dreg:$0x8];
	[sflag:s31] =	ssyncadd.s32 $0xFFFF8000  }
0x119: {  	[hbm4b:s23+s0] =	stream.strided.scatter [tilespmem:s21], [sflag:$0x3], $0x8000, s21, s0, $0x38;
	[tilespmem:$0x10400] =	vst v63  }
0x11a: {  	_ =	swait.ge [sflag:s1], $0x8000  }
0x11b: {  	[sflag:s1] =	ssyncset.done $0x0  }
0x11c: {  	[sflag:s1] =	ssyncadd.s32 $0xFFFF8000  }
0x11d: {  	v2 =	vld.msk [tilespmem:$0x300], $0xf;
	_ =	sdelay $0x4  }
0x11e: {  	v3 =	vshll.u32 v2, $0x7  }
0x11f: {  	v2 =	vand.u32 $0x7, v2;
	v3 =	vand.u32 $0xFFFFFC00, v3  }
0x120: {  	v2 =	vor.u32 v2, v3  }
0x121: {  	v2 =	vperm.xlane v2, v0;
	_ =	sdelay $0x1  }
0x122: {  	v2 =	vadd.s32 v1, v2;
	_ =	sdelay $0x4  }
0x123: {  	[tilespmem:s21], [sflag:$0x1] =	stream.indirect_vreg.gather [hbm4b:s25+s3], $0x80, v2, vm0, $0xb8;
	[tilespmem:$0x10400] =	vst v63  }
0x124: {  	s23 =	simm.s32 $0xC00  }
0x125: {  	[tilespmem:s23], [sflag:$0x1] =	stream.indirect_vreg.gather [hbm4b:s4+s3], $0x80, v2, vm0, $0xb8;
	[tilespmem:$0x10400] =	vst v63  }
0x126: {  	s23 =	simm.s32 $0x1400  }
0x127: {  	[tilespmem:s23], [sflag:$0x1] =	stream.indirect_vreg.gather [hbm4b:s5+s3], $0x80, v2, vm0, $0xb8;
	[tilespmem:$0x10400] =	vst v63  }
0x128: {  	s23 =	simm.s32 $0x1C00  }
0x129: {  	[tilespmem:s23], [sflag:$0x1] =	stream.indirect_vreg.gather [hbm4b:s6+s3], $0x80, v2, vm0, $0xb8;
	[tilespmem:$0x10400] =	vst v63  }
0x12a: {  	s23 =	simm.s32 $0x2400  }
0x12b: {  	[tilespmem:s23], [sflag:$0x1] =	stream.indirect_vreg.gather [hbm4b:s7+s3], $0x80, v2, vm0, $0xb8;
	[tilespmem:$0x10400] =	vst v63  }
0x12c: {  	s23 =	simm.s32 $0x2C00  }
0x12d: {  	[tilespmem:s23], [sflag:$0x1] =	stream.indirect_vreg.gather [hbm4b:s8+s3], $0x80, v2, vm0, $0xb8;
	[tilespmem:$0x10400] =	vst v63  }
0x12e: {  	s23 =	simm.s32 $0x3400  }
0x12f: {  	[tilespmem:s23], [sflag:$0x1] =	stream.indirect_vreg.gather [hbm4b:s9+s3], $0x80, v2, vm0, $0xb8;
	[tilespmem:$0x10400] =	vst v63  }
0x130: {  	s23 =	simm.s32 $0x3C00  }
0x131: {  	[tilespmem:s23], [sflag:$0x1] =	stream.indirect_vreg.gather [hbm4b:s10+s3], $0x80, v2, vm0, $0xb8;
	[tilespmem:$0x10400] =	vst v63  }
0x132: {  	s23 =	simm.s32 $0x4400  }
0x133: {  	[tilespmem:s23], [sflag:$0x1] =	stream.indirect_vreg.gather [hbm4b:s11+s3], $0x80, v2, vm0, $0xb8;
	[tilespmem:$0x10400] =	vst v63  }
0x134: {  	s23 =	simm.s32 $0x4C00  }
0x135: {  	[tilespmem:s23], [sflag:$0x1] =	stream.indirect_vreg.gather [hbm4b:s12+s3], $0x80, v2, vm0, $0xb8;
	[tilespmem:$0x10400] =	vst v63  }
0x136: {  	s23 =	simm.s32 $0x5400  }
0x137: {  	[tilespmem:s23], [sflag:$0x1] =	stream.indirect_vreg.gather [hbm4b:s13+s3], $0x80, v2, vm0, $0xb8;
	[tilespmem:$0x10400] =	vst v63  }
0x138: {  	s23 =	simm.s32 $0x5C00  }
0x139: {  	[tilespmem:s23], [sflag:$0x1] =	stream.indirect_vreg.gather [hbm4b:s14+s3], $0x80, v2, vm0, $0xb8;
	[tilespmem:$0x10400] =	vst v63  }
0x13a: {  	s23 =	simm.s32 $0x6400  }
0x13b: {  	[tilespmem:s23], [sflag:$0x1] =	stream.indirect_vreg.gather [hbm4b:s15+s3], $0x80, v2, vm0, $0xb8;
	[tilespmem:$0x10400] =	vst v63  }
0x13c: {  	s23 =	simm.s32 $0x6C00  }
0x13d: {  	[tilespmem:s23], [sflag:$0x1] =	stream.indirect_vreg.gather [hbm4b:s16+s3], $0x80, v2, vm0, $0xb8;
	[tilespmem:$0x10400] =	vst v63  }
0x13e: {  	s23 =	simm.s32 $0x7400  }
0x13f: {  	[tilespmem:s23], [sflag:$0x1] =	stream.indirect_vreg.gather [hbm4b:s17+s3], $0x80, v2, vm0, $0xb8;
	[tilespmem:$0x10400] =	vst v63  }
0x140: {  	s23 =	simm.s32 $0x7C00  }
0x141: {  	[tilespmem:s23], [sflag:$0x1] =	stream.indirect_vreg.gather [hbm4b:s18+s3], $0x80, v2, vm0, $0xb8;
	[tilespmem:$0x10400] =	vst v63  }
0x142: {  	_ =	swait.ge [sflag:s20], $0x8000  }
0x143: {  	[sflag:s20] =	ssyncset.done $0x0  }
0x144: {  	s23 =	rddreg [dreg:$0x9];
	[sflag:s20] =	ssyncadd.s32 $0xFFFF8000  }
0x145: {  	[hbm4b:s23+s0] =	stream.strided.scatter [tilespmem:s2], [sflag:$0x4], $0x8000, s21, s0, $0x38;
	[tilespmem:$0x10400] =	vst v63  }
0x146: {  	_ =	swait.ge [sflag:s22], $0x8000  }
0x147: {  	[sflag:s22] =	ssyncset.done $0x0  }
0x148: {  	[sflag:s22] =	ssyncadd.s32 $0xFFFF8000  }
0x149: {  	v2 =	vld.msk [tilespmem:$0x380], $0xf;
	_ =	sdelay $0x4  }
0x14a: {  	v3 =	vshll.u32 v2, $0x7  }
0x14b: {  	v2 =	vand.u32 $0x7, v2;
	v3 =	vand.u32 $0xFFFFFC00, v3  }
0x14c: {  	v2 =	vor.u32 v2, v3  }
0x14d: {  	v2 =	vperm.xlane v2, v0;
	_ =	sdelay $0x1  }
0x14e: {  	v2 =	vadd.s32 v1, v2;
	_ =	sdelay $0x4  }
0x14f: {  	[tilespmem:s2], [sflag:$0x2] =	stream.indirect_vreg.gather [hbm4b:s25+s3], $0x80, v2, vm0, $0xb8;
	[tilespmem:$0x10400] =	vst v63  }
0x150: {  	s26 =	simm.s32 $0x8C00  }
0x151: {  	[tilespmem:s26], [sflag:$0x2] =	stream.indirect_vreg.gather [hbm4b:s4+s3], $0x80, v2, vm0, $0xb8;
	[tilespmem:$0x10400] =	vst v63  }
0x152: {  	s24 =	simm.s32 $0x9400  }
0x153: {  	[tilespmem:s24], [sflag:$0x2] =	stream.indirect_vreg.gather [hbm4b:s5+s3], $0x80, v2, vm0, $0xb8;
	[tilespmem:$0x10400] =	vst v63  }
0x154: {  	s28 =	simm.s32 $0x9C00  }
0x155: {  	[tilespmem:s28], [sflag:$0x2] =	stream.indirect_vreg.gather [hbm4b:s6+s3], $0x80, v2, vm0, $0xb8;
	[tilespmem:$0x10400] =	vst v63  }
0x156: {  	s29 =	simm.s32 $0xA400  }
0x157: {  	[tilespmem:s29], [sflag:$0x2] =	stream.indirect_vreg.gather [hbm4b:s7+s3], $0x80, v2, vm0, $0xb8;
	[tilespmem:$0x10400] =	vst v63  }
0x158: {  	s30 =	simm.s32 $0xAC00  }
0x159: {  	[tilespmem:s30], [sflag:$0x2] =	stream.indirect_vreg.gather [hbm4b:s8+s3], $0x80, v2, vm0, $0xb8;
	[tilespmem:$0x10400] =	vst v63  }
0x15a: {  	s24 =	simm.s32 $0xB400  }
0x15b: {  	[tilespmem:s24], [sflag:$0x2] =	stream.indirect_vreg.gather [hbm4b:s9+s3], $0x80, v2, vm0, $0xb8;
	[tilespmem:$0x10400] =	vst v63  }
0x15c: {  	s25 =	simm.s32 $0xBC00  }
0x15d: {  	[tilespmem:s25], [sflag:$0x2] =	stream.indirect_vreg.gather [hbm4b:s10+s3], $0x80, v2, vm0, $0xb8;
	[tilespmem:$0x10400] =	vst v63  }
0x15e: {  	s26 =	simm.s32 $0xC400  }
0x15f: {  	[tilespmem:s26], [sflag:$0x2] =	stream.indirect_vreg.gather [hbm4b:s11+s3], $0x80, v2, vm0, $0xb8;
	[tilespmem:$0x10400] =	vst v63  }
0x160: {  	s28 =	simm.s32 $0xCC00  }
0x161: {  	[tilespmem:s28], [sflag:$0x2] =	stream.indirect_vreg.gather [hbm4b:s12+s3], $0x80, v2, vm0, $0xb8;
	[tilespmem:$0x10400] =	vst v63  }
0x162: {  	s29 =	simm.s32 $0xD400  }
0x163: {  	[tilespmem:s29], [sflag:$0x2] =	stream.indirect_vreg.gather [hbm4b:s13+s3], $0x80, v2, vm0, $0xb8;
	[tilespmem:$0x10400] =	vst v63  }
0x164: {  	s30 =	simm.s32 $0xDC00  }
0x165: {  	[tilespmem:s30], [sflag:$0x2] =	stream.indirect_vreg.gather [hbm4b:s14+s3], $0x80, v2, vm0, $0xb8;
	[tilespmem:$0x10400] =	vst v63  }
0x166: {  	s24 =	simm.s32 $0xE400  }
0x167: {  	[tilespmem:s24], [sflag:$0x2] =	stream.indirect_vreg.gather [hbm4b:s15+s3], $0x80, v2, vm0, $0xb8;
	[tilespmem:$0x10400] =	vst v63  }
0x168: {  	s25 =	simm.s32 $0xEC00  }
0x169: {  	[tilespmem:s25], [sflag:$0x2] =	stream.indirect_vreg.gather [hbm4b:s16+s3], $0x80, v2, vm0, $0xb8;
	[tilespmem:$0x10400] =	vst v63  }
0x16a: {  	s26 =	simm.s32 $0xF400  }
0x16b: {  	[tilespmem:s26], [sflag:$0x2] =	stream.indirect_vreg.gather [hbm4b:s17+s3], $0x80, v2, vm0, $0xb8;
	[tilespmem:$0x10400] =	vst v63  }
0x16c: {  	s28 =	simm.s32 $0xFC00  }
0x16d: {  	[tilespmem:s28], [sflag:$0x2] =	stream.indirect_vreg.gather [hbm4b:s18+s3], $0x80, v2, vm0, $0xb8;
	[tilespmem:$0x10400] =	vst v63  }
0x16e: {  	_ =	swait.ge [sflag:s31], $0x8000  }
0x16f: {  	[sflag:s31] =	ssyncset.done $0x0  }
0x170: {  	s29 =	rddreg [dreg:$0xa];
	[sflag:s31] =	ssyncadd.s32 $0xFFFF8000  }
0x171: {  	[hbm4b:s29+s0] =	stream.strided.scatter [tilespmem:s21], [sflag:$0x3], $0x8000, s21, s0, $0x38;
	[tilespmem:$0x10400] =	vst v63  }
0x172: {  	_ =	swait.ge [sflag:s20], $0x8000  }
0x173: {  	[sflag:s20] =	ssyncset.done $0x0  }
0x174: {  	s30 =	rddreg [dreg:$0xb];
	[sflag:s20] =	ssyncadd.s32 $0xFFFF8000  }
0x175: {  	[hbm4b:s30+s0] =	stream.strided.scatter [tilespmem:s2], [sflag:$0x4], $0x8000, s21, s0, $0x38;
	[tilespmem:$0x10400] =	vst v63  }
0x176: {  	p0 =	sne.s32 s19, $0x1;
	_ =	swait.ge [sflag:s1], $0x8000  }
.Ltmp0:
0x177: {  	[sflag:s1] =	ssyncset.done $0x0;
	(pc) =	sbr.rel @p0 .LBB2_1-.Ltmp0, $4  }
0x178: {  	[sflag:s1] =	ssyncadd.s32 $0xFFFF8000  }
0x179: {  	_ =	swait.ge [sflag:s22], $0x8000  }
0x17a: {  	[sflag:s22] =	ssyncset.done $0x0  }
0x17b: {  	s19 =	sadd.s32 $0xFFFFFFFF, s19;
	[sflag:s22] =	ssyncadd.s32 $0xFFFF8000  }
0x17c: {  	_ =	sfence.sel $0x180000  }
0x17d: {  	[bflag:$0x0] =	sbarrier.arrive $0xFFFF  }
0x17e: {  	_ =	strace $0x90000047  }
0x17f: {  	s0 =	stileid.u32;
	[bflag:$0x2] =	sbarrier.arrive $0xFFFF  }
0x180: {  	p0 =	sne.s32 s0, $0x0;
	s0 =	rddreg [dreg:$0x2]  }
0x181: {  	s0 =	sadd.s32 @!p0 $0x100000, s0  }
0x182: {  	[sflag:s0] =	ssyncadd.tile.s32 @!p0 $0x1;
	_ =	shalt  }
.Lfunc_end2:
_tile_overlayer_lowered:
.L_overlay_start_2:
0x183: {  	(tag) =	ssettag $0x2  }
0x184: {  	s0 =	rddreg [dreg:$0x0];
	s2 =	stileid.u32  }
0x185: {  	s1 =	rddreg [dreg:$0x1];
	p0 =	sne.s32 s2, $0x0  }
0x186: {  	s3 =	rddreg [dreg:$0x2];
	[bflag:$0x3] =	sbarrier.arrive $0xFFFF;
	s2 =	simm.s32 @!p0 $0x1C05  }
0x187: {  	[timem:s3], [sflag:s2] =	dma.local @!p0 [hbm:s0], s1  }
0x188: {  	s0 =	simm.s32 @!p0 $0x5  }
0x189: {  	_ =	swait.ge @!p0 [sflag:s0], s1  }
0x18a: {  	s1 =	ssub.s32 @!p0 $0x0, s1;
	[sflag:s0] =	ssyncset.done @!p0 $0x0  }
0x18b: {  	[sflag:s0] =	ssyncadd.s32 @!p0 s1  }
0x18c: {  	[bflag:$0x3] =	sbarrier.arrive $0xFFFF  }
0x18d: {  	_ =	shalt  }

// kernel: kernel.9.cloned.1.call-start
scs
__scs_entry_jumppad:
0x0: {  	(pc) =	sbr.rel $0x88, $3  }
0x1: {  	(tag) =	ssettag $0x0;
	lr =	simm.s32 $0x1  }
0x2: {  	[smem:$0x3F9F] =	sst lr;
	_ =	strace $0xD0000000  }
0x3: {  	_ = 	snop  }
0x4: {  	_ = 	snop  }
0x5: {  	_ = 	snop  }
0x6: {  	_ = 	snop  }
0x7: {  	_ = 	snop  }
__scs_overlays_trampoline_lowered:
0x8: {  	[smem:$0x3FAE] =	sst s0  }
0x9: {  	[smem:$0x3FAF] =	sst s1  }
0xa: {  	[smem:$0x3FB0] =	sst s2  }
0xb: {  	[smem:$0x3FB1] =	sst s3  }
0xc: {  	[smem:$0x3FB2] =	sst s4  }
0xd: {  	[smem:$0x3FB3] =	sst s5  }
0xe: {  	[smem:$0x3FB4] =	sst s6  }
0xf: {  	[smem:$0x3FB5] =	sst s7  }
0x10: {  	[smem:$0x3FB6] =	sst s8  }
0x11: {  	[smem:$0x3FB7] =	sst s9;
	s0 =	simm.s32 @!p0 $0x0  }
0x12: {  	s1 =	sld [smem:$0x3F9D];
	s0 =	simm.s32 @p0 $0x1  }
0x13: {  	[smem:$0x3FB8] =	sst s0;
	s0 =	simm.s32 @!p1 $0x0  }
0x14: {  	s2 =	sld [smem:$0x3F9C];
	s0 =	simm.s32 @p1 $0x1  }
0x15: {  	[smem:$0x3FB9] =	sst s0;
	s0 =	simm.s32 @!p2 $0x0  }
0x16: {  	s3 =	sld [smem:$0x3FDB];
	s0 =	simm.s32 @p2 $0x1  }
0x17: {  	s4 =	simm.s32 $0x1BF5;
	[smem:$0x3FBB] =	sst s0  }
0x18: {  	s0 =	sld [smem:$0x3F9E];
	_ =	swait.ge [sflag:s4], $0x0  }
0x19: {  	s7 =	sld [smem:$0x3F9F]  }
0x1a: {  	s8 =	sadd.s32 $0xFFFFE003, lr  }
0x1b: {  	s9 =	sadd.s32 $0xFFFFFEF7, lr;
	s5 =	simm.s32 $0xFFFFFFFF;
	p2 =	slt.u32 s8, $0xFFFFF086  }
0x1c: {  	p1 =	slt.u32 s9, $0xF7A;
	s5 =	simm.s32 @!p2 $0x0  }
0x1d: {  	s5 =	simm.s32 @p1 $0x1;
	p0 =	seq.s32 s7, s2  }
0x1e: {  	s7 =	smul.u32 @!p0 $0xF7A, s2;
	p2 =	seq.s32 @!p0 s5, $0x0  }
0x1f: {  	s9 =	smul.u32 $0xF7A, s1;
	s8 =	simm.s32 @!p0 $0x1BF5;
	p2 =	por !p2, p0  }
0x20: {  	[sflag:s8] =	ssyncset.s32 @!p0 $0xFFFFF086;
	s6 =	sadd.s32 @!p0 s3, s7;
	s7 =	simm.s32 @!p0 $0x108  }
0x21: {  	s3 =	sadd.s32 s3, s9;
	s6 =	sadd.s32 @!p0 $0x88, s6;
	s7 =	simm.s32 @p2 $0x1082  }
0x22: {  	[simem:s7], [sflag:s8] =	dma.local @!p0 [hbm:s6], $0xF7A  }
0x23: {  	s9 =	sor.u32 $0xD0000000, s2;
	s6 =	simm.s32 $0x108;
	_ =	swait.ge @!p0 [sflag:s8], $0x0  }
0x24: {  	s3 =	sadd.s32 $0x88, s3;
	s6 =	simm.s32 @!p1 $0x1082;
	[sflag:s4] =	ssyncset.s32 $0xFFFFF086  }
0x25: {  	[simem:s6], [sflag:s4] =	dma.local [hbm:s3], $0xF7A  }
0x26: {  	[smem:$0x3F9F] =	sst s1;
	(tag) =	ssettag s2;
	_ =	strace s9  }
0x27: {  	s1 =	sld [smem:$0x3FAF]  }
0x28: {  	s2 =	sld [smem:$0x3FB0]  }
0x29: {  	s4 =	sld [smem:$0x3FB2]  }
0x2a: {  	p0 =	seq.s32 s5, $0x0;
	s5 =	sld [smem:$0x3FB3]  }
0x2b: {  	s6 =	sld [smem:$0x3FB4]  }
0x2c: {  	s7 =	sld [smem:$0x3FB5]  }
0x2d: {  	s3 =	simm.s32 $0x108;
	s8 =	sld [smem:$0x3FB6]  }
0x2e: {  	s3 =	simm.s32 @!p0 $0x1082;
	s9 =	sld [smem:$0x3FB7]  }
0x2f: {  	lr =	sadd.s32 s0, s3;
	s0 =	sld [smem:$0x3FAE]  }
0x30: {  	s3 =	sld [smem:$0x3FB1]  }
0x31: {  	[smem:$0x3FBA] =	sst s10  }
0x32: {  	s10 =	sld [smem:$0x3FB8];
	_ =	sdelay $0x3  }
0x33: {  	p0 =	seq.s32 s10, $0x1;
	s10 =	sld [smem:$0x3FBA];
	_ =	sdelay $0x3  }
0x34: {  	[smem:$0x3FBA] =	sst s10  }
0x35: {  	s10 =	sld [smem:$0x3FB9];
	_ =	sdelay $0x3  }
0x36: {  	p1 =	seq.s32 s10, $0x1;
	s10 =	sld [smem:$0x3FBA];
	_ =	sdelay $0x3  }
0x37: {  	[smem:$0x3FBA] =	sst s10  }
0x38: {  	s10 =	sld [smem:$0x3FBB]  }
0x39: {  	_ = 	snop;
	(pc) =	sbr.ind lr, $3  }
0x3a: {  	_ = 	snop  }
0x3b: {  	_ = 	snop  }
0x3c: {  	p2 =	seq.s32 s10, $0x1;
	s10 =	sld [smem:$0x3FBA]  }
0x3d: {  	_ =	shalt  }
0x3e: {  	_ =	shalt  }
0x3f: {  	_ =	shalt  }
0x40: {  	_ =	shalt  }
0x41: {  	_ =	shalt  }
0x42: {  	_ =	shalt  }
0x43: {  	_ =	shalt  }
0x44: {  	_ =	shalt  }
0x45: {  	_ =	shalt  }
0x46: {  	_ =	shalt  }
0x47: {  	_ =	shalt  }
0x48: {  	_ =	shalt  }
0x49: {  	_ =	shalt  }
0x4a: {  	_ =	shalt  }
0x4b: {  	_ =	shalt  }
0x4c: {  	_ =	shalt  }
0x4d: {  	_ =	shalt  }
0x4e: {  	_ =	shalt  }
0x4f: {  	_ =	shalt  }
0x50: {  	_ =	shalt  }
0x51: {  	_ =	shalt  }
0x52: {  	_ =	shalt  }
0x53: {  	_ =	shalt  }
0x54: {  	_ =	shalt  }
0x55: {  	_ =	shalt  }
0x56: {  	_ =	shalt  }
0x57: {  	_ =	shalt  }
0x58: {  	_ =	shalt  }
0x59: {  	_ =	shalt  }
0x5a: {  	_ =	shalt  }
0x5b: {  	_ =	shalt  }
0x5c: {  	_ =	shalt  }
0x5d: {  	_ =	shalt  }
0x5e: {  	_ =	shalt  }
0x5f: {  	_ =	shalt  }
0x60: {  	_ =	shalt  }
0x61: {  	_ =	shalt  }
0x62: {  	_ =	shalt  }
0x63: {  	_ =	shalt  }
0x64: {  	_ =	shalt  }
0x65: {  	_ =	shalt  }
0x66: {  	_ =	shalt  }
0x67: {  	_ =	shalt  }
0x68: {  	_ =	shalt  }
0x69: {  	_ =	shalt  }
0x6a: {  	_ =	shalt  }
0x6b: {  	_ =	shalt  }
0x6c: {  	_ =	shalt  }
0x6d: {  	_ =	shalt  }
0x6e: {  	_ =	shalt  }
0x6f: {  	_ =	shalt  }
0x70: {  	_ =	shalt  }
0x71: {  	_ =	shalt  }
0x72: {  	_ =	shalt  }
0x73: {  	_ =	shalt  }
0x74: {  	_ =	shalt  }
0x75: {  	_ =	shalt  }
0x76: {  	_ =	shalt  }
0x77: {  	_ =	shalt  }
0x78: {  	_ =	shalt  }
0x79: {  	_ =	shalt  }
0x7a: {  	_ =	shalt  }
0x7b: {  	_ =	shalt  }
0x7c: {  	_ =	shalt  }
0x7d: {  	_ =	shalt  }
0x7e: {  	_ =	shalt  }
0x7f: {  	_ =	shalt  }
0x80: {  	_ =	shalt  }
0x81: {  	_ =	shalt  }
0x82: {  	_ =	shalt  }
0x83: {  	_ =	shalt  }
0x84: {  	_ =	shalt  }
0x85: {  	_ =	shalt  }
0x86: {  	_ =	shalt  }
0x87: {  	_ =	shalt  }
.Lfunc_end0:
.L_simem_size_0:
called_computation.1_lowered:
.L_overlay_start_0:
0x88: {  	s2 =	sld [smem:$0x3FD9]  }
0x89: {  	s3 =	sld [smem:$0x3FFE];
	_ =	sdelay $0x1  }
0x8a: {  	s1 =	srdreg.scid  }
0x8b: {  	s0 =	sand.u32 $0x1, s1  }
0x8c: {  	s17 =	sshll.u32 s0, $0xA;
	s2 =	sadd.s32 s3, s2  }
0x8d: {  	s2 =	sadd.s32 s2, s17  }
0x8e: {  	[smem:$0x3FC6] =	sst s2  }
0x8f: {  	_ = 	snop  }
0x90: {  	s18 =	sld [smem:$0x3FC8];
	(tm) =	ssettm $0x1  }
0x91: {  	s19 =	sld [smem:$0x3FFB];
	_ =	sdelay $0x3  }
0x92: {  	_ =	strace s19  }
0x93: {  	s2 =	sld [smem:$0x3FFC];
	_ =	sdelay $0x3  }
0x94: {  	_ =	strace s2  }
0x95: {  	s2 =	sld [smem:$0x3FFD];
	_ =	sdelay $0x3  }
0x96: {  	_ =	strace s2  }
0x97: {  	_ =	strace $0x8FFFFFFF  }
0x98: {  	s20 =	sld [smem:$0x3FDB];
	_ =	sdelay $0x1  }
0x99: {  	s4 =	simm.s32 $_scs_section_size  }
0x9a: {  	s5 =	simm.s32 $_size__tile_overlayer_lowered;
	s6 =	simm.s32 $_tile_overlayer_lowered  }
0x9b: {  	s7 =	simm.s32 $0x1BFF;
	s21 =	sshll.u32 s6, $0x1;
	s4 =	sadd.s32 s4, s20  }
0x9c: {  	s22 =	simm.s32 $0x0;
	s5 =	sshll.u32 s5, $0x1;
	s6 =	sadd.s32 s21, s4  }
0x9d: {  	[timem:s22], [sflag:s7] =	dma.local [hbm:s6], s5  }
0x9e: {  	_ =	swait.ge [sflag:s7], s5  }
0x9f: {  	s5 =	ssub.s32 $0x0, s5;
	[sflag:s7] =	ssyncset.done $0x0  }
0xa0: {  	[sflag:s7] =	ssyncadd.s32 s5;
	_ =	sdelay $0x1  }
0xa1: {  	s23 =	simm.s32 $0x1B8B  }
0xa2: {  	_ =	swait.ge [sflag:s23], $0x1  }
0xa3: {  	[sflag:s23] =	ssyncset.done $0x0  }
0xa4: {  	[sflag:s23] =	ssyncadd.s32 $0xFFFFFFFF  }
0xa5: {  	s5 =	sld [smem:$0x0]  }
0xa6: {  	s6 =	sand.u32 $0xFFFFFFFE, s1  }
0xa7: {  	p0 =	sne.s32 s1, s6  }
0xa8: {  	s6 =	sshll.u32 @p0 s6, $0xE  }
0xa9: {  	s6 =	sadd.s32 @p0 $0x11B8D, s6;
	s7 =	sshll.u32 @p0 s5, $0x11  }
0xaa: {  	s6 =	sor.u32 @p0 s7, s6  }
0xab: {  	[sflag:s6] =	ssyncadd.remote.s32 @p0 $0x1;
	_ =	sdelay $0x1  }
0xac: {  	s6 =	simm.s32 @p0 $0x1B8D  }
0xad: {  	_ =	swait.eq @p0 [sflag:s6], $0x1  }
0xae: {  	[sflag:s6] =	ssyncadd.s32 @p0 $0xFFFFFFFF  }
0xaf: {  	s7 =	sshll.u32 @!p0 s1, $0xE  }
0xb0: {  	s7 =	sor.u32 @!p0 $0x4000, s7;
	s6 =	simm.s32 @!p0 $0x1B8D  }
0xb1: {  	s5 =	sshll.u32 @!p0 s5, $0x11;
	s7 =	sadd.s32 @!p0 $0x11B8D, s7;
	_ =	swait.eq @!p0 [sflag:s6], $0x1  }
0xb2: {  	s5 =	sor.u32 @!p0 s5, s7;
	[sflag:s6] =	ssyncadd.s32 @!p0 $0xFFFFFFFF  }
0xb3: {  	s25 =	simm.s32 $0x1B8E;
	s24 =	sld [smem:$0x3FFE];
	[sflag:s5] =	ssyncadd.remote.s32 @!p0 $0x1  }
0xb4: {  	s26 =	simm.s32 $execute0_lowered;
	[smem:$0x3FD2] =	sst s25  }
0xb5: {  	s6 =	sshll.u32 s26, $0x1;
	_ =	strace $0x80000049;
	[dreg:$0x1] =	wrdreg $0xFFFFFFFF  }
0xb6: {  	s28 =	simm.s32 $_size_execute0_lowered;
	s4 =	sadd.s32 s4, s6;
	[dreg:$0x0] =	wrdreg $0x0  }
0xb7: {  	s6 =	sshll.u32 s28, $0x1;
	[dreg:$0x2] =	wrdreg s4  }
0xb8: {  	[dreg:$0x3] =	wrdreg s6  }
0xb9: {  	[dreg:$0x4] =	wrdreg $0xC0  }
0xba: {  	_ =	task [dreg:s22], $0x5FFFF  }
0xbb: {  	[dreg:$0x1] =	wrdreg $0xFFFFFFFF  }
0xbc: {  	[dreg:$0x0] =	wrdreg $0x60  }
0xbd: {  	[dreg:$0x2] =	wrdreg s24  }
0xbe: {  	[dreg:$0x3] =	wrdreg s18  }
0xbf: {  	[dreg:$0x4] =	wrdreg $0xA  }
0xc0: {  	_ =	task.clear_ibuf [dreg:s22], $0x5FFFF;
	_ =	strace $0x90000049  }
0xc1: {  	s29 =	simm.s32 $0xA;
	_ =	strace $0x8000004B  }
0xc2: {  	_ =	swait.ge [sflag:s29], $0x1  }
0xc3: {  	[sflag:s29] =	ssyncadd.s32 $0xFFFFFFFF  }
0xc4: {  	_ =	strace $0x9000004B  }
0xc5: {  	_ =	sfence  }
0xc6: {  	s30 =	sld [smem:$0x0];
	_ =	sdelay $0x2  }
0xc7: {  	s31 =	sshll.u32 s1, $0xD;
	s1 =	sshrl.u32 s1, $0x2  }
0xc8: {  	s4 =	sand.u32 $0x4000, s31;
	s1 =	sadd.s32 s1, s30  }
0xc9: {  	s0 =	sor.u32 s4, s0;
	s1 =	sshll.u32 s1, $0x11  }
0xca: {  	s0 =	sor.u32 s1, s0  }
0xcb: {  	s0 =	sadd.s32 $0x8F2B, s0  }
0xcc: {  	[sflag:s0] =	ssyncadd.remote.s32 $0x1  }
0xcd: {  	_ =	sfence.sel $0xFFFF  }
0xce: {  	[dreg:$0x0] =	wrdreg $0xFFFFFFFF;
	(pc) =	sbr.abs _section_cstart, $3  }
0xcf: {  	[dreg:$0x1] =	wrdreg $0xFFFFFFFF  }
0xd0: {  	_ =	task.clear_ibuf [dreg:s22], $0x2FFFF;
	_ =	strace $0x9FFFFFFF  }
0xd1: {  	(tm) =	ssettm $0x7FFFFFFF  }
tec
execute0_lowered:
.L_overlay_start_1:
0x0: {  	(tag) =	ssettag $0x1  }
0x1: {  	s0 =	srdreg.scid;
	s1 =	rddreg [dreg:$0x0]  }
0x2: {  	s2 =	stileid.u32;
	s3 =	rddreg [dreg:$0x1]  }
0x3: {  	s6 =	simm.s32 $0x400;
	s29 =	simm.s32 $0x8400;
	s28 =	simm.s32 $0x4  }
0x4: {  	s19 =	simm.s32 $0x7400;
	s0 =	sand.u32 $0x1, s0;
	s2 =	sshll.u32 s2, $0x1  }
0x5: {  	s18 =	simm.s32 $0x7C00;
	s3 =	sadd.s32 $0x2000, s3;
	s4 =	sor.u32 s0, s2  }
0x6: {  	s2 =	simm.s32 $0x0;
	s0 =	ssub.s32 $0x2, s0;
	s5 =	sshll.u32 s4, $0x7  }
0x7: {  	s7 =	sadd.s32 $0x200, s3;
	s4 =	sshll.u32 s4, $0xF;
	s5 =	sadd.s32 s5, s1  }
0x8: {  	[smem:$0x7FF] =	sst s2;
	s1 =	sadd.s32 s4, s1;
	s20 =	sadd.s32 $0x800, s5  }
0x9: {  	_ =	strace $0x8000004A;
	s21 =	sadd.s32 $0x101800, s1;
	[dreg:$0x3] =	wrdreg s20  }
0xa: {  	s9 =	sadd.s32 $0x400, s3;
	s22 =	sadd.s32 $0x101840, s1;
	[dreg:$0x4] =	wrdreg s21  }
0xb: {  	s11 =	sadd.s32 $0x600, s3;
	s23 =	sadd.s32 $0x103800, s1;
	[dreg:$0x5] =	wrdreg s22  }
0xc: {  	s13 =	sadd.s32 $0x800, s3;
	s24 =	sadd.s32 $0x103840, s1;
	[dreg:$0x6] =	wrdreg s23  }
0xd: {  	s15 =	sadd.s32 $0xA00, s3;
	s25 =	sadd.s32 $0x105800, s1;
	[dreg:$0x7] =	wrdreg s24  }
0xe: {  	s17 =	sadd.s32 $0xC00, s3;
	s26 =	sadd.s32 $0x105840, s1;
	[dreg:$0x8] =	wrdreg s25  }
0xf: {  	s31 =	sshrl.u32 s0, $0x1;
	s30 =	sadd.s32 $0x107800, s1;
	[dreg:$0x9] =	wrdreg s26  }
0x10: {  	s0 =	ssub.s32 s0, s31;
	s1 =	sadd.s32 $0x107840, s1;
	[dreg:$0xa] =	wrdreg s30  }
0x11: {  	v0 =	vlaneseq.u32;
	s4 =	smax.u32 s0, $0x1;
	[dreg:$0xb] =	wrdreg s1;
	s23 =	simm.s32 $0x1  }
0x12: {  	v1 =	vshrl.u32 v0, $0x2;
	s24 =	simm.s32 $0x200;
	s25 =	simm.s32 $0x3;
	s26 =	simm.s32 $0x2  }
0x13: {  	vm0 =	vmmov $0xffff;
	v0 =	vand.u32 $0x3, v0;
	v1 =	vmul.u32 $0x8, v1;
	s22 =	simm.s32 $0x5C00;
	s21 =	simm.s32 $0x6400;
	s20 =	simm.s32 $0x6C00  }
.LBB2_1:
0x14: {  	s0 =	rddreg [dreg:$0x3];
	s16 =	simm.s32 $0x5  }
0x15: {  	[tilespmem:s2], [sflag:$0x5] =	stream.linear.gather [hbm4b:s0+s2], $0x400, $0x38;
	[tilespmem:$0x10400] =	vst v63  }
0x16: {  	_ =	swait.ge [sflag:s16], $0x400  }
0x17: {  	[sflag:s16] =	ssyncset.done $0x0  }
0x18: {  	[sflag:s16] =	ssyncadd.s32 $0xFFFFFC00  }
0x19: {  	v2 =	vld.msk [tilespmem:$0x0], $0xf;
	_ =	sdelay $0x4  }
0x1a: {  	v3 =	vshll.u32 v2, $0x7  }
0x1b: {  	v2 =	vand.u32 $0x7, v2;
	v3 =	vand.u32 $0xFFFFFC00, v3  }
0x1c: {  	v2 =	vor.u32 v2, v3  }
0x1d: {  	v2 =	vperm.xlane v2, v0;
	_ =	sdelay $0x1  }
0x1e: {  	v2 =	vadd.s32 v1, v2;
	_ =	sdelay $0x4  }
0x1f: {  	[tilespmem:s6], [sflag:$0x1] =	stream.indirect_vreg.gather [hbm4b:s3+s2], $0x80, v2, vm0, $0xb8;
	[tilespmem:$0x10400] =	vst v63  }
0x20: {  	s30 =	simm.s32 $0xC00  }
0x21: {  	[tilespmem:s30], [sflag:$0x1] =	stream.indirect_vreg.gather [hbm4b:s7+s2], $0x80, v2, vm0, $0xb8;
	[tilespmem:$0x10400] =	vst v63  }
0x22: {  	s31 =	simm.s32 $0x1400  }
0x23: {  	[tilespmem:s31], [sflag:$0x1] =	stream.indirect_vreg.gather [hbm4b:s9+s2], $0x80, v2, vm0, $0xb8;
	[tilespmem:$0x10400] =	vst v63  }
0x24: {  	s1 =	simm.s32 $0x1C00  }
0x25: {  	[tilespmem:s1], [sflag:$0x1] =	stream.indirect_vreg.gather [hbm4b:s11+s2], $0x80, v2, vm0, $0xb8;
	[tilespmem:$0x10400] =	vst v63  }
0x26: {  	s5 =	simm.s32 $0x2400  }
0x27: {  	[tilespmem:s5], [sflag:$0x1] =	stream.indirect_vreg.gather [hbm4b:s13+s2], $0x80, v2, vm0, $0xb8;
	[tilespmem:$0x10400] =	vst v63  }
0x28: {  	s8 =	simm.s32 $0x2C00  }
0x29: {  	[tilespmem:s8], [sflag:$0x1] =	stream.indirect_vreg.gather [hbm4b:s15+s2], $0x80, v2, vm0, $0xb8;
	[tilespmem:$0x10400] =	vst v63  }
0x2a: {  	s10 =	simm.s32 $0x3400  }
0x2b: {  	[tilespmem:s10], [sflag:$0x1] =	stream.indirect_vreg.gather [hbm4b:s17+s2], $0x80, v2, vm0, $0xb8;
	[tilespmem:$0x10400] =	vst v63  }
0x2c: {  	s12 =	simm.s32 $0x3C00;
	s30 =	sadd.s32 $0xE00, s3  }
0x2d: {  	[tilespmem:s12], [sflag:$0x1] =	stream.indirect_vreg.gather [hbm4b:s30+s2], $0x80, v2, vm0, $0xb8;
	[tilespmem:$0x10400] =	vst v63  }
0x2e: {  	s14 =	simm.s32 $0x4400;
	s31 =	sadd.s32 $0x1000, s3  }
0x2f: {  	[tilespmem:s14], [sflag:$0x1] =	stream.indirect_vreg.gather [hbm4b:s31+s2], $0x80, v2, vm0, $0xb8;
	[tilespmem:$0x10400] =	vst v63  }
0x30: {  	s16 =	simm.s32 $0x4C00;
	s1 =	sadd.s32 $0x1200, s3  }
0x31: {  	[tilespmem:s16], [sflag:$0x1] =	stream.indirect_vreg.gather [hbm4b:s1+s2], $0x80, v2, vm0, $0xb8;
	[tilespmem:$0x10400] =	vst v63  }
0x32: {  	s0 =	sadd.s32 $0x1400, s3;
	s5 =	simm.s32 $0x5400  }
0x33: {  	[tilespmem:s5], [sflag:$0x1] =	stream.indirect_vreg.gather [hbm4b:s0+s2], $0x80, v2, vm0, $0xb8;
	[tilespmem:$0x10400] =	vst v63  }
0x34: {  	s5 =	sadd.s32 $0x1600, s3  }
0x35: {  	[tilespmem:s22], [sflag:$0x1] =	stream.indirect_vreg.gather [hbm4b:s5+s2], $0x80, v2, vm0, $0xb8;
	[tilespmem:$0x10400] =	vst v63  }
0x36: {  	s8 =	sadd.s32 $0x1800, s3  }
0x37: {  	[tilespmem:s21], [sflag:$0x1] =	stream.indirect_vreg.gather [hbm4b:s8+s2], $0x80, v2, vm0, $0xb8;
	[tilespmem:$0x10400] =	vst v63  }
0x38: {  	s10 =	sadd.s32 $0x1A00, s3  }
0x39: {  	[tilespmem:s20], [sflag:$0x1] =	stream.indirect_vreg.gather [hbm4b:s10+s2], $0x80, v2, vm0, $0xb8;
	[tilespmem:$0x10400] =	vst v63  }
0x3a: {  	s12 =	sadd.s32 $0x1C00, s3  }
0x3b: {  	[tilespmem:s19], [sflag:$0x1] =	stream.indirect_vreg.gather [hbm4b:s12+s2], $0x80, v2, vm0, $0xb8;
	[tilespmem:$0x10400] =	vst v63  }
0x3c: {  	s14 =	sadd.s32 $0x1E00, s3  }
0x3d: {  	[tilespmem:s18], [sflag:$0x1] =	stream.indirect_vreg.gather [hbm4b:s14+s2], $0x80, v2, vm0, $0xb8;
	[tilespmem:$0x10400] =	vst v63  }
0x3e: {  	v2 =	vld.msk [tilespmem:$0x80], $0xf;
	_ =	sdelay $0x4  }
0x3f: {  	v3 =	vshll.u32 v2, $0x7  }
0x40: {  	v2 =	vand.u32 $0x7, v2;
	v3 =	vand.u32 $0xFFFFFC00, v3  }
0x41: {  	v2 =	vor.u32 v2, v3  }
0x42: {  	v2 =	vperm.xlane v2, v0;
	_ =	sdelay $0x1  }
0x43: {  	v2 =	vadd.s32 v1, v2;
	_ =	sdelay $0x4  }
0x44: {  	[tilespmem:s29], [sflag:$0x2] =	stream.indirect_vreg.gather [hbm4b:s3+s2], $0x80, v2, vm0, $0xb8;
	[tilespmem:$0x10400] =	vst v63  }
0x45: {  	s16 =	simm.s32 $0x8C00  }
0x46: {  	[tilespmem:s16], [sflag:$0x2] =	stream.indirect_vreg.gather [hbm4b:s7+s2], $0x80, v2, vm0, $0xb8;
	[tilespmem:$0x10400] =	vst v63  }
0x47: {  	s16 =	simm.s32 $0x9400  }
0x48: {  	[tilespmem:s16], [sflag:$0x2] =	stream.indirect_vreg.gather [hbm4b:s9+s2], $0x80, v2, vm0, $0xb8;
	[tilespmem:$0x10400] =	vst v63  }
0x49: {  	s16 =	simm.s32 $0x9C00  }
0x4a: {  	[tilespmem:s16], [sflag:$0x2] =	stream.indirect_vreg.gather [hbm4b:s11+s2], $0x80, v2, vm0, $0xb8;
	[tilespmem:$0x10400] =	vst v63  }
0x4b: {  	s16 =	simm.s32 $0xA400  }
0x4c: {  	[tilespmem:s16], [sflag:$0x2] =	stream.indirect_vreg.gather [hbm4b:s13+s2], $0x80, v2, vm0, $0xb8;
	[tilespmem:$0x10400] =	vst v63  }
0x4d: {  	s16 =	simm.s32 $0xAC00  }
0x4e: {  	[tilespmem:s16], [sflag:$0x2] =	stream.indirect_vreg.gather [hbm4b:s15+s2], $0x80, v2, vm0, $0xb8;
	[tilespmem:$0x10400] =	vst v63  }
0x4f: {  	s16 =	simm.s32 $0xB400  }
0x50: {  	[tilespmem:s16], [sflag:$0x2] =	stream.indirect_vreg.gather [hbm4b:s17+s2], $0x80, v2, vm0, $0xb8;
	[tilespmem:$0x10400] =	vst v63  }
0x51: {  	s16 =	simm.s32 $0xBC00  }
0x52: {  	[tilespmem:s16], [sflag:$0x2] =	stream.indirect_vreg.gather [hbm4b:s30+s2], $0x80, v2, vm0, $0xb8;
	[tilespmem:$0x10400] =	vst v63  }
0x53: {  	s16 =	simm.s32 $0xC400  }
0x54: {  	[tilespmem:s16], [sflag:$0x2] =	stream.indirect_vreg.gather [hbm4b:s31+s2], $0x80, v2, vm0, $0xb8;
	[tilespmem:$0x10400] =	vst v63  }
0x55: {  	s16 =	simm.s32 $0xCC00  }
0x56: {  	[tilespmem:s16], [sflag:$0x2] =	stream.indirect_vreg.gather [hbm4b:s1+s2], $0x80, v2, vm0, $0xb8;
	[tilespmem:$0x10400] =	vst v63  }
0x57: {  	s16 =	simm.s32 $0xD400  }
0x58: {  	[tilespmem:s16], [sflag:$0x2] =	stream.indirect_vreg.gather [hbm4b:s0+s2], $0x80, v2, vm0, $0xb8;
	[tilespmem:$0x10400] =	vst v63  }
0x59: {  	s16 =	simm.s32 $0xDC00  }
0x5a: {  	[tilespmem:s16], [sflag:$0x2] =	stream.indirect_vreg.gather [hbm4b:s5+s2], $0x80, v2, vm0, $0xb8;
	[tilespmem:$0x10400] =	vst v63  }
0x5b: {  	s16 =	simm.s32 $0xE400  }
0x5c: {  	[tilespmem:s16], [sflag:$0x2] =	stream.indirect_vreg.gather [hbm4b:s8+s2], $0x80, v2, vm0, $0xb8;
	[tilespmem:$0x10400] =	vst v63  }
0x5d: {  	s16 =	simm.s32 $0xEC00  }
0x5e: {  	[tilespmem:s16], [sflag:$0x2] =	stream.indirect_vreg.gather [hbm4b:s10+s2], $0x80, v2, vm0, $0xb8;
	[tilespmem:$0x10400] =	vst v63  }
0x5f: {  	s16 =	simm.s32 $0xF400  }
0x60: {  	[tilespmem:s16], [sflag:$0x2] =	stream.indirect_vreg.gather [hbm4b:s12+s2], $0x80, v2, vm0, $0xb8;
	[tilespmem:$0x10400] =	vst v63  }
0x61: {  	s16 =	simm.s32 $0xFC00  }
0x62: {  	[tilespmem:s16], [sflag:$0x2] =	stream.indirect_vreg.gather [hbm4b:s14+s2], $0x80, v2, vm0, $0xb8;
	[tilespmem:$0x10400] =	vst v63  }
0x63: {  	_ =	swait.ge [sflag:s23], $0x8000  }
0x64: {  	[sflag:s23] =	ssyncset.done $0x0  }
0x65: {  	s16 =	rddreg [dreg:$0x4];
	[sflag:s23] =	ssyncadd.s32 $0xFFFF8000  }
0x66: {  	[hbm4b:s16+s24] =	stream.strided.scatter [tilespmem:s6], [sflag:$0x3], $0x8000, s6, s24, $0x38;
	[tilespmem:$0x10400] =	vst v63  }
0x67: {  	_ =	swait.ge [sflag:s25], $0x8000  }
0x68: {  	[sflag:s25] =	ssyncset.done $0x0  }
0x69: {  	[sflag:s25] =	ssyncadd.s32 $0xFFFF8000  }
0x6a: {  	v2 =	vld.msk [tilespmem:$0x100], $0xf;
	_ =	sdelay $0x4  }
0x6b: {  	v3 =	vshll.u32 v2, $0x7  }
0x6c: {  	v2 =	vand.u32 $0x7, v2;
	v3 =	vand.u32 $0xFFFFFC00, v3  }
0x6d: {  	v2 =	vor.u32 v2, v3  }
0x6e: {  	v2 =	vperm.xlane v2, v0;
	_ =	sdelay $0x1  }
0x6f: {  	v2 =	vadd.s32 v1, v2;
	_ =	sdelay $0x4  }
0x70: {  	[tilespmem:s6], [sflag:$0x1] =	stream.indirect_vreg.gather [hbm4b:s3+s2], $0x80, v2, vm0, $0xb8;
	[tilespmem:$0x10400] =	vst v63  }
0x71: {  	s16 =	simm.s32 $0xC00  }
0x72: {  	[tilespmem:s16], [sflag:$0x1] =	stream.indirect_vreg.gather [hbm4b:s7+s2], $0x80, v2, vm0, $0xb8;
	[tilespmem:$0x10400] =	vst v63  }
0x73: {  	s16 =	simm.s32 $0x1400  }
0x74: {  	[tilespmem:s16], [sflag:$0x1] =	stream.indirect_vreg.gather [hbm4b:s9+s2], $0x80, v2, vm0, $0xb8;
	[tilespmem:$0x10400] =	vst v63  }
0x75: {  	s16 =	simm.s32 $0x1C00  }
0x76: {  	[tilespmem:s16], [sflag:$0x1] =	stream.indirect_vreg.gather [hbm4b:s11+s2], $0x80, v2, vm0, $0xb8;
	[tilespmem:$0x10400] =	vst v63  }
0x77: {  	s16 =	simm.s32 $0x2400  }
0x78: {  	[tilespmem:s16], [sflag:$0x1] =	stream.indirect_vreg.gather [hbm4b:s13+s2], $0x80, v2, vm0, $0xb8;
	[tilespmem:$0x10400] =	vst v63  }
0x79: {  	s16 =	simm.s32 $0x2C00  }
0x7a: {  	[tilespmem:s16], [sflag:$0x1] =	stream.indirect_vreg.gather [hbm4b:s15+s2], $0x80, v2, vm0, $0xb8;
	[tilespmem:$0x10400] =	vst v63  }
0x7b: {  	s16 =	simm.s32 $0x3400  }
0x7c: {  	[tilespmem:s16], [sflag:$0x1] =	stream.indirect_vreg.gather [hbm4b:s17+s2], $0x80, v2, vm0, $0xb8;
	[tilespmem:$0x10400] =	vst v63  }
0x7d: {  	s16 =	simm.s32 $0x3C00  }
0x7e: {  	[tilespmem:s16], [sflag:$0x1] =	stream.indirect_vreg.gather [hbm4b:s30+s2], $0x80, v2, vm0, $0xb8;
	[tilespmem:$0x10400] =	vst v63  }
0x7f: {  	s16 =	simm.s32 $0x4400  }
0x80: {  	[tilespmem:s16], [sflag:$0x1] =	stream.indirect_vreg.gather [hbm4b:s31+s2], $0x80, v2, vm0, $0xb8;
	[tilespmem:$0x10400] =	vst v63  }
0x81: {  	s16 =	simm.s32 $0x4C00  }
0x82: {  	[tilespmem:s16], [sflag:$0x1] =	stream.indirect_vreg.gather [hbm4b:s1+s2], $0x80, v2, vm0, $0xb8;
	[tilespmem:$0x10400] =	vst v63  }
0x83: {  	s16 =	simm.s32 $0x5400  }
0x84: {  	[tilespmem:s16], [sflag:$0x1] =	stream.indirect_vreg.gather [hbm4b:s0+s2], $0x80, v2, vm0, $0xb8;
	[tilespmem:$0x10400] =	vst v63  }
0x85: {  	_ = 	snop  }
0x86: {  	[tilespmem:s22], [sflag:$0x1] =	stream.indirect_vreg.gather [hbm4b:s5+s2], $0x80, v2, vm0, $0xb8;
	[tilespmem:$0x10400] =	vst v63  }
0x87: {  	_ = 	snop  }
0x88: {  	[tilespmem:s21], [sflag:$0x1] =	stream.indirect_vreg.gather [hbm4b:s8+s2], $0x80, v2, vm0, $0xb8;
	[tilespmem:$0x10400] =	vst v63  }
0x89: {  	_ = 	snop  }
0x8a: {  	[tilespmem:s20], [sflag:$0x1] =	stream.indirect_vreg.gather [hbm4b:s10+s2], $0x80, v2, vm0, $0xb8;
	[tilespmem:$0x10400] =	vst v63  }
0x8b: {  	_ = 	snop  }
0x8c: {  	[tilespmem:s19], [sflag:$0x1] =	stream.indirect_vreg.gather [hbm4b:s12+s2], $0x80, v2, vm0, $0xb8;
	[tilespmem:$0x10400] =	vst v63  }
0x8d: {  	_ = 	snop  }
0x8e: {  	[tilespmem:s18], [sflag:$0x1] =	stream.indirect_vreg.gather [hbm4b:s14+s2], $0x80, v2, vm0, $0xb8;
	[tilespmem:$0x10400] =	vst v63  }
0x8f: {  	_ =	swait.ge [sflag:s26], $0x8000  }
0x90: {  	[sflag:s26] =	ssyncset.done $0x0  }
0x91: {  	s16 =	rddreg [dreg:$0x5];
	[sflag:s26] =	ssyncadd.s32 $0xFFFF8000  }
0x92: {  	[hbm4b:s16+s24] =	stream.strided.scatter [tilespmem:s29], [sflag:$0x4], $0x8000, s6, s24, $0x38;
	[tilespmem:$0x10400] =	vst v63  }
0x93: {  	_ =	swait.ge [sflag:s28], $0x8000  }
0x94: {  	[sflag:s28] =	ssyncset.done $0x0  }
0x95: {  	[sflag:s28] =	ssyncadd.s32 $0xFFFF8000  }
0x96: {  	v2 =	vld.msk [tilespmem:$0x180], $0xf;
	_ =	sdelay $0x4  }
0x97: {  	v3 =	vshll.u32 v2, $0x7  }
0x98: {  	v2 =	vand.u32 $0x7, v2;
	v3 =	vand.u32 $0xFFFFFC00, v3  }
0x99: {  	v2 =	vor.u32 v2, v3  }
0x9a: {  	v2 =	vperm.xlane v2, v0;
	_ =	sdelay $0x1  }
0x9b: {  	v2 =	vadd.s32 v1, v2;
	_ =	sdelay $0x4  }
0x9c: {  	[tilespmem:s29], [sflag:$0x2] =	stream.indirect_vreg.gather [hbm4b:s3+s2], $0x80, v2, vm0, $0xb8;
	[tilespmem:$0x10400] =	vst v63  }
0x9d: {  	s16 =	simm.s32 $0x8C00  }
0x9e: {  	[tilespmem:s16], [sflag:$0x2] =	stream.indirect_vreg.gather [hbm4b:s7+s2], $0x80, v2, vm0, $0xb8;
	[tilespmem:$0x10400] =	vst v63  }
0x9f: {  	s16 =	simm.s32 $0x9400  }
0xa0: {  	[tilespmem:s16], [sflag:$0x2] =	stream.indirect_vreg.gather [hbm4b:s9+s2], $0x80, v2, vm0, $0xb8;
	[tilespmem:$0x10400] =	vst v63  }
0xa1: {  	s16 =	simm.s32 $0x9C00  }
0xa2: {  	[tilespmem:s16], [sflag:$0x2] =	stream.indirect_vreg.gather [hbm4b:s11+s2], $0x80, v2, vm0, $0xb8;
	[tilespmem:$0x10400] =	vst v63  }
0xa3: {  	s16 =	simm.s32 $0xA400  }
0xa4: {  	[tilespmem:s16], [sflag:$0x2] =	stream.indirect_vreg.gather [hbm4b:s13+s2], $0x80, v2, vm0, $0xb8;
	[tilespmem:$0x10400] =	vst v63  }
0xa5: {  	s16 =	simm.s32 $0xAC00  }
0xa6: {  	[tilespmem:s16], [sflag:$0x2] =	stream.indirect_vreg.gather [hbm4b:s15+s2], $0x80, v2, vm0, $0xb8;
	[tilespmem:$0x10400] =	vst v63  }
0xa7: {  	s16 =	simm.s32 $0xB400  }
0xa8: {  	[tilespmem:s16], [sflag:$0x2] =	stream.indirect_vreg.gather [hbm4b:s17+s2], $0x80, v2, vm0, $0xb8;
	[tilespmem:$0x10400] =	vst v63  }
0xa9: {  	s16 =	simm.s32 $0xBC00  }
0xaa: {  	[tilespmem:s16], [sflag:$0x2] =	stream.indirect_vreg.gather [hbm4b:s30+s2], $0x80, v2, vm0, $0xb8;
	[tilespmem:$0x10400] =	vst v63  }
0xab: {  	s16 =	simm.s32 $0xC400  }
0xac: {  	[tilespmem:s16], [sflag:$0x2] =	stream.indirect_vreg.gather [hbm4b:s31+s2], $0x80, v2, vm0, $0xb8;
	[tilespmem:$0x10400] =	vst v63  }
0xad: {  	s16 =	simm.s32 $0xCC00  }
0xae: {  	[tilespmem:s16], [sflag:$0x2] =	stream.indirect_vreg.gather [hbm4b:s1+s2], $0x80, v2, vm0, $0xb8;
	[tilespmem:$0x10400] =	vst v63  }
0xaf: {  	s16 =	simm.s32 $0xD400  }
0xb0: {  	[tilespmem:s16], [sflag:$0x2] =	stream.indirect_vreg.gather [hbm4b:s0+s2], $0x80, v2, vm0, $0xb8;
	[tilespmem:$0x10400] =	vst v63  }
0xb1: {  	s16 =	simm.s32 $0xDC00  }
0xb2: {  	[tilespmem:s16], [sflag:$0x2] =	stream.indirect_vreg.gather [hbm4b:s5+s2], $0x80, v2, vm0, $0xb8;
	[tilespmem:$0x10400] =	vst v63  }
0xb3: {  	s16 =	simm.s32 $0xE400  }
0xb4: {  	[tilespmem:s16], [sflag:$0x2] =	stream.indirect_vreg.gather [hbm4b:s8+s2], $0x80, v2, vm0, $0xb8;
	[tilespmem:$0x10400] =	vst v63  }
0xb5: {  	s16 =	simm.s32 $0xEC00  }
0xb6: {  	[tilespmem:s16], [sflag:$0x2] =	stream.indirect_vreg.gather [hbm4b:s10+s2], $0x80, v2, vm0, $0xb8;
	[tilespmem:$0x10400] =	vst v63  }
0xb7: {  	s16 =	simm.s32 $0xF400  }
0xb8: {  	[tilespmem:s16], [sflag:$0x2] =	stream.indirect_vreg.gather [hbm4b:s12+s2], $0x80, v2, vm0, $0xb8;
	[tilespmem:$0x10400] =	vst v63  }
0xb9: {  	s16 =	simm.s32 $0xFC00  }
0xba: {  	[tilespmem:s16], [sflag:$0x2] =	stream.indirect_vreg.gather [hbm4b:s14+s2], $0x80, v2, vm0, $0xb8;
	[tilespmem:$0x10400] =	vst v63  }
0xbb: {  	_ =	swait.ge [sflag:s23], $0x8000  }
0xbc: {  	[sflag:s23] =	ssyncset.done $0x0  }
0xbd: {  	s16 =	rddreg [dreg:$0x6];
	[sflag:s23] =	ssyncadd.s32 $0xFFFF8000  }
0xbe: {  	[hbm4b:s16+s24] =	stream.strided.scatter [tilespmem:s6], [sflag:$0x3], $0x8000, s6, s24, $0x38;
	[tilespmem:$0x10400] =	vst v63  }
0xbf: {  	_ =	swait.ge [sflag:s25], $0x8000  }
0xc0: {  	[sflag:s25] =	ssyncset.done $0x0  }
0xc1: {  	[sflag:s25] =	ssyncadd.s32 $0xFFFF8000  }
0xc2: {  	v2 =	vld.msk [tilespmem:$0x200], $0xf;
	_ =	sdelay $0x4  }
0xc3: {  	v3 =	vshll.u32 v2, $0x7  }
0xc4: {  	v2 =	vand.u32 $0x7, v2;
	v3 =	vand.u32 $0xFFFFFC00, v3  }
0xc5: {  	v2 =	vor.u32 v2, v3  }
0xc6: {  	v2 =	vperm.xlane v2, v0;
	_ =	sdelay $0x1  }
0xc7: {  	v2 =	vadd.s32 v1, v2;
	_ =	sdelay $0x4  }
0xc8: {  	[tilespmem:s6], [sflag:$0x1] =	stream.indirect_vreg.gather [hbm4b:s3+s2], $0x80, v2, vm0, $0xb8;
	[tilespmem:$0x10400] =	vst v63  }
0xc9: {  	s16 =	simm.s32 $0xC00  }
0xca: {  	[tilespmem:s16], [sflag:$0x1] =	stream.indirect_vreg.gather [hbm4b:s7+s2], $0x80, v2, vm0, $0xb8;
	[tilespmem:$0x10400] =	vst v63  }
0xcb: {  	s16 =	simm.s32 $0x1400  }
0xcc: {  	[tilespmem:s16], [sflag:$0x1] =	stream.indirect_vreg.gather [hbm4b:s9+s2], $0x80, v2, vm0, $0xb8;
	[tilespmem:$0x10400] =	vst v63  }
0xcd: {  	s16 =	simm.s32 $0x1C00  }
0xce: {  	[tilespmem:s16], [sflag:$0x1] =	stream.indirect_vreg.gather [hbm4b:s11+s2], $0x80, v2, vm0, $0xb8;
	[tilespmem:$0x10400] =	vst v63  }
0xcf: {  	s16 =	simm.s32 $0x2400  }
0xd0: {  	[tilespmem:s16], [sflag:$0x1] =	stream.indirect_vreg.gather [hbm4b:s13+s2], $0x80, v2, vm0, $0xb8;
	[tilespmem:$0x10400] =	vst v63  }
0xd1: {  	s16 =	simm.s32 $0x2C00  }
0xd2: {  	[tilespmem:s16], [sflag:$0x1] =	stream.indirect_vreg.gather [hbm4b:s15+s2], $0x80, v2, vm0, $0xb8;
	[tilespmem:$0x10400] =	vst v63  }
0xd3: {  	s16 =	simm.s32 $0x3400  }
0xd4: {  	[tilespmem:s16], [sflag:$0x1] =	stream.indirect_vreg.gather [hbm4b:s17+s2], $0x80, v2, vm0, $0xb8;
	[tilespmem:$0x10400] =	vst v63  }
0xd5: {  	s16 =	simm.s32 $0x3C00  }
0xd6: {  	[tilespmem:s16], [sflag:$0x1] =	stream.indirect_vreg.gather [hbm4b:s30+s2], $0x80, v2, vm0, $0xb8;
	[tilespmem:$0x10400] =	vst v63  }
0xd7: {  	s16 =	simm.s32 $0x4400  }
0xd8: {  	[tilespmem:s16], [sflag:$0x1] =	stream.indirect_vreg.gather [hbm4b:s31+s2], $0x80, v2, vm0, $0xb8;
	[tilespmem:$0x10400] =	vst v63  }
0xd9: {  	s16 =	simm.s32 $0x4C00  }
0xda: {  	[tilespmem:s16], [sflag:$0x1] =	stream.indirect_vreg.gather [hbm4b:s1+s2], $0x80, v2, vm0, $0xb8;
	[tilespmem:$0x10400] =	vst v63  }
0xdb: {  	s16 =	simm.s32 $0x5400  }
0xdc: {  	[tilespmem:s16], [sflag:$0x1] =	stream.indirect_vreg.gather [hbm4b:s0+s2], $0x80, v2, vm0, $0xb8;
	[tilespmem:$0x10400] =	vst v63  }
0xdd: {  	_ = 	snop  }
0xde: {  	[tilespmem:s22], [sflag:$0x1] =	stream.indirect_vreg.gather [hbm4b:s5+s2], $0x80, v2, vm0, $0xb8;
	[tilespmem:$0x10400] =	vst v63  }
0xdf: {  	_ = 	snop  }
0xe0: {  	[tilespmem:s21], [sflag:$0x1] =	stream.indirect_vreg.gather [hbm4b:s8+s2], $0x80, v2, vm0, $0xb8;
	[tilespmem:$0x10400] =	vst v63  }
0xe1: {  	_ = 	snop  }
0xe2: {  	[tilespmem:s20], [sflag:$0x1] =	stream.indirect_vreg.gather [hbm4b:s10+s2], $0x80, v2, vm0, $0xb8;
	[tilespmem:$0x10400] =	vst v63  }
0xe3: {  	_ = 	snop  }
0xe4: {  	[tilespmem:s19], [sflag:$0x1] =	stream.indirect_vreg.gather [hbm4b:s12+s2], $0x80, v2, vm0, $0xb8;
	[tilespmem:$0x10400] =	vst v63  }
0xe5: {  	_ = 	snop  }
0xe6: {  	[tilespmem:s18], [sflag:$0x1] =	stream.indirect_vreg.gather [hbm4b:s14+s2], $0x80, v2, vm0, $0xb8;
	[tilespmem:$0x10400] =	vst v63  }
0xe7: {  	_ =	swait.ge [sflag:s26], $0x8000  }
0xe8: {  	[sflag:s26] =	ssyncset.done $0x0  }
0xe9: {  	s16 =	rddreg [dreg:$0x7];
	[sflag:s26] =	ssyncadd.s32 $0xFFFF8000  }
0xea: {  	[hbm4b:s16+s24] =	stream.strided.scatter [tilespmem:s29], [sflag:$0x4], $0x8000, s6, s24, $0x38;
	[tilespmem:$0x10400] =	vst v63  }
0xeb: {  	_ =	swait.ge [sflag:s28], $0x8000  }
0xec: {  	[sflag:s28] =	ssyncset.done $0x0  }
0xed: {  	[sflag:s28] =	ssyncadd.s32 $0xFFFF8000  }
0xee: {  	v2 =	vld.msk [tilespmem:$0x280], $0xf;
	_ =	sdelay $0x4  }
0xef: {  	v3 =	vshll.u32 v2, $0x7  }
0xf0: {  	v2 =	vand.u32 $0x7, v2;
	v3 =	vand.u32 $0xFFFFFC00, v3  }
0xf1: {  	v2 =	vor.u32 v2, v3  }
0xf2: {  	v2 =	vperm.xlane v2, v0;
	_ =	sdelay $0x1  }
0xf3: {  	v2 =	vadd.s32 v1, v2;
	_ =	sdelay $0x4  }
0xf4: {  	[tilespmem:s29], [sflag:$0x2] =	stream.indirect_vreg.gather [hbm4b:s3+s2], $0x80, v2, vm0, $0xb8;
	[tilespmem:$0x10400] =	vst v63  }
0xf5: {  	s16 =	simm.s32 $0x8C00  }
0xf6: {  	[tilespmem:s16], [sflag:$0x2] =	stream.indirect_vreg.gather [hbm4b:s7+s2], $0x80, v2, vm0, $0xb8;
	[tilespmem:$0x10400] =	vst v63  }
0xf7: {  	s16 =	simm.s32 $0x9400  }
0xf8: {  	[tilespmem:s16], [sflag:$0x2] =	stream.indirect_vreg.gather [hbm4b:s9+s2], $0x80, v2, vm0, $0xb8;
	[tilespmem:$0x10400] =	vst v63  }
0xf9: {  	s16 =	simm.s32 $0x9C00  }
0xfa: {  	[tilespmem:s16], [sflag:$0x2] =	stream.indirect_vreg.gather [hbm4b:s11+s2], $0x80, v2, vm0, $0xb8;
	[tilespmem:$0x10400] =	vst v63  }
0xfb: {  	s16 =	simm.s32 $0xA400  }
0xfc: {  	[tilespmem:s16], [sflag:$0x2] =	stream.indirect_vreg.gather [hbm4b:s13+s2], $0x80, v2, vm0, $0xb8;
	[tilespmem:$0x10400] =	vst v63  }
0xfd: {  	s16 =	simm.s32 $0xAC00  }
0xfe: {  	[tilespmem:s16], [sflag:$0x2] =	stream.indirect_vreg.gather [hbm4b:s15+s2], $0x80, v2, vm0, $0xb8;
	[tilespmem:$0x10400] =	vst v63  }
0xff: {  	s16 =	simm.s32 $0xB400  }
0x100: {  	[tilespmem:s16], [sflag:$0x2] =	stream.indirect_vreg.gather [hbm4b:s17+s2], $0x80, v2, vm0, $0xb8;
	[tilespmem:$0x10400] =	vst v63  }
0x101: {  	s16 =	simm.s32 $0xBC00  }
0x102: {  	[tilespmem:s16], [sflag:$0x2] =	stream.indirect_vreg.gather [hbm4b:s30+s2], $0x80, v2, vm0, $0xb8;
	[tilespmem:$0x10400] =	vst v63  }
0x103: {  	s16 =	simm.s32 $0xC400  }
0x104: {  	[tilespmem:s16], [sflag:$0x2] =	stream.indirect_vreg.gather [hbm4b:s31+s2], $0x80, v2, vm0, $0xb8;
	[tilespmem:$0x10400] =	vst v63  }
0x105: {  	s16 =	simm.s32 $0xCC00  }
0x106: {  	[tilespmem:s16], [sflag:$0x2] =	stream.indirect_vreg.gather [hbm4b:s1+s2], $0x80, v2, vm0, $0xb8;
	[tilespmem:$0x10400] =	vst v63  }
0x107: {  	s16 =	simm.s32 $0xD400  }
0x108: {  	[tilespmem:s16], [sflag:$0x2] =	stream.indirect_vreg.gather [hbm4b:s0+s2], $0x80, v2, vm0, $0xb8;
	[tilespmem:$0x10400] =	vst v63  }
0x109: {  	s16 =	simm.s32 $0xDC00  }
0x10a: {  	[tilespmem:s16], [sflag:$0x2] =	stream.indirect_vreg.gather [hbm4b:s5+s2], $0x80, v2, vm0, $0xb8;
	[tilespmem:$0x10400] =	vst v63  }
0x10b: {  	s16 =	simm.s32 $0xE400  }
0x10c: {  	[tilespmem:s16], [sflag:$0x2] =	stream.indirect_vreg.gather [hbm4b:s8+s2], $0x80, v2, vm0, $0xb8;
	[tilespmem:$0x10400] =	vst v63  }
0x10d: {  	s16 =	simm.s32 $0xEC00  }
0x10e: {  	[tilespmem:s16], [sflag:$0x2] =	stream.indirect_vreg.gather [hbm4b:s10+s2], $0x80, v2, vm0, $0xb8;
	[tilespmem:$0x10400] =	vst v63  }
0x10f: {  	s16 =	simm.s32 $0xF400  }
0x110: {  	[tilespmem:s16], [sflag:$0x2] =	stream.indirect_vreg.gather [hbm4b:s12+s2], $0x80, v2, vm0, $0xb8;
	[tilespmem:$0x10400] =	vst v63  }
0x111: {  	s16 =	simm.s32 $0xFC00  }
0x112: {  	[tilespmem:s16], [sflag:$0x2] =	stream.indirect_vreg.gather [hbm4b:s14+s2], $0x80, v2, vm0, $0xb8;
	[tilespmem:$0x10400] =	vst v63  }
0x113: {  	_ =	swait.ge [sflag:s23], $0x8000  }
0x114: {  	[sflag:s23] =	ssyncset.done $0x0  }
0x115: {  	s16 =	rddreg [dreg:$0x8];
	[sflag:s23] =	ssyncadd.s32 $0xFFFF8000  }
0x116: {  	[hbm4b:s16+s24] =	stream.strided.scatter [tilespmem:s6], [sflag:$0x3], $0x8000, s6, s24, $0x38;
	[tilespmem:$0x10400] =	vst v63  }
0x117: {  	_ =	swait.ge [sflag:s25], $0x8000  }
0x118: {  	[sflag:s25] =	ssyncset.done $0x0  }
0x119: {  	[sflag:s25] =	ssyncadd.s32 $0xFFFF8000  }
0x11a: {  	v2 =	vld.msk [tilespmem:$0x300], $0xf;
	_ =	sdelay $0x4  }
0x11b: {  	v3 =	vshll.u32 v2, $0x7  }
0x11c: {  	v2 =	vand.u32 $0x7, v2;
	v3 =	vand.u32 $0xFFFFFC00, v3  }
0x11d: {  	v2 =	vor.u32 v2, v3  }
0x11e: {  	v2 =	vperm.xlane v2, v0;
	_ =	sdelay $0x1  }
0x11f: {  	v2 =	vadd.s32 v1, v2;
	_ =	sdelay $0x4  }
0x120: {  	[tilespmem:s6], [sflag:$0x1] =	stream.indirect_vreg.gather [hbm4b:s3+s2], $0x80, v2, vm0, $0xb8;
	[tilespmem:$0x10400] =	vst v63  }
0x121: {  	s16 =	simm.s32 $0xC00  }
0x122: {  	[tilespmem:s16], [sflag:$0x1] =	stream.indirect_vreg.gather [hbm4b:s7+s2], $0x80, v2, vm0, $0xb8;
	[tilespmem:$0x10400] =	vst v63  }
0x123: {  	s16 =	simm.s32 $0x1400  }
0x124: {  	[tilespmem:s16], [sflag:$0x1] =	stream.indirect_vreg.gather [hbm4b:s9+s2], $0x80, v2, vm0, $0xb8;
	[tilespmem:$0x10400] =	vst v63  }
0x125: {  	s16 =	simm.s32 $0x1C00  }
0x126: {  	[tilespmem:s16], [sflag:$0x1] =	stream.indirect_vreg.gather [hbm4b:s11+s2], $0x80, v2, vm0, $0xb8;
	[tilespmem:$0x10400] =	vst v63  }
0x127: {  	s16 =	simm.s32 $0x2400  }
0x128: {  	[tilespmem:s16], [sflag:$0x1] =	stream.indirect_vreg.gather [hbm4b:s13+s2], $0x80, v2, vm0, $0xb8;
	[tilespmem:$0x10400] =	vst v63  }
0x129: {  	s16 =	simm.s32 $0x2C00  }
0x12a: {  	[tilespmem:s16], [sflag:$0x1] =	stream.indirect_vreg.gather [hbm4b:s15+s2], $0x80, v2, vm0, $0xb8;
	[tilespmem:$0x10400] =	vst v63  }
0x12b: {  	s16 =	simm.s32 $0x3400  }
0x12c: {  	[tilespmem:s16], [sflag:$0x1] =	stream.indirect_vreg.gather [hbm4b:s17+s2], $0x80, v2, vm0, $0xb8;
	[tilespmem:$0x10400] =	vst v63  }
0x12d: {  	s16 =	simm.s32 $0x3C00  }
0x12e: {  	[tilespmem:s16], [sflag:$0x1] =	stream.indirect_vreg.gather [hbm4b:s30+s2], $0x80, v2, vm0, $0xb8;
	[tilespmem:$0x10400] =	vst v63  }
0x12f: {  	s16 =	simm.s32 $0x4400  }
0x130: {  	[tilespmem:s16], [sflag:$0x1] =	stream.indirect_vreg.gather [hbm4b:s31+s2], $0x80, v2, vm0, $0xb8;
	[tilespmem:$0x10400] =	vst v63  }
0x131: {  	s16 =	simm.s32 $0x4C00  }
0x132: {  	[tilespmem:s16], [sflag:$0x1] =	stream.indirect_vreg.gather [hbm4b:s1+s2], $0x80, v2, vm0, $0xb8;
	[tilespmem:$0x10400] =	vst v63  }
0x133: {  	s16 =	simm.s32 $0x5400  }
0x134: {  	[tilespmem:s16], [sflag:$0x1] =	stream.indirect_vreg.gather [hbm4b:s0+s2], $0x80, v2, vm0, $0xb8;
	[tilespmem:$0x10400] =	vst v63  }
0x135: {  	_ = 	snop  }
0x136: {  	[tilespmem:s22], [sflag:$0x1] =	stream.indirect_vreg.gather [hbm4b:s5+s2], $0x80, v2, vm0, $0xb8;
	[tilespmem:$0x10400] =	vst v63  }
0x137: {  	_ = 	snop  }
0x138: {  	[tilespmem:s21], [sflag:$0x1] =	stream.indirect_vreg.gather [hbm4b:s8+s2], $0x80, v2, vm0, $0xb8;
	[tilespmem:$0x10400] =	vst v63  }
0x139: {  	_ = 	snop  }
0x13a: {  	[tilespmem:s20], [sflag:$0x1] =	stream.indirect_vreg.gather [hbm4b:s10+s2], $0x80, v2, vm0, $0xb8;
	[tilespmem:$0x10400] =	vst v63  }
0x13b: {  	_ = 	snop  }
0x13c: {  	[tilespmem:s19], [sflag:$0x1] =	stream.indirect_vreg.gather [hbm4b:s12+s2], $0x80, v2, vm0, $0xb8;
	[tilespmem:$0x10400] =	vst v63  }
0x13d: {  	_ = 	snop  }
0x13e: {  	[tilespmem:s18], [sflag:$0x1] =	stream.indirect_vreg.gather [hbm4b:s14+s2], $0x80, v2, vm0, $0xb8;
	[tilespmem:$0x10400] =	vst v63  }
0x13f: {  	_ =	swait.ge [sflag:s26], $0x8000  }
0x140: {  	[sflag:s26] =	ssyncset.done $0x0  }
0x141: {  	s16 =	rddreg [dreg:$0x9];
	[sflag:s26] =	ssyncadd.s32 $0xFFFF8000  }
0x142: {  	[hbm4b:s16+s24] =	stream.strided.scatter [tilespmem:s29], [sflag:$0x4], $0x8000, s6, s24, $0x38;
	[tilespmem:$0x10400] =	vst v63  }
0x143: {  	_ =	swait.ge [sflag:s28], $0x8000  }
0x144: {  	[sflag:s28] =	ssyncset.done $0x0  }
0x145: {  	[sflag:s28] =	ssyncadd.s32 $0xFFFF8000  }
0x146: {  	v2 =	vld.msk [tilespmem:$0x380], $0xf;
	_ =	sdelay $0x4  }
0x147: {  	v3 =	vshll.u32 v2, $0x7  }
0x148: {  	v2 =	vand.u32 $0x7, v2;
	v3 =	vand.u32 $0xFFFFFC00, v3  }
0x149: {  	v2 =	vor.u32 v2, v3  }
0x14a: {  	v2 =	vperm.xlane v2, v0;
	_ =	sdelay $0x1  }
0x14b: {  	v2 =	vadd.s32 v1, v2;
	_ =	sdelay $0x4  }
0x14c: {  	[tilespmem:s29], [sflag:$0x2] =	stream.indirect_vreg.gather [hbm4b:s3+s2], $0x80, v2, vm0, $0xb8;
	[tilespmem:$0x10400] =	vst v63  }
0x14d: {  	s16 =	simm.s32 $0x8C00  }
0x14e: {  	[tilespmem:s16], [sflag:$0x2] =	stream.indirect_vreg.gather [hbm4b:s7+s2], $0x80, v2, vm0, $0xb8;
	[tilespmem:$0x10400] =	vst v63  }
0x14f: {  	s16 =	simm.s32 $0x9400  }
0x150: {  	[tilespmem:s16], [sflag:$0x2] =	stream.indirect_vreg.gather [hbm4b:s9+s2], $0x80, v2, vm0, $0xb8;
	[tilespmem:$0x10400] =	vst v63  }
0x151: {  	s16 =	simm.s32 $0x9C00  }
0x152: {  	[tilespmem:s16], [sflag:$0x2] =	stream.indirect_vreg.gather [hbm4b:s11+s2], $0x80, v2, vm0, $0xb8;
	[tilespmem:$0x10400] =	vst v63  }
0x153: {  	s16 =	simm.s32 $0xA400  }
0x154: {  	[tilespmem:s16], [sflag:$0x2] =	stream.indirect_vreg.gather [hbm4b:s13+s2], $0x80, v2, vm0, $0xb8;
	[tilespmem:$0x10400] =	vst v63  }
0x155: {  	s16 =	simm.s32 $0xAC00  }
0x156: {  	[tilespmem:s16], [sflag:$0x2] =	stream.indirect_vreg.gather [hbm4b:s15+s2], $0x80, v2, vm0, $0xb8;
	[tilespmem:$0x10400] =	vst v63  }
0x157: {  	s16 =	simm.s32 $0xB400  }
0x158: {  	[tilespmem:s16], [sflag:$0x2] =	stream.indirect_vreg.gather [hbm4b:s17+s2], $0x80, v2, vm0, $0xb8;
	[tilespmem:$0x10400] =	vst v63  }
0x159: {  	s16 =	simm.s32 $0xBC00  }
0x15a: {  	[tilespmem:s16], [sflag:$0x2] =	stream.indirect_vreg.gather [hbm4b:s30+s2], $0x80, v2, vm0, $0xb8;
	[tilespmem:$0x10400] =	vst v63  }
0x15b: {  	s30 =	simm.s32 $0xC400  }
0x15c: {  	[tilespmem:s30], [sflag:$0x2] =	stream.indirect_vreg.gather [hbm4b:s31+s2], $0x80, v2, vm0, $0xb8;
	[tilespmem:$0x10400] =	vst v63  }
0x15d: {  	s30 =	simm.s32 $0xCC00  }
0x15e: {  	[tilespmem:s30], [sflag:$0x2] =	stream.indirect_vreg.gather [hbm4b:s1+s2], $0x80, v2, vm0, $0xb8;
	[tilespmem:$0x10400] =	vst v63  }
0x15f: {  	s31 =	simm.s32 $0xD400  }
0x160: {  	[tilespmem:s31], [sflag:$0x2] =	stream.indirect_vreg.gather [hbm4b:s0+s2], $0x80, v2, vm0, $0xb8;
	[tilespmem:$0x10400] =	vst v63  }
0x161: {  	s1 =	simm.s32 $0xDC00  }
0x162: {  	[tilespmem:s1], [sflag:$0x2] =	stream.indirect_vreg.gather [hbm4b:s5+s2], $0x80, v2, vm0, $0xb8;
	[tilespmem:$0x10400] =	vst v63  }
0x163: {  	s5 =	simm.s32 $0xE400  }
0x164: {  	[tilespmem:s5], [sflag:$0x2] =	stream.indirect_vreg.gather [hbm4b:s8+s2], $0x80, v2, vm0, $0xb8;
	[tilespmem:$0x10400] =	vst v63  }
0x165: {  	s8 =	simm.s32 $0xEC00  }
0x166: {  	[tilespmem:s8], [sflag:$0x2] =	stream.indirect_vreg.gather [hbm4b:s10+s2], $0x80, v2, vm0, $0xb8;
	[tilespmem:$0x10400] =	vst v63  }
0x167: {  	s10 =	simm.s32 $0xF400  }
0x168: {  	[tilespmem:s10], [sflag:$0x2] =	stream.indirect_vreg.gather [hbm4b:s12+s2], $0x80, v2, vm0, $0xb8;
	[tilespmem:$0x10400] =	vst v63  }
0x169: {  	s16 =	simm.s32 $0xFC00  }
0x16a: {  	[tilespmem:s16], [sflag:$0x2] =	stream.indirect_vreg.gather [hbm4b:s14+s2], $0x80, v2, vm0, $0xb8;
	[tilespmem:$0x10400] =	vst v63  }
0x16b: {  	_ =	swait.ge [sflag:s23], $0x8000  }
0x16c: {  	[sflag:s23] =	ssyncset.done $0x0  }
0x16d: {  	s30 =	rddreg [dreg:$0xa];
	[sflag:s23] =	ssyncadd.s32 $0xFFFF8000  }
0x16e: {  	[hbm4b:s30+s24] =	stream.strided.scatter [tilespmem:s6], [sflag:$0x3], $0x8000, s6, s24, $0x38;
	[tilespmem:$0x10400] =	vst v63  }
0x16f: {  	_ =	swait.ge [sflag:s26], $0x8000  }
0x170: {  	[sflag:s26] =	ssyncset.done $0x0  }
0x171: {  	s31 =	rddreg [dreg:$0xb];
	[sflag:s26] =	ssyncadd.s32 $0xFFFF8000  }
0x172: {  	[hbm4b:s31+s24] =	stream.strided.scatter [tilespmem:s29], [sflag:$0x4], $0x8000, s6, s24, $0x38;
	[tilespmem:$0x10400] =	vst v63  }
0x173: {  	p0 =	sne.s32 s4, $0x1;
	_ =	swait.ge [sflag:s25], $0x8000  }
.Ltmp0:
0x174: {  	[sflag:s25] =	ssyncset.done $0x0;
	(pc) =	sbr.rel @p0 .LBB2_1-.Ltmp0, $4  }
0x175: {  	[sflag:s25] =	ssyncadd.s32 $0xFFFF8000  }
0x176: {  	_ =	swait.ge [sflag:s28], $0x8000  }
0x177: {  	[sflag:s28] =	ssyncset.done $0x0  }
0x178: {  	s4 =	sadd.s32 $0xFFFFFFFF, s4;
	[sflag:s28] =	ssyncadd.s32 $0xFFFF8000  }
0x179: {  	_ =	sfence.sel $0x180000  }
0x17a: {  	[bflag:$0x0] =	sbarrier.arrive $0xFFFF  }
0x17b: {  	_ =	strace $0x9000004A  }
0x17c: {  	s0 =	stileid.u32;
	[bflag:$0x2] =	sbarrier.arrive $0xFFFF  }
0x17d: {  	p0 =	sne.s32 s0, $0x0;
	s0 =	rddreg [dreg:$0x2]  }
0x17e: {  	s0 =	sadd.s32 @!p0 $0x100000, s0  }
0x17f: {  	[sflag:s0] =	ssyncadd.tile.s32 @!p0 $0x1;
	_ =	shalt  }
.Lfunc_end2:
_tile_overlayer_lowered:
.L_overlay_start_2:
0x180: {  	(tag) =	ssettag $0x2  }
0x181: {  	s0 =	rddreg [dreg:$0x0];
	s2 =	stileid.u32  }
0x182: {  	s1 =	rddreg [dreg:$0x1];
	p0 =	sne.s32 s2, $0x0  }
0x183: {  	s3 =	rddreg [dreg:$0x2];
	[bflag:$0x3] =	sbarrier.arrive $0xFFFF;
	s2 =	simm.s32 @!p0 $0x1C05  }
0x184: {  	[timem:s3], [sflag:s2] =	dma.local @!p0 [hbm:s0], s1  }
0x185: {  	s0 =	simm.s32 @!p0 $0x5  }
0x186: {  	_ =	swait.ge @!p0 [sflag:s0], s1  }
0x187: {  	s1 =	ssub.s32 @!p0 $0x0, s1;
	[sflag:s0] =	ssyncset.done @!p0 $0x0  }
0x188: {  	[sflag:s0] =	ssyncadd.s32 @!p0 s1  }
0x189: {  	[bflag:$0x3] =	sbarrier.arrive $0xFFFF  }
0x18a: {  	_ =	shalt  }

</sc_bundles>
